<compile_context>
chip_gen: v7x
topology: tpu7x:2x2x1
jax: 0.10.2.dev20260603
libtpu: 0.0.44.dev20260713+nightly
codegen_flags: <defaults>
</compile_context>

<pallas_src>
import functools

import jax
import jax.numpy as jnp
from jax import lax
from jax.experimental import pallas as pl
from jax.experimental.pallas import tpu as pltpu
from jax.experimental.pallas import tpu_sc as plsc

_VOCAB_SIZE = 1000000
_MASK_TOKEN = -1
_PAD_TOKEN = -2
_LANES = 16
_NSUB = 8


def _build_lookup(T, D, C):
    info = plsc.get_sparse_core_info()
    NC, NS = info.num_cores, info.num_subcores
    NW = NC * NS
    per_w = T // NW
    n_chunks = per_w // C
    S = C // _NSUB
    mesh = plsc.VectorSubcoreMesh(core_axis_name="c", subcore_axis_name="s")

    @functools.partial(
        pl.kernel,
        mesh=mesh,
        compiler_params=pltpu.CompilerParams(use_tc_tiling_on_sc=False),
        out_type=jax.ShapeDtypeStruct((T, D), jnp.float32),
        scratch_types=[
            [pltpu.VMEM((C,), jnp.int32) for _ in range(2)],
            [pltpu.VMEM((C,), jnp.int32) for _ in range(2)],
            [pltpu.VMEM((C,), jnp.int32) for _ in range(2)],
            [pltpu.VMEM((C, D), jnp.float32) for _ in range(2)],
            [pltpu.SemaphoreType.DMA for _ in range(2)],
            [[pltpu.SemaphoreType.DMA for _ in range(_NSUB)]
             for _ in range(2)],
            [pltpu.SemaphoreType.DMA for _ in range(2)],
        ],
    )
    def lookup(x_hbm, m_hbm, table_hbm, out_hbm, idxs, msks, rmps, rows,
               sis, sgs, sos):
        wid = lax.axis_index("s") * NC + lax.axis_index("c")
        base_w = wid * per_w
        zi = jnp.zeros((_LANES,), jnp.int32)
        zf = jnp.zeros((_LANES,), jnp.float32)

        pltpu.async_copy(x_hbm.at[pl.ds(base_w, C)], idxs[0], sis[0])
        pltpu.async_copy(m_hbm.at[pl.ds(base_w, C)], msks[0], sis[0])

        def drain(ci, b):
            base = base_w + ci * C
            for k in range(_NSUB):
                pltpu.make_async_copy(
                    table_hbm.at[rmps[b].at[pl.ds(k * S, S)]],
                    rows[b].at[pl.ds(k * S, S)], sgs[b][k]).wait()

            def run_fix(msk_v, rows_v):
                def fix_group(g, c2):
                    mv = msk_v[pl.ds(g * _LANES, _LANES)]
                    for r in range(_LANES):
                        ms = mv[r]
                        bad = jnp.logical_or(ms == _MASK_TOKEN,
                                             ms == _PAD_TOKEN)

                        @pl.when(bad)
                        def _z(r=r):
                            row = g * _LANES + r
                            for h in range(D // _LANES):
                                rows_v[row, pl.ds(h * _LANES, _LANES)] = zf

                    return c2

                lax.fori_loop(0, C // _LANES, fix_group, 0)

            def chunk_min(msk_v):
                def scan_body(j, run_min):
                    return jnp.minimum(run_min,
                                       msk_v[pl.ds(j * _LANES, _LANES)])

                run_min = lax.fori_loop(0, C // _LANES, scan_body, zi)
                lanes = [run_min[i] for i in range(_LANES)]
                while len(lanes) > 1:
                    lanes = [jnp.minimum(lanes[2 * i], lanes[2 * i + 1])
                             for i in range(len(lanes) // 2)]
                return lanes[0]

            @pl.when(chunk_min(msks[b]) < 0)
            def _fix():
                run_fix(msks[b], rows[b])

            pltpu.async_copy(rows[b], out_hbm.at[pl.ds(base, C)], sos[b])

        def pair_body(p, carry):
            for b in (0, 1):
                ci = 2 * p + b
                base = base_w + ci * C
                idx_v, msk_v, rmp_v = idxs[b], msks[b], rmps[b]

                pltpu.make_async_copy(
                    x_hbm.at[pl.ds(base, C)], idx_v, sis[b]).wait()
                pltpu.make_async_copy(
                    m_hbm.at[pl.ds(base, C)], msk_v, sis[b]).wait()

                def remap_body(j, _):
                    sl = pl.ds(j * _LANES, _LANES)
                    xv = idx_v[sl]
                    rmp_v[sl] = jnp.where(xv == jnp.int32(_PAD_TOKEN),
                                          jnp.int32(_VOCAB_SIZE), xv)
                    return 0

                lax.fori_loop(0, C // _LANES, remap_body, 0)

                @pl.when(ci >= 2)
                def _wb_done():
                    pb = base_w + (ci - 2) * C
                    pltpu.make_async_copy(
                        rows[b], out_hbm.at[pl.ds(pb, C)], sos[b]).wait()

                for k in range(_NSUB):
                    pltpu.async_copy(
                        table_hbm.at[rmp_v.at[pl.ds(k * S, S)]],
                        rows[b].at[pl.ds(k * S, S)], sgs[b][k])

                @pl.when(ci >= 1)
                def _drain_prev():
                    drain(ci - 1, 1 - b)

                @pl.when(ci + 1 < n_chunks)
                def _prefetch():
                    nb = base + C
                    pltpu.async_copy(
                        x_hbm.at[pl.ds(nb, C)], idxs[1 - b], sis[1 - b])
                    pltpu.async_copy(
                        m_hbm.at[pl.ds(nb, C)], msks[1 - b], sis[1 - b])

            return carry

        lax.fori_loop(0, n_chunks // 2, pair_body, 0)

        drain(n_chunks - 1, (n_chunks - 1) % 2)
        for b in (0, 1):
            base = base_w + (n_chunks - 2 + b) * C
            pltpu.make_async_copy(
                rows[b], out_hbm.at[pl.ds(base, C)], sos[b]).wait()

    return lookup


def kernel(x, mask, embedding):
    B, N = x.shape
    D = embedding.shape[1]
    T = B * N
    C = 1600
    out = _build_lookup(T, D, C)(
        x.reshape(T).astype(jnp.int32),
        mask.reshape(T).astype(jnp.int32),
        embedding,
    )
    return out.reshape(B, N, D)

# --- scband reference (transcript-rebuilt; emitter-appended) ---
"""Pipeline reference for scband-masked-embedding-23922967838873 (READ-ONLY COPY).

The authoritative reference and input builder live on the scoring server;
editing this copy changes nothing except your own understanding.
"""

import jax, jax.numpy as jnp
import numpy as np

VOCAB_SIZE = 1000000
EMBED_DIM = 32
MASK_TOKEN = -1
PAD_TOKEN = -2
B, N = 4096, 200


def setup_inputs(seed: int = 0) -> dict:
    key = jax.random.key(seed)
    k1, k2, k3 = jax.random.split(key, 3)
    x = jax.random.randint(k1, (B, N), 0, VOCAB_SIZE, dtype=jnp.int64 if jax.config.jax_enable_x64 else jnp.int32).astype(jnp.int32)
    mask = jax.random.randint(k2, (B, N), 0, VOCAB_SIZE, dtype=jnp.int64 if jax.config.jax_enable_x64 else jnp.int32).astype(jnp.int32)
    # glorot_uniform-like init for embedding table of shape (vocab_size + 1, embed_dim)
    fan_in, fan_out = VOCAB_SIZE + 1, EMBED_DIM
    limit = np.sqrt(6.0 / (fan_in + fan_out))
    embedding = jax.random.uniform(k3, (VOCAB_SIZE + 1, EMBED_DIM), minval=-limit, maxval=limit, dtype=jnp.float32)
    return {"x": x, "mask": mask, "embedding": embedding}


def reference(x, mask, embedding):
    x = x.astype(jnp.int32)
    x = jnp.where(x == jnp.int32(PAD_TOKEN), jnp.int32(VOCAB_SIZE), x)
    embedded = jnp.take(embedding, x, axis=0)
    maskf = mask.astype(embedded.dtype)
    bad = (maskf == PAD_TOKEN) | (maskf == MASK_TOKEN)
    keep_mask = jnp.where(bad, 0.0, 1.0).astype(embedded.dtype)
    embedded = embedded * keep_mask[:, :, None]
    return embedded

if __name__ == "__main__":
    import jax
    _d = setup_inputs()
    print(jax.jit(kernel)(*tuple(_d.values())))

</pallas_src>

<mosaic_0001>
#map = affine_map<(d0, d1) -> (0)>
#map1 = affine_map<(d0, d1) -> (0, 0)>
module attributes {stable_mosaic.version = 14 : i64} {
  func.func @lookup(%arg0: i32, %arg1: i32, %arg2: memref<819200xi32, #tpu.memory_space<hbm>>, %arg3: memref<819200xi32, #tpu.memory_space<hbm>>, %arg4: memref<1000001x32xf32, #tpu.memory_space<hbm>>, %arg5: memref<819200x32xf32, #tpu.memory_space<hbm>>, %arg6: memref<1600xi32, #tpu.memory_space<vmem>>, %arg7: memref<1600xi32, #tpu.memory_space<vmem>>, %arg8: memref<1600xi32, #tpu.memory_space<vmem>>, %arg9: memref<1600xi32, #tpu.memory_space<vmem>>, %arg10: memref<1600xi32, #tpu.memory_space<vmem>>, %arg11: memref<1600xi32, #tpu.memory_space<vmem>>, %arg12: memref<1600x32xf32, #tpu.memory_space<vmem>>, %arg13: memref<1600x32xf32, #tpu.memory_space<vmem>>, %arg14: memref<!tpu.dma_semaphore, #tpu.memory_space<semaphore_mem>>, %arg15: memref<!tpu.dma_semaphore, #tpu.memory_space<semaphore_mem>>, %arg16: memref<!tpu.dma_semaphore, #tpu.memory_space<semaphore_mem>>, %arg17: memref<!tpu.dma_semaphore, #tpu.memory_space<semaphore_mem>>, %arg18: memref<!tpu.dma_semaphore, #tpu.memory_space<semaphore_mem>>, %arg19: memref<!tpu.dma_semaphore, #tpu.memory_space<semaphore_mem>>, %arg20: memref<!tpu.dma_semaphore, #tpu.memory_space<semaphore_mem>>, %arg21: memref<!tpu.dma_semaphore, #tpu.memory_space<semaphore_mem>>, %arg22: memref<!tpu.dma_semaphore, #tpu.memory_space<semaphore_mem>>, %arg23: memref<!tpu.dma_semaphore, #tpu.memory_space<semaphore_mem>>, %arg24: memref<!tpu.dma_semaphore, #tpu.memory_space<semaphore_mem>>, %arg25: memref<!tpu.dma_semaphore, #tpu.memory_space<semaphore_mem>>, %arg26: memref<!tpu.dma_semaphore, #tpu.memory_space<semaphore_mem>>, %arg27: memref<!tpu.dma_semaphore, #tpu.memory_space<semaphore_mem>>, %arg28: memref<!tpu.dma_semaphore, #tpu.memory_space<semaphore_mem>>, %arg29: memref<!tpu.dma_semaphore, #tpu.memory_space<semaphore_mem>>, %arg30: memref<!tpu.dma_semaphore, #tpu.memory_space<semaphore_mem>>, %arg31: memref<!tpu.dma_semaphore, #tpu.memory_space<semaphore_mem>>, %arg32: memref<!tpu.dma_semaphore, #tpu.memory_space<semaphore_mem>>, %arg33: memref<!tpu.dma_semaphore, #tpu.memory_space<semaphore_mem>>) attributes {dimension_semantics = [#tpu.dimension_semantics<core_parallel>, #tpu.dimension_semantics<subcore_parallel>], iteration_bounds = array<i64: 2, 16>, scalar_prefetch = 0 : i64, scratch_operands = 28 : i64, tpu.core_type = #tpu.core_type<sc_vector_subcore>, window_params = [{transform_indices = #map}, {transform_indices = #map}, {transform_indices = #map1}, {transform_indices = #map1}]} {
    %mul3A = arith.constant 2 : i32
    %mul3A_0 = arith.muli %arg1, %mul3A : i32
    %add3A = arith.addi %mul3A_0, %arg0 : i32
    %mul3A_1 = arith.constant 25600 : i32
    %mul3A_2 = arith.muli %add3A, %mul3A_1 : i32
    %broadcast_in_dim3A = arith.constant 0 : i32
    %broadcast_in_dim3A_3 = vector.broadcast %broadcast_in_dim3A : i32 to vector<16xi32>
    %broadcast_in_dim3A_4 = arith.constant 0.000000e+00 : f32
    %broadcast_in_dim3A_5 = vector.broadcast %broadcast_in_dim3A_4 : f32 to vector<16xf32>
    %dma_start3A = tpu.memref_slice %arg2[%mul3A_2] : memref<819200xi32, #tpu.memory_space<hbm>> -> memref<1600xi32, #tpu.memory_space<hbm>>
    %dma_start3A_6 = tpu.memref_slice %arg2[%mul3A_2] : memref<819200xi32, #tpu.memory_space<hbm>> -> memref<1600xi32, #tpu.memory_space<hbm>>
    tpu.enqueue_dma source(%dma_start3A_6 : memref<1600xi32, #tpu.memory_space<hbm>>) target(%arg6 : memref<1600xi32, #tpu.memory_space<vmem>>) target_semaphore(%arg14 : memref<!tpu.dma_semaphore, #tpu.memory_space<semaphore_mem>>)
    %dma_start3A_7 = tpu.memref_slice %arg3[%mul3A_2] : memref<819200xi32, #tpu.memory_space<hbm>> -> memref<1600xi32, #tpu.memory_space<hbm>>
    %dma_start3A_8 = tpu.memref_slice %arg3[%mul3A_2] : memref<819200xi32, #tpu.memory_space<hbm>> -> memref<1600xi32, #tpu.memory_space<hbm>>
    tpu.enqueue_dma source(%dma_start3A_8 : memref<1600xi32, #tpu.memory_space<hbm>>) target(%arg8 : memref<1600xi32, #tpu.memory_space<vmem>>) target_semaphore(%arg14 : memref<!tpu.dma_semaphore, #tpu.memory_space<semaphore_mem>>)
    %scan3A = arith.constant 0 : i32
    %scan3A_9 = arith.constant 0 : i32
    %scan3A_10 = arith.constant 8 : i32
    %scan3A_11 = arith.addi %scan3A_9, %scan3A_10 : i32
    %scan3A_12 = arith.constant 1 : i32
    scf.for %scan3A_147 = %scan3A_9 to %scan3A_11 step %scan3A_12  : i32 {
      %mul3A_148 = arith.constant 2 : i32
      %mul3A_149 = arith.muli %mul3A_148, %scan3A_147 : i32
      %add3A_150 = arith.constant 0 : i32
      %add3A_151 = arith.addi %mul3A_149, %add3A_150 : i32
      %mul3A_152 = arith.constant 1600 : i32
      %mul3A_153 = arith.muli %add3A_151, %mul3A_152 : i32
      %add3A_154 = arith.addi %mul3A_2, %mul3A_153 : i32
      %dma_wait3A_155 = tpu.memref_slice %arg2[%add3A_154] : memref<819200xi32, #tpu.memory_space<hbm>> -> memref<1600xi32, #tpu.memory_space<hbm>>
      %dma_wait3A_156 = tpu.memref_slice %arg2[%add3A_154] : memref<819200xi32, #tpu.memory_space<hbm>> -> memref<1600xi32, #tpu.memory_space<hbm>>
      tpu.wait_dma2 semaphore(%arg14 : memref<!tpu.dma_semaphore, #tpu.memory_space<semaphore_mem>>) src(%dma_wait3A_156 : memref<1600xi32, #tpu.memory_space<hbm>>) dst(%arg6 : memref<1600xi32, #tpu.memory_space<vmem>>)
      %dma_wait3A_157 = tpu.memref_slice %arg3[%add3A_154] : memref<819200xi32, #tpu.memory_space<hbm>> -> memref<1600xi32, #tpu.memory_space<hbm>>
      %dma_wait3A_158 = tpu.memref_slice %arg3[%add3A_154] : memref<819200xi32, #tpu.memory_space<hbm>> -> memref<1600xi32, #tpu.memory_space<hbm>>
      tpu.wait_dma2 semaphore(%arg14 : memref<!tpu.dma_semaphore, #tpu.memory_space<semaphore_mem>>) src(%dma_wait3A_158 : memref<1600xi32, #tpu.memory_space<hbm>>) dst(%arg8 : memref<1600xi32, #tpu.memory_space<vmem>>)
      %scan3A_159 = arith.constant 0 : i32
      %scan3A_160 = arith.constant 0 : i32
      %scan3A_161 = arith.constant 100 : i32
      %scan3A_162 = arith.addi %scan3A_160, %scan3A_161 : i32
      %scan3A_163 = arith.constant 1 : i32
      %scan3A_164 = scf.for %scan3A_345 = %scan3A_160 to %scan3A_162 step %scan3A_163 iter_args(%scan3A_346 = %scan3A_159) -> (i32)  : i32 {
        %mul3A_347 = arith.constant 16 : i32
        %mul3A_348 = arith.muli %scan3A_345, %mul3A_347 : i32
        %get3A = arith.index_cast %mul3A_348 : i32 to index
        %get3A_349 = tpu.vector_load %arg6[%get3A] {strides = array<i32>} : memref<1600xi32, #tpu.memory_space<vmem>>, vector<16xi32>,
        %get3A_350 = vector.shape_cast %get3A_349 : vector<16xi32> to vector<16xi32>
        %eq3A = arith.constant -2 : i32
        %eq3A_351 = vector.broadcast %eq3A : i32 to vector<16xi32>
        %eq3A_352 = arith.cmpi eq, %get3A_350, %eq3A_351 : vector<16xi32>
        %jit3A = arith.constant 1000000 : i32
        %broadcast_in_dim3A_353 = vector.broadcast %jit3A : i32 to vector<16xi32>
        %select_n3A = arith.select %eq3A_352, %broadcast_in_dim3A_353, %get3A_350 : vector<16xi1>, vector<16xi32>
        %swap3A = arith.index_cast %mul3A_348 : i32 to index
        %swap3A_354 = tpu.vector_load %arg10[%swap3A] {strides = array<i32>} : memref<1600xi32, #tpu.memory_space<vmem>>, vector<16xi32>,
        %swap3A_355 = vector.shape_cast %swap3A_354 : vector<16xi32> to vector<16xi32>
        %swap3A_356 = vector.shape_cast %select_n3A : vector<16xi32> to vector<16xi32>
        tpu.vector_store %arg10[%swap3A], %swap3A_356 {strides = array<i32>} : memref<1600xi32, #tpu.memory_space<vmem>>, vector<16xi32>,
        %scan3A_357 = arith.constant 0 : i32
        scf.yield %scan3A_357 : i32
      }
      %scan3A_165 = arith.constant 100 : i32
      %ge3A = arith.constant 2 : i32
      %ge3A_166 = arith.cmpi sge, %add3A_151, %ge3A : i32
      %convert_element_type3A_167 = arith.extui %ge3A_166 : i1 to i32
      %cond3A_168 = arith.constant 0 : i32
      %cond3A_169 = arith.cmpi ne, %convert_element_type3A_167, %cond3A_168 : i32
      scf.if %cond3A_169 {
        %sub3A = arith.constant 2 : i32
        %sub3A_345 = arith.subi %add3A_151, %sub3A : i32
        %mul3A_346 = arith.constant 1600 : i32
        %mul3A_347 = arith.muli %sub3A_345, %mul3A_346 : i32
        %add3A_348 = arith.addi %mul3A_2, %mul3A_347 : i32
        %dma_wait3A_349 = arith.constant 0 : i32
        %dma_wait3A_350 = tpu.memref_slice %arg5[%add3A_348, %dma_wait3A_349] : memref<819200x32xf32, #tpu.memory_space<hbm>> -> memref<1600x32xf32, #tpu.memory_space<hbm>>
        %dma_wait3A_351 = arith.constant 0 : i32
        %dma_wait3A_352 = tpu.memref_slice %arg5[%add3A_348, %dma_wait3A_351] : memref<819200x32xf32, #tpu.memory_space<hbm>> -> memref<1600x32xf32, #tpu.memory_space<hbm>>
        tpu.wait_dma2 semaphore(%arg32 : memref<!tpu.dma_semaphore, #tpu.memory_space<semaphore_mem>>) src(%arg12 : memref<1600x32xf32, #tpu.memory_space<vmem>>) dst(%dma_wait3A_352 : memref<1600x32xf32, #tpu.memory_space<hbm>>)
      } else {
      }
      %dma_start3A_170 = arith.constant 0 : i32
      %dma_start3A_171 = arith.constant 0 : i32
      %dma_start3A_172 = tpu.memref_slice %arg12[%dma_start3A_170, %dma_start3A_171] : memref<1600x32xf32, #tpu.memory_space<vmem>> -> memref<200x32xf32, #tpu.memory_space<vmem>>
      %dma_start3A_173 = arith.constant 0 : i32
      %dma_start3A_174 = tpu.memref_slice %arg10[%dma_start3A_173] : memref<1600xi32, #tpu.memory_space<vmem>> -> memref<200xi32, #tpu.memory_space<vmem>>
      %dma_start3A_175 = arith.constant 0 : i32
      %dma_start3A_176 = arith.constant 0 : i32
      %dma_start3A_177 = tpu.memref_slice %arg4[%dma_start3A_175, %dma_start3A_176] : memref<1000001x32xf32, #tpu.memory_space<hbm>> -> memref<1000001x32xf32, #tpu.memory_space<hbm>>
      tpu.enqueue_indirect_dma source(%dma_start3A_177 : memref<1000001x32xf32, #tpu.memory_space<hbm>>) target(%dma_start3A_172 : memref<200x32xf32, #tpu.memory_space<vmem>>) offsets(%dma_start3A_174 : memref<200xi32, #tpu.memory_space<vmem>>) semaphore(%arg16 : memref<!tpu.dma_semaphore, #tpu.memory_space<semaphore_mem>>)
      %dma_start3A_178 = arith.constant 200 : i32
      %dma_start3A_179 = arith.constant 0 : i32
      %dma_start3A_180 = tpu.memref_slice %arg12[%dma_start3A_178, %dma_start3A_179] : memref<1600x32xf32, #tpu.memory_space<vmem>> -> memref<200x32xf32, #tpu.memory_space<vmem>>
      %dma_start3A_181 = arith.constant 200 : i32
      %dma_start3A_182 = tpu.memref_slice %arg10[%dma_start3A_181] : memref<1600xi32, #tpu.memory_space<vmem>> -> memref<200xi32, #tpu.memory_space<vmem>>
      %dma_start3A_183 = arith.constant 0 : i32
      %dma_start3A_184 = arith.constant 0 : i32
      %dma_start3A_185 = tpu.memref_slice %arg4[%dma_start3A_183, %dma_start3A_184] : memref<1000001x32xf32, #tpu.memory_space<hbm>> -> memref<1000001x32xf32, #tpu.memory_space<hbm>>
      tpu.enqueue_indirect_dma source(%dma_start3A_185 : memref<1000001x32xf32, #tpu.memory_space<hbm>>) target(%dma_start3A_180 : memref<200x32xf32, #tpu.memory_space<vmem>>) offsets(%dma_start3A_182 : memref<200xi32, #tpu.memory_space<vmem>>) semaphore(%arg17 : memref<!tpu.dma_semaphore, #tpu.memory_space<semaphore_mem>>)
      %dma_start3A_186 = arith.constant 400 : i32
      %dma_start3A_187 = arith.constant 0 : i32
      %dma_start3A_188 = tpu.memref_slice %arg12[%dma_start3A_186, %dma_start3A_187] : memref<1600x32xf32, #tpu.memory_space<vmem>> -> memref<200x32xf32, #tpu.memory_space<vmem>>
      %dma_start3A_189 = arith.constant 400 : i32
      %dma_start3A_190 = tpu.memref_slice %arg10[%dma_start3A_189] : memref<1600xi32, #tpu.memory_space<vmem>> -> memref<200xi32, #tpu.memory_space<vmem>>
      %dma_start3A_191 = arith.constant 0 : i32
      %dma_start3A_192 = arith.constant 0 : i32
      %dma_start3A_193 = tpu.memref_slice %arg4[%dma_start3A_191, %dma_start3A_192] : memref<1000001x32xf32, #tpu.memory_space<hbm>> -> memref<1000001x32xf32, #tpu.memory_space<hbm>>
      tpu.enqueue_indirect_dma source(%dma_start3A_193 : memref<1000001x32xf32, #tpu.memory_space<hbm>>) target(%dma_start3A_188 : memref<200x32xf32, #tpu.memory_space<vmem>>) offsets(%dma_start3A_190 : memref<200xi32, #tpu.memory_space<vmem>>) semaphore(%arg18 : memref<!tpu.dma_semaphore, #tpu.memory_space<semaphore_mem>>)
      %dma_start3A_194 = arith.constant 600 : i32
      %dma_start3A_195 = arith.constant 0 : i32
      %dma_start3A_196 = tpu.memref_slice %arg12[%dma_start3A_194, %dma_start3A_195] : memref<1600x32xf32, #tpu.memory_space<vmem>> -> memref<200x32xf32, #tpu.memory_space<vmem>>
      %dma_start3A_197 = arith.constant 600 : i32
      %dma_start3A_198 = tpu.memref_slice %arg10[%dma_start3A_197] : memref<1600xi32, #tpu.memory_space<vmem>> -> memref<200xi32, #tpu.memory_space<vmem>>
      %dma_start3A_199 = arith.constant 0 : i32
      %dma_start3A_200 = arith.constant 0 : i32
      %dma_start3A_201 = tpu.memref_slice %arg4[%dma_start3A_199, %dma_start3A_200] : memref<1000001x32xf32, #tpu.memory_space<hbm>> -> memref<1000001x32xf32, #tpu.memory_space<hbm>>
      tpu.enqueue_indirect_dma source(%dma_start3A_201 : memref<1000001x32xf32, #tpu.memory_space<hbm>>) target(%dma_start3A_196 : memref<200x32xf32, #tpu.memory_space<vmem>>) offsets(%dma_start3A_198 : memref<200xi32, #tpu.memory_space<vmem>>) semaphore(%arg19 : memref<!tpu.dma_semaphore, #tpu.memory_space<semaphore_mem>>)
      %dma_start3A_202 = arith.constant 800 : i32
      %dma_start3A_203 = arith.constant 0 : i32
      %dma_start3A_204 = tpu.memref_slice %arg12[%dma_start3A_202, %dma_start3A_203] : memref<1600x32xf32, #tpu.memory_space<vmem>> -> memref<200x32xf32, #tpu.memory_space<vmem>>
      %dma_start3A_205 = arith.constant 800 : i32
      %dma_start3A_206 = tpu.memref_slice %arg10[%dma_start3A_205] : memref<1600xi32, #tpu.memory_space<vmem>> -> memref<200xi32, #tpu.memory_space<vmem>>
      %dma_start3A_207 = arith.constant 0 : i32
      %dma_start3A_208 = arith.constant 0 : i32
      %dma_start3A_209 = tpu.memref_slice %arg4[%dma_start3A_207, %dma_start3A_208] : memref<1000001x32xf32, #tpu.memory_space<hbm>> -> memref<1000001x32xf32, #tpu.memory_space<hbm>>
      tpu.enqueue_indirect_dma source(%dma_start3A_209 : memref<1000001x32xf32, #tpu.memory_space<hbm>>) target(%dma_start3A_204 : memref<200x32xf32, #tpu.memory_space<vmem>>) offsets(%dma_start3A_206 : memref<200xi32, #tpu.memory_space<vmem>>) semaphore(%arg20 : memref<!tpu.dma_semaphore, #tpu.memory_space<semaphore_mem>>)
      %dma_start3A_210 = arith.constant 1000 : i32
      %dma_start3A_211 = arith.constant 0 : i32
      %dma_start3A_212 = tpu.memref_slice %arg12[%dma_start3A_210, %dma_start3A_211] : memref<1600x32xf32, #tpu.memory_space<vmem>> -> memref<200x32xf32, #tpu.memory_space<vmem>>
      %dma_start3A_213 = arith.constant 1000 : i32
      %dma_start3A_214 = tpu.memref_slice %arg10[%dma_start3A_213] : memref<1600xi32, #tpu.memory_space<vmem>> -> memref<200xi32, #tpu.memory_space<vmem>>
      %dma_start3A_215 = arith.constant 0 : i32
      %dma_start3A_216 = arith.constant 0 : i32
      %dma_start3A_217 = tpu.memref_slice %arg4[%dma_start3A_215, %dma_start3A_216] : memref<1000001x32xf32, #tpu.memory_space<hbm>> -> memref<1000001x32xf32, #tpu.memory_space<hbm>>
      tpu.enqueue_indirect_dma source(%dma_start3A_217 : memref<1000001x32xf32, #tpu.memory_space<hbm>>) target(%dma_start3A_212 : memref<200x32xf32, #tpu.memory_space<vmem>>) offsets(%dma_start3A_214 : memref<200xi32, #tpu.memory_space<vmem>>) semaphore(%arg21 : memref<!tpu.dma_semaphore, #tpu.memory_space<semaphore_mem>>)
      %dma_start3A_218 = arith.constant 1200 : i32
      %dma_start3A_219 = arith.constant 0 : i32
      %dma_start3A_220 = tpu.memref_slice %arg12[%dma_start3A_218, %dma_start3A_219] : memref<1600x32xf32, #tpu.memory_space<vmem>> -> memref<200x32xf32, #tpu.memory_space<vmem>>
      %dma_start3A_221 = arith.constant 1200 : i32
      %dma_start3A_222 = tpu.memref_slice %arg10[%dma_start3A_221] : memref<1600xi32, #tpu.memory_space<vmem>> -> memref<200xi32, #tpu.memory_space<vmem>>
      %dma_start3A_223 = arith.constant 0 : i32
      %dma_start3A_224 = arith.constant 0 : i32
      %dma_start3A_225 = tpu.memref_slice %arg4[%dma_start3A_223, %dma_start3A_224] : memref<1000001x32xf32, #tpu.memory_space<hbm>> -> memref<1000001x32xf32, #tpu.memory_space<hbm>>
      tpu.enqueue_indirect_dma source(%dma_start3A_225 : memref<1000001x32xf32, #tpu.memory_space<hbm>>) target(%dma_start3A_220 : memref<200x32xf32, #tpu.memory_space<vmem>>) offsets(%dma_start3A_222 : memref<200xi32, #tpu.memory_space<vmem>>) semaphore(%arg22 : memref<!tpu.dma_semaphore, #tpu.memory_space<semaphore_mem>>)
      %dma_start3A_226 = arith.constant 1400 : i32
      %dma_start3A_227 = arith.constant 0 : i32
      %dma_start3A_228 = tpu.memref_slice %arg12[%dma_start3A_226, %dma_start3A_227] : memref<1600x32xf32, #tpu.memory_space<vmem>> -> memref<200x32xf32, #tpu.memory_space<vmem>>
      %dma_start3A_229 = arith.constant 1400 : i32
      %dma_start3A_230 = tpu.memref_slice %arg10[%dma_start3A_229] : memref<1600xi32, #tpu.memory_space<vmem>> -> memref<200xi32, #tpu.memory_space<vmem>>
      %dma_start3A_231 = arith.constant 0 : i32
      %dma_start3A_232 = arith.constant 0 : i32
      %dma_start3A_233 = tpu.memref_slice %arg4[%dma_start3A_231, %dma_start3A_232] : memref<1000001x32xf32, #tpu.memory_space<hbm>> -> memref<1000001x32xf32, #tpu.memory_space<hbm>>
      tpu.enqueue_indirect_dma source(%dma_start3A_233 : memref<1000001x32xf32, #tpu.memory_space<hbm>>) target(%dma_start3A_228 : memref<200x32xf32, #tpu.memory_space<vmem>>) offsets(%dma_start3A_230 : memref<200xi32, #tpu.memory_space<vmem>>) semaphore(%arg23 : memref<!tpu.dma_semaphore, #tpu.memory_space<semaphore_mem>>)
      %ge3A_234 = arith.constant 1 : i32
      %ge3A_235 = arith.cmpi sge, %add3A_151, %ge3A_234 : i32
      %convert_element_type3A_236 = arith.extui %ge3A_235 : i1 to i32
      %cond3A_237 = arith.constant 0 : i32
      %cond3A_238 = arith.cmpi ne, %convert_element_type3A_236, %cond3A_237 : i32
      scf.if %cond3A_238 {
        %sub3A = arith.constant 1 : i32
        %sub3A_345 = arith.subi %add3A_151, %sub3A : i32
        %mul3A_346 = arith.constant 1600 : i32
        %mul3A_347 = arith.muli %sub3A_345, %mul3A_346 : i32
        %add3A_348 = arith.addi %mul3A_2, %mul3A_347 : i32
        %dma_wait3A_349 = arith.constant 0 : i32
        %dma_wait3A_350 = arith.constant 0 : i32
        %dma_wait3A_351 = tpu.memref_slice %arg13[%dma_wait3A_349, %dma_wait3A_350] : memref<1600x32xf32, #tpu.memory_space<vmem>> -> memref<200x32xf32, #tpu.memory_space<vmem>>
        %dma_wait3A_352 = arith.constant 0 : i32
        %dma_wait3A_353 = tpu.memref_slice %arg11[%dma_wait3A_352] : memref<1600xi32, #tpu.memory_space<vmem>> -> memref<200xi32, #tpu.memory_space<vmem>>
        %dma_wait3A_354 = arith.constant 0 : i32
        %dma_wait3A_355 = arith.constant 0 : i32
        %dma_wait3A_356 = tpu.memref_slice %arg4[%dma_wait3A_354, %dma_wait3A_355] : memref<1000001x32xf32, #tpu.memory_space<hbm>> -> memref<1000001x32xf32, #tpu.memory_space<hbm>>
        tpu.wait_indirect_dma semaphore(%arg24 : memref<!tpu.dma_semaphore, #tpu.memory_space<semaphore_mem>>) src(%dma_wait3A_356 : memref<1000001x32xf32, #tpu.memory_space<hbm>>) dst(%dma_wait3A_351 : memref<200x32xf32, #tpu.memory_space<vmem>>)
        %dma_wait3A_357 = arith.constant 200 : i32
        %dma_wait3A_358 = arith.constant 0 : i32
        %dma_wait3A_359 = tpu.memref_slice %arg13[%dma_wait3A_357, %dma_wait3A_358] : memref<1600x32xf32, #tpu.memory_space<vmem>> -> memref<200x32xf32, #tpu.memory_space<vmem>>
        %dma_wait3A_360 = arith.constant 200 : i32
        %dma_wait3A_361 = tpu.memref_slice %arg11[%dma_wait3A_360] : memref<1600xi32, #tpu.memory_space<vmem>> -> memref<200xi32, #tpu.memory_space<vmem>>
        %dma_wait3A_362 = arith.constant 0 : i32
        %dma_wait3A_363 = arith.constant 0 : i32
        %dma_wait3A_364 = tpu.memref_slice %arg4[%dma_wait3A_362, %dma_wait3A_363] : memref<1000001x32xf32, #tpu.memory_space<hbm>> -> memref<1000001x32xf32, #tpu.memory_space<hbm>>
        tpu.wait_indirect_dma semaphore(%arg25 : memref<!tpu.dma_semaphore, #tpu.memory_space<semaphore_mem>>) src(%dma_wait3A_364 : memref<1000001x32xf32, #tpu.memory_space<hbm>>) dst(%dma_wait3A_359 : memref<200x32xf32, #tpu.memory_space<vmem>>)
        %dma_wait3A_365 = arith.constant 400 : i32
        %dma_wait3A_366 = arith.constant 0 : i32
        %dma_wait3A_367 = tpu.memref_slice %arg13[%dma_wait3A_365, %dma_wait3A_366] : memref<1600x32xf32, #tpu.memory_space<vmem>> -> memref<200x32xf32, #tpu.memory_space<vmem>>
        %dma_wait3A_368 = arith.constant 400 : i32
        %dma_wait3A_369 = tpu.memref_slice %arg11[%dma_wait3A_368] : memref<1600xi32, #tpu.memory_space<vmem>> -> memref<200xi32, #tpu.memory_space<vmem>>
        %dma_wait3A_370 = arith.constant 0 : i32
        %dma_wait3A_371 = arith.constant 0 : i32
        %dma_wait3A_372 = tpu.memref_slice %arg4[%dma_wait3A_370, %dma_wait3A_371] : memref<1000001x32xf32, #tpu.memory_space<hbm>> -> memref<1000001x32xf32, #tpu.memory_space<hbm>>
        tpu.wait_indirect_dma semaphore(%arg26 : memref<!tpu.dma_semaphore, #tpu.memory_space<semaphore_mem>>) src(%dma_wait3A_372 : memref<1000001x32xf32, #tpu.memory_space<hbm>>) dst(%dma_wait3A_367 : memref<200x32xf32, #tpu.memory_space<vmem>>)
        %dma_wait3A_373 = arith.constant 600 : i32
        %dma_wait3A_374 = arith.constant 0 : i32
        %dma_wait3A_375 = tpu.memref_slice %arg13[%dma_wait3A_373, %dma_wait3A_374] : memref<1600x32xf32, #tpu.memory_space<vmem>> -> memref<200x32xf32, #tpu.memory_space<vmem>>
        %dma_wait3A_376 = arith.constant 600 : i32
        %dma_wait3A_377 = tpu.memref_slice %arg11[%dma_wait3A_376] : memref<1600xi32, #tpu.memory_space<vmem>> -> memref<200xi32, #tpu.memory_space<vmem>>
        %dma_wait3A_378 = arith.constant 0 : i32
        %dma_wait3A_379 = arith.constant 0 : i32
        %dma_wait3A_380 = tpu.memref_slice %arg4[%dma_wait3A_378, %dma_wait3A_379] : memref<1000001x32xf32, #tpu.memory_space<hbm>> -> memref<1000001x32xf32, #tpu.memory_space<hbm>>
        tpu.wait_indirect_dma semaphore(%arg27 : memref<!tpu.dma_semaphore, #tpu.memory_space<semaphore_mem>>) src(%dma_wait3A_380 : memref<1000001x32xf32, #tpu.memory_space<hbm>>) dst(%dma_wait3A_375 : memref<200x32xf32, #tpu.memory_space<vmem>>)
        %dma_wait3A_381 = arith.constant 800 : i32
        %dma_wait3A_382 = arith.constant 0 : i32
        %dma_wait3A_383 = tpu.memref_slice %arg13[%dma_wait3A_381, %dma_wait3A_382] : memref<1600x32xf32, #tpu.memory_space<vmem>> -> memref<200x32xf32, #tpu.memory_space<vmem>>
        %dma_wait3A_384 = arith.constant 800 : i32
        %dma_wait3A_385 = tpu.memref_slice %arg11[%dma_wait3A_384] : memref<1600xi32, #tpu.memory_space<vmem>> -> memref<200xi32, #tpu.memory_space<vmem>>
        %dma_wait3A_386 = arith.constant 0 : i32
        %dma_wait3A_387 = arith.constant 0 : i32
        %dma_wait3A_388 = tpu.memref_slice %arg4[%dma_wait3A_386, %dma_wait3A_387] : memref<1000001x32xf32, #tpu.memory_space<hbm>> -> memref<1000001x32xf32, #tpu.memory_space<hbm>>
        tpu.wait_indirect_dma semaphore(%arg28 : memref<!tpu.dma_semaphore, #tpu.memory_space<semaphore_mem>>) src(%dma_wait3A_388 : memref<1000001x32xf32, #tpu.memory_space<hbm>>) dst(%dma_wait3A_383 : memref<200x32xf32, #tpu.memory_space<vmem>>)
        %dma_wait3A_389 = arith.constant 1000 : i32
        %dma_wait3A_390 = arith.constant 0 : i32
        %dma_wait3A_391 = tpu.memref_slice %arg13[%dma_wait3A_389, %dma_wait3A_390] : memref<1600x32xf32, #tpu.memory_space<vmem>> -> memref<200x32xf32, #tpu.memory_space<vmem>>
        %dma_wait3A_392 = arith.constant 1000 : i32
        %dma_wait3A_393 = tpu.memref_slice %arg11[%dma_wait3A_392] : memref<1600xi32, #tpu.memory_space<vmem>> -> memref<200xi32, #tpu.memory_space<vmem>>
        %dma_wait3A_394 = arith.constant 0 : i32
        %dma_wait3A_395 = arith.constant 0 : i32
        %dma_wait3A_396 = tpu.memref_slice %arg4[%dma_wait3A_394, %dma_wait3A_395] : memref<1000001x32xf32, #tpu.memory_space<hbm>> -> memref<1000001x32xf32, #tpu.memory_space<hbm>>
        tpu.wait_indirect_dma semaphore(%arg29 : memref<!tpu.dma_semaphore, #tpu.memory_space<semaphore_mem>>) src(%dma_wait3A_396 : memref<1000001x32xf32, #tpu.memory_space<hbm>>) dst(%dma_wait3A_391 : memref<200x32xf32, #tpu.memory_space<vmem>>)
        %dma_wait3A_397 = arith.constant 1200 : i32
        %dma_wait3A_398 = arith.constant 0 : i32
        %dma_wait3A_399 = tpu.memref_slice %arg13[%dma_wait3A_397, %dma_wait3A_398] : memref<1600x32xf32, #tpu.memory_space<vmem>> -> memref<200x32xf32, #tpu.memory_space<vmem>>
        %dma_wait3A_400 = arith.constant 1200 : i32
        %dma_wait3A_401 = tpu.memref_slice %arg11[%dma_wait3A_400] : memref<1600xi32, #tpu.memory_space<vmem>> -> memref<200xi32, #tpu.memory_space<vmem>>
        %dma_wait3A_402 = arith.constant 0 : i32
        %dma_wait3A_403 = arith.constant 0 : i32
        %dma_wait3A_404 = tpu.memref_slice %arg4[%dma_wait3A_402, %dma_wait3A_403] : memref<1000001x32xf32, #tpu.memory_space<hbm>> -> memref<1000001x32xf32, #tpu.memory_space<hbm>>
        tpu.wait_indirect_dma semaphore(%arg30 : memref<!tpu.dma_semaphore, #tpu.memory_space<semaphore_mem>>) src(%dma_wait3A_404 : memref<1000001x32xf32, #tpu.memory_space<hbm>>) dst(%dma_wait3A_399 : memref<200x32xf32, #tpu.memory_space<vmem>>)
        %dma_wait3A_405 = arith.constant 1400 : i32
        %dma_wait3A_406 = arith.constant 0 : i32
        %dma_wait3A_407 = tpu.memref_slice %arg13[%dma_wait3A_405, %dma_wait3A_406] : memref<1600x32xf32, #tpu.memory_space<vmem>> -> memref<200x32xf32, #tpu.memory_space<vmem>>
        %dma_wait3A_408 = arith.constant 1400 : i32
        %dma_wait3A_409 = tpu.memref_slice %arg11[%dma_wait3A_408] : memref<1600xi32, #tpu.memory_space<vmem>> -> memref<200xi32, #tpu.memory_space<vmem>>
        %dma_wait3A_410 = arith.constant 0 : i32
        %dma_wait3A_411 = arith.constant 0 : i32
        %dma_wait3A_412 = tpu.memref_slice %arg4[%dma_wait3A_410, %dma_wait3A_411] : memref<1000001x32xf32, #tpu.memory_space<hbm>> -> memref<1000001x32xf32, #tpu.memory_space<hbm>>
        tpu.wait_indirect_dma semaphore(%arg31 : memref<!tpu.dma_semaphore, #tpu.memory_space<semaphore_mem>>) src(%dma_wait3A_412 : memref<1000001x32xf32, #tpu.memory_space<hbm>>) dst(%dma_wait3A_407 : memref<200x32xf32, #tpu.memory_space<vmem>>)
        %scan3A_413 = arith.constant 0 : i32
        %scan3A_414 = arith.constant 100 : i32
        %scan3A_415 = arith.addi %scan3A_413, %scan3A_414 : i32
        %scan3A_416 = arith.constant 1 : i32
        %scan3A_417 = scf.for %scan3A_475 = %scan3A_413 to %scan3A_415 step %scan3A_416 iter_args(%scan3A_476 = %broadcast_in_dim3A_3) -> (vector<16xi32>)  : i32 {
          %mul3A_477 = arith.constant 16 : i32
          %mul3A_478 = arith.muli %scan3A_475, %mul3A_477 : i32
          %get3A = arith.index_cast %mul3A_478 : i32 to index
          %get3A_479 = tpu.vector_load %arg9[%get3A] {strides = array<i32>} : memref<1600xi32, #tpu.memory_space<vmem>>, vector<16xi32>,
          %get3A_480 = vector.shape_cast %get3A_479 : vector<16xi32> to vector<16xi32>
          %min3A_481 = arith.minsi %scan3A_476, %get3A_480 : vector<16xi32>
          scf.yield %min3A_481 : vector<16xi32>
        }
        %scan3A_418 = arith.constant 100 : i32
        %slice3A_419 = vector.extract_strided_slice %scan3A_417 {offsets = [0], sizes = [1], strides = [1]} : vector<16xi32> to vector<1xi32>
        %squeeze3A_420 = vector.extract %slice3A_419[0] : i32 from vector<1xi32>
        %slice3A_421 = vector.extract_strided_slice %scan3A_417 {offsets = [1], sizes = [1], strides = [1]} : vector<16xi32> to vector<1xi32>
        %squeeze3A_422 = vector.extract %slice3A_421[0] : i32 from vector<1xi32>
        %slice3A_423 = vector.extract_strided_slice %scan3A_417 {offsets = [2], sizes = [1], strides = [1]} : vector<16xi32> to vector<1xi32>
        %squeeze3A_424 = vector.extract %slice3A_423[0] : i32 from vector<1xi32>
        %slice3A_425 = vector.extract_strided_slice %scan3A_417 {offsets = [3], sizes = [1], strides = [1]} : vector<16xi32> to vector<1xi32>
        %squeeze3A_426 = vector.extract %slice3A_425[0] : i32 from vector<1xi32>
        %slice3A_427 = vector.extract_strided_slice %scan3A_417 {offsets = [4], sizes = [1], strides = [1]} : vector<16xi32> to vector<1xi32>
        %squeeze3A_428 = vector.extract %slice3A_427[0] : i32 from vector<1xi32>
        %slice3A_429 = vector.extract_strided_slice %scan3A_417 {offsets = [5], sizes = [1], strides = [1]} : vector<16xi32> to vector<1xi32>
        %squeeze3A_430 = vector.extract %slice3A_429[0] : i32 from vector<1xi32>
        %slice3A_431 = vector.extract_strided_slice %scan3A_417 {offsets = [6], sizes = [1], strides = [1]} : vector<16xi32> to vector<1xi32>
        %squeeze3A_432 = vector.extract %slice3A_431[0] : i32 from vector<1xi32>
        %slice3A_433 = vector.extract_strided_slice %scan3A_417 {offsets = [7], sizes = [1], strides = [1]} : vector<16xi32> to vector<1xi32>
        %squeeze3A_434 = vector.extract %slice3A_433[0] : i32 from vector<1xi32>
        %slice3A_435 = vector.extract_strided_slice %scan3A_417 {offsets = [8], sizes = [1], strides = [1]} : vector<16xi32> to vector<1xi32>
        %squeeze3A_436 = vector.extract %slice3A_435[0] : i32 from vector<1xi32>
        %slice3A_437 = vector.extract_strided_slice %scan3A_417 {offsets = [9], sizes = [1], strides = [1]} : vector<16xi32> to vector<1xi32>
        %squeeze3A_438 = vector.extract %slice3A_437[0] : i32 from vector<1xi32>
        %slice3A_439 = vector.extract_strided_slice %scan3A_417 {offsets = [10], sizes = [1], strides = [1]} : vector<16xi32> to vector<1xi32>
        %squeeze3A_440 = vector.extract %slice3A_439[0] : i32 from vector<1xi32>
        %slice3A_441 = vector.extract_strided_slice %scan3A_417 {offsets = [11], sizes = [1], strides = [1]} : vector<16xi32> to vector<1xi32>
        %squeeze3A_442 = vector.extract %slice3A_441[0] : i32 from vector<1xi32>
        %slice3A_443 = vector.extract_strided_slice %scan3A_417 {offsets = [12], sizes = [1], strides = [1]} : vector<16xi32> to vector<1xi32>
        %squeeze3A_444 = vector.extract %slice3A_443[0] : i32 from vector<1xi32>
        %slice3A_445 = vector.extract_strided_slice %scan3A_417 {offsets = [13], sizes = [1], strides = [1]} : vector<16xi32> to vector<1xi32>
        %squeeze3A_446 = vector.extract %slice3A_445[0] : i32 from vector<1xi32>
        %slice3A_447 = vector.extract_strided_slice %scan3A_417 {offsets = [14], sizes = [1], strides = [1]} : vector<16xi32> to vector<1xi32>
        %squeeze3A_448 = vector.extract %slice3A_447[0] : i32 from vector<1xi32>
        %slice3A_449 = vector.extract_strided_slice %scan3A_417 {offsets = [15], sizes = [1], strides = [1]} : vector<16xi32> to vector<1xi32>
        %squeeze3A_450 = vector.extract %slice3A_449[0] : i32 from vector<1xi32>
        %min3A_451 = arith.minsi %squeeze3A_420, %squeeze3A_422 : i32
        %min3A_452 = arith.minsi %squeeze3A_424, %squeeze3A_426 : i32
        %min3A_453 = arith.minsi %squeeze3A_428, %squeeze3A_430 : i32
        %min3A_454 = arith.minsi %squeeze3A_432, %squeeze3A_434 : i32
        %min3A_455 = arith.minsi %squeeze3A_436, %squeeze3A_438 : i32
        %min3A_456 = arith.minsi %squeeze3A_440, %squeeze3A_442 : i32
        %min3A_457 = arith.minsi %squeeze3A_444, %squeeze3A_446 : i32
        %min3A_458 = arith.minsi %squeeze3A_448, %squeeze3A_450 : i32
        %min3A_459 = arith.minsi %min3A_451, %min3A_452 : i32
        %min3A_460 = arith.minsi %min3A_453, %min3A_454 : i32
        %min3A_461 = arith.minsi %min3A_455, %min3A_456 : i32
        %min3A_462 = arith.minsi %min3A_457, %min3A_458 : i32
        %min3A_463 = arith.minsi %min3A_459, %min3A_460 : i32
        %min3A_464 = arith.minsi %min3A_461, %min3A_462 : i32
        %min3A_465 = arith.minsi %min3A_463, %min3A_464 : i32
        %lt3A_466 = arith.constant 0 : i32
        %lt3A_467 = arith.cmpi slt, %min3A_465, %lt3A_466 : i32
        %convert_element_type3A_468 = arith.extui %lt3A_467 : i1 to i32
        %cond3A_469 = arith.constant 0 : i32
        %cond3A_470 = arith.cmpi ne, %convert_element_type3A_468, %cond3A_469 : i32
        scf.if %cond3A_470 {
          %scan3A_475 = arith.constant 0 : i32
          %scan3A_476 = arith.constant 0 : i32
          %scan3A_477 = arith.constant 100 : i32
          %scan3A_478 = arith.addi %scan3A_476, %scan3A_477 : i32
          %scan3A_479 = arith.constant 1 : i32
          scf.for %scan3A_481 = %scan3A_476 to %scan3A_478 step %scan3A_479  : i32 {
            %mul3A_482 = arith.constant 16 : i32
            %mul3A_483 = arith.muli %scan3A_481, %mul3A_482 : i32
            %get3A = arith.index_cast %mul3A_483 : i32 to index
            %get3A_484 = tpu.vector_load %arg9[%get3A] {strides = array<i32>} : memref<1600xi32, #tpu.memory_space<vmem>>, vector<16xi32>,
            %get3A_485 = vector.shape_cast %get3A_484 : vector<16xi32> to vector<16xi32>
            %slice3A_486 = vector.extract_strided_slice %get3A_485 {offsets = [0], sizes = [1], strides = [1]} : vector<16xi32> to vector<1xi32>
            %squeeze3A_487 = vector.extract %slice3A_486[0] : i32 from vector<1xi32>
            %eq3A = arith.constant -1 : i32
            %eq3A_488 = arith.cmpi eq, %squeeze3A_487, %eq3A : i32
            %eq3A_489 = arith.constant -2 : i32
            %eq3A_490 = arith.cmpi eq, %squeeze3A_487, %eq3A_489 : i32
            %or3A = arith.ori %eq3A_488, %eq3A_490 : i1
            %convert_element_type3A_491 = arith.extui %or3A : i1 to i32
            %cond3A_492 = arith.constant 0 : i32
            %cond3A_493 = arith.cmpi ne, %convert_element_type3A_491, %cond3A_492 : i32
            scf.if %cond3A_493 {
              %mul3A_644 = arith.constant 16 : i32
              %mul3A_645 = arith.muli %scan3A_481, %mul3A_644 : i32
              %add3A_646 = arith.constant 0 : i32
              %add3A_647 = arith.addi %mul3A_645, %add3A_646 : i32
              %swap3A = arith.index_cast %add3A_647 : i32 to index
              %swap3A_648 = arith.constant 0 : index
              %swap3A_649 = tpu.vector_load %arg13[%swap3A, %swap3A_648] {strides = array<i32>} : memref<1600x32xf32, #tpu.memory_space<vmem>>, vector<1x16xf32>,
              %swap3A_650 = vector.shape_cast %swap3A_649 : vector<1x16xf32> to vector<16xf32>
              %swap3A_651 = vector.shape_cast %broadcast_in_dim3A_5 : vector<16xf32> to vector<1x16xf32>
              tpu.vector_store %arg13[%swap3A, %swap3A_648], %swap3A_651 {strides = array<i32>} : memref<1600x32xf32, #tpu.memory_space<vmem>>, vector<1x16xf32>,
              %swap3A_652 = arith.index_cast %add3A_647 : i32 to index
              %swap3A_653 = arith.constant 16 : index
              %swap3A_654 = tpu.vector_load %arg13[%swap3A_652, %swap3A_653] {strides = array<i32>} : memref<1600x32xf32, #tpu.memory_space<vmem>>, vector<1x16xf32>,
              %swap3A_655 = vector.shape_cast %swap3A_654 : vector<1x16xf32> to vector<16xf32>
              %swap3A_656 = vector.shape_cast %broadcast_in_dim3A_5 : vector<16xf32> to vector<1x16xf32>
              tpu.vector_store %arg13[%swap3A_652, %swap3A_653], %swap3A_656 {strides = array<i32>} : memref<1600x32xf32, #tpu.memory_space<vmem>>, vector<1x16xf32>,
            } else {
            }
            %slice3A_494 = vector.extract_strided_slice %get3A_485 {offsets = [1], sizes = [1], strides = [1]} : vector<16xi32> to vector<1xi32>
            %squeeze3A_495 = vector.extract %slice3A_494[0] : i32 from vector<1xi32>
            %eq3A_496 = arith.constant -1 : i32
            %eq3A_497 = arith.cmpi eq, %squeeze3A_495, %eq3A_496 : i32
            %eq3A_498 = arith.constant -2 : i32
            %eq3A_499 = arith.cmpi eq, %squeeze3A_495, %eq3A_498 : i32
            %or3A_500 = arith.ori %eq3A_497, %eq3A_499 : i1
            %convert_element_type3A_501 = arith.extui %or3A_500 : i1 to i32
            %cond3A_502 = arith.constant 0 : i32
            %cond3A_503 = arith.cmpi ne, %convert_element_type3A_501, %cond3A_502 : i32
            scf.if %cond3A_503 {
              %mul3A_644 = arith.constant 16 : i32
              %mul3A_645 = arith.muli %scan3A_481, %mul3A_644 : i32
              %add3A_646 = arith.constant 1 : i32
              %add3A_647 = arith.addi %mul3A_645, %add3A_646 : i32
              %swap3A = arith.index_cast %add3A_647 : i32 to index
              %swap3A_648 = arith.constant 0 : index
              %swap3A_649 = tpu.vector_load %arg13[%swap3A, %swap3A_648] {strides = array<i32>} : memref<1600x32xf32, #tpu.memory_space<vmem>>, vector<1x16xf32>,
              %swap3A_650 = vector.shape_cast %swap3A_649 : vector<1x16xf32> to vector<16xf32>
              %swap3A_651 = vector.shape_cast %broadcast_in_dim3A_5 : vector<16xf32> to vector<1x16xf32>
              tpu.vector_store %arg13[%swap3A, %swap3A_648], %swap3A_651 {strides = array<i32>} : memref<1600x32xf32, #tpu.memory_space<vmem>>, vector<1x16xf32>,
              %swap3A_652 = arith.index_cast %add3A_647 : i32 to index
              %swap3A_653 = arith.constant 16 : index
              %swap3A_654 = tpu.vector_load %arg13[%swap3A_652, %swap3A_653] {strides = array<i32>} : memref<1600x32xf32, #tpu.memory_space<vmem>>, vector<1x16xf32>,
              %swap3A_655 = vector.shape_cast %swap3A_654 : vector<1x16xf32> to vector<16xf32>
              %swap3A_656 = vector.shape_cast %broadcast_in_dim3A_5 : vector<16xf32> to vector<1x16xf32>
              tpu.vector_store %arg13[%swap3A_652, %swap3A_653], %swap3A_656 {strides = array<i32>} : memref<1600x32xf32, #tpu.memory_space<vmem>>, vector<1x16xf32>,
            } else {
            }
            %slice3A_504 = vector.extract_strided_slice %get3A_485 {offsets = [2], sizes = [1], strides = [1]} : vector<16xi32> to vector<1xi32>
            %squeeze3A_505 = vector.extract %slice3A_504[0] : i32 from vector<1xi32>
            %eq3A_506 = arith.constant -1 : i32
            %eq3A_507 = arith.cmpi eq, %squeeze3A_505, %eq3A_506 : i32
            %eq3A_508 = arith.constant -2 : i32
            %eq3A_509 = arith.cmpi eq, %squeeze3A_505, %eq3A_508 : i32
            %or3A_510 = arith.ori %eq3A_507, %eq3A_509 : i1
            %convert_element_type3A_511 = arith.extui %or3A_510 : i1 to i32
            %cond3A_512 = arith.constant 0 : i32
            %cond3A_513 = arith.cmpi ne, %convert_element_type3A_511, %cond3A_512 : i32
            scf.if %cond3A_513 {
              %mul3A_644 = arith.constant 16 : i32
              %mul3A_645 = arith.muli %scan3A_481, %mul3A_644 : i32
              %add3A_646 = arith.constant 2 : i32
              %add3A_647 = arith.addi %mul3A_645, %add3A_646 : i32
              %swap3A = arith.index_cast %add3A_647 : i32 to index
              %swap3A_648 = arith.constant 0 : index
              %swap3A_649 = tpu.vector_load %arg13[%swap3A, %swap3A_648] {strides = array<i32>} : memref<1600x32xf32, #tpu.memory_space<vmem>>, vector<1x16xf32>,
              %swap3A_650 = vector.shape_cast %swap3A_649 : vector<1x16xf32> to vector<16xf32>
              %swap3A_651 = vector.shape_cast %broadcast_in_dim3A_5 : vector<16xf32> to vector<1x16xf32>
              tpu.vector_store %arg13[%swap3A, %swap3A_648], %swap3A_651 {strides = array<i32>} : memref<1600x32xf32, #tpu.memory_space<vmem>>, vector<1x16xf32>,
              %swap3A_652 = arith.index_cast %add3A_647 : i32 to index
              %swap3A_653 = arith.constant 16 : index
              %swap3A_654 = tpu.vector_load %arg13[%swap3A_652, %swap3A_653] {strides = array<i32>} : memref<1600x32xf32, #tpu.memory_space<vmem>>, vector<1x16xf32>,
              %swap3A_655 = vector.shape_cast %swap3A_654 : vector<1x16xf32> to vector<16xf32>
              %swap3A_656 = vector.shape_cast %broadcast_in_dim3A_5 : vector<16xf32> to vector<1x16xf32>
              tpu.vector_store %arg13[%swap3A_652, %swap3A_653], %swap3A_656 {strides = array<i32>} : memref<1600x32xf32, #tpu.memory_space<vmem>>, vector<1x16xf32>,
            } else {
            }
            %slice3A_514 = vector.extract_strided_slice %get3A_485 {offsets = [3], sizes = [1], strides = [1]} : vector<16xi32> to vector<1xi32>
            %squeeze3A_515 = vector.extract %slice3A_514[0] : i32 from vector<1xi32>
            %eq3A_516 = arith.constant -1 : i32
            %eq3A_517 = arith.cmpi eq, %squeeze3A_515, %eq3A_516 : i32
            %eq3A_518 = arith.constant -2 : i32
            %eq3A_519 = arith.cmpi eq, %squeeze3A_515, %eq3A_518 : i32
            %or3A_520 = arith.ori %eq3A_517, %eq3A_519 : i1
            %convert_element_type3A_521 = arith.extui %or3A_520 : i1 to i32
            %cond3A_522 = arith.constant 0 : i32
            %cond3A_523 = arith.cmpi ne, %convert_element_type3A_521, %cond3A_522 : i32
            scf.if %cond3A_523 {
              %mul3A_644 = arith.constant 16 : i32
              %mul3A_645 = arith.muli %scan3A_481, %mul3A_644 : i32
              %add3A_646 = arith.constant 3 : i32
              %add3A_647 = arith.addi %mul3A_645, %add3A_646 : i32
              %swap3A = arith.index_cast %add3A_647 : i32 to index
              %swap3A_648 = arith.constant 0 : index
              %swap3A_649 = tpu.vector_load %arg13[%swap3A, %swap3A_648] {strides = array<i32>} : memref<1600x32xf32, #tpu.memory_space<vmem>>, vector<1x16xf32>,
              %swap3A_650 = vector.shape_cast %swap3A_649 : vector<1x16xf32> to vector<16xf32>
              %swap3A_651 = vector.shape_cast %broadcast_in_dim3A_5 : vector<16xf32> to vector<1x16xf32>
              tpu.vector_store %arg13[%swap3A, %swap3A_648], %swap3A_651 {strides = array<i32>} : memref<1600x32xf32, #tpu.memory_space<vmem>>, vector<1x16xf32>,
              %swap3A_652 = arith.index_cast %add3A_647 : i32 to index
              %swap3A_653 = arith.constant 16 : index
              %swap3A_654 = tpu.vector_load %arg13[%swap3A_652, %swap3A_653] {strides = array<i32>} : memref<1600x32xf32, #tpu.memory_space<vmem>>, vector<1x16xf32>,
              %swap3A_655 = vector.shape_cast %swap3A_654 : vector<1x16xf32> to vector<16xf32>
              %swap3A_656 = vector.shape_cast %broadcast_in_dim3A_5 : vector<16xf32> to vector<1x16xf32>
              tpu.vector_store %arg13[%swap3A_652, %swap3A_653], %swap3A_656 {strides = array<i32>} : memref<1600x32xf32, #tpu.memory_space<vmem>>, vector<1x16xf32>,
            } else {
            }
            %slice3A_524 = vector.extract_strided_slice %get3A_485 {offsets = [4], sizes = [1], strides = [1]} : vector<16xi32> to vector<1xi32>
            %squeeze3A_525 = vector.extract %slice3A_524[0] : i32 from vector<1xi32>
            %eq3A_526 = arith.constant -1 : i32
            %eq3A_527 = arith.cmpi eq, %squeeze3A_525, %eq3A_526 : i32
            %eq3A_528 = arith.constant -2 : i32
            %eq3A_529 = arith.cmpi eq, %squeeze3A_525, %eq3A_528 : i32
            %or3A_530 = arith.ori %eq3A_527, %eq3A_529 : i1
            %convert_element_type3A_531 = arith.extui %or3A_530 : i1 to i32
            %cond3A_532 = arith.constant 0 : i32
            %cond3A_533 = arith.cmpi ne, %convert_element_type3A_531, %cond3A_532 : i32
            scf.if %cond3A_533 {
              %mul3A_644 = arith.constant 16 : i32
              %mul3A_645 = arith.muli %scan3A_481, %mul3A_644 : i32
              %add3A_646 = arith.constant 4 : i32
              %add3A_647 = arith.addi %mul3A_645, %add3A_646 : i32
              %swap3A = arith.index_cast %add3A_647 : i32 to index
              %swap3A_648 = arith.constant 0 : index
              %swap3A_649 = tpu.vector_load %arg13[%swap3A, %swap3A_648] {strides = array<i32>} : memref<1600x32xf32, #tpu.memory_space<vmem>>, vector<1x16xf32>,
              %swap3A_650 = vector.shape_cast %swap3A_649 : vector<1x16xf32> to vector<16xf32>
              %swap3A_651 = vector.shape_cast %broadcast_in_dim3A_5 : vector<16xf32> to vector<1x16xf32>
              tpu.vector_store %arg13[%swap3A, %swap3A_648], %swap3A_651 {strides = array<i32>} : memref<1600x32xf32, #tpu.memory_space<vmem>>, vector<1x16xf32>,
              %swap3A_652 = arith.index_cast %add3A_647 : i32 to index
              %swap3A_653 = arith.constant 16 : index
              %swap3A_654 = tpu.vector_load %arg13[%swap3A_652, %swap3A_653] {strides = array<i32>} : memref<1600x32xf32, #tpu.memory_space<vmem>>, vector<1x16xf32>,
              %swap3A_655 = vector.shape_cast %swap3A_654 : vector<1x16xf32> to vector<16xf32>
              %swap3A_656 = vector.shape_cast %broadcast_in_dim3A_5 : vector<16xf32> to vector<1x16xf32>
              tpu.vector_store %arg13[%swap3A_652, %swap3A_653], %swap3A_656 {strides = array<i32>} : memref<1600x32xf32, #tpu.memory_space<vmem>>, vector<1x16xf32>,
            } else {
            }
            %slice3A_534 = vector.extract_strided_slice %get3A_485 {offsets = [5], sizes = [1], strides = [1]} : vector<16xi32> to vector<1xi32>
            %squeeze3A_535 = vector.extract %slice3A_534[0] : i32 from vector<1xi32>
            %eq3A_536 = arith.constant -1 : i32
            %eq3A_537 = arith.cmpi eq, %squeeze3A_535, %eq3A_536 : i32
            %eq3A_538 = arith.constant -2 : i32
            %eq3A_539 = arith.cmpi eq, %squeeze3A_535, %eq3A_538 : i32
            %or3A_540 = arith.ori %eq3A_537, %eq3A_539 : i1
            %convert_element_type3A_541 = arith.extui %or3A_540 : i1 to i32
            %cond3A_542 = arith.constant 0 : i32
            %cond3A_543 = arith.cmpi ne, %convert_element_type3A_541, %cond3A_542 : i32
            scf.if %cond3A_543 {
              %mul3A_644 = arith.constant 16 : i32
              %mul3A_645 = arith.muli %scan3A_481, %mul3A_644 : i32
              %add3A_646 = arith.constant 5 : i32
              %add3A_647 = arith.addi %mul3A_645, %add3A_646 : i32
              %swap3A = arith.index_cast %add3A_647 : i32 to index
              %swap3A_648 = arith.constant 0 : index
              %swap3A_649 = tpu.vector_load %arg13[%swap3A, %swap3A_648] {strides = array<i32>} : memref<1600x32xf32, #tpu.memory_space<vmem>>, vector<1x16xf32>,
              %swap3A_650 = vector.shape_cast %swap3A_649 : vector<1x16xf32> to vector<16xf32>
              %swap3A_651 = vector.shape_cast %broadcast_in_dim3A_5 : vector<16xf32> to vector<1x16xf32>
              tpu.vector_store %arg13[%swap3A, %swap3A_648], %swap3A_651 {strides = array<i32>} : memref<1600x32xf32, #tpu.memory_space<vmem>>, vector<1x16xf32>,
              %swap3A_652 = arith.index_cast %add3A_647 : i32 to index
              %swap3A_653 = arith.constant 16 : index
              %swap3A_654 = tpu.vector_load %arg13[%swap3A_652, %swap3A_653] {strides = array<i32>} : memref<1600x32xf32, #tpu.memory_space<vmem>>, vector<1x16xf32>,
              %swap3A_655 = vector.shape_cast %swap3A_654 : vector<1x16xf32> to vector<16xf32>
              %swap3A_656 = vector.shape_cast %broadcast_in_dim3A_5 : vector<16xf32> to vector<1x16xf32>
              tpu.vector_store %arg13[%swap3A_652, %swap3A_653], %swap3A_656 {strides = array<i32>} : memref<1600x32xf32, #tpu.memory_space<vmem>>, vector<1x16xf32>,
            } else {
            }
            %slice3A_544 = vector.extract_strided_slice %get3A_485 {offsets = [6], sizes = [1], strides = [1]} : vector<16xi32> to vector<1xi32>
            %squeeze3A_545 = vector.extract %slice3A_544[0] : i32 from vector<1xi32>
            %eq3A_546 = arith.constant -1 : i32
            %eq3A_547 = arith.cmpi eq, %squeeze3A_545, %eq3A_546 : i32
            %eq3A_548 = arith.constant -2 : i32
            %eq3A_549 = arith.cmpi eq, %squeeze3A_545, %eq3A_548 : i32
            %or3A_550 = arith.ori %eq3A_547, %eq3A_549 : i1
            %convert_element_type3A_551 = arith.extui %or3A_550 : i1 to i32
            %cond3A_552 = arith.constant 0 : i32
            %cond3A_553 = arith.cmpi ne, %convert_element_type3A_551, %cond3A_552 : i32
            scf.if %cond3A_553 {
              %mul3A_644 = arith.constant 16 : i32
              %mul3A_645 = arith.muli %scan3A_481, %mul3A_644 : i32
              %add3A_646 = arith.constant 6 : i32
              %add3A_647 = arith.addi %mul3A_645, %add3A_646 : i32
              %swap3A = arith.index_cast %add3A_647 : i32 to index
              %swap3A_648 = arith.constant 0 : index
              %swap3A_649 = tpu.vector_load %arg13[%swap3A, %swap3A_648] {strides = array<i32>} : memref<1600x32xf32, #tpu.memory_space<vmem>>, vector<1x16xf32>,
              %swap3A_650 = vector.shape_cast %swap3A_649 : vector<1x16xf32> to vector<16xf32>
              %swap3A_651 = vector.shape_cast %broadcast_in_dim3A_5 : vector<16xf32> to vector<1x16xf32>
              tpu.vector_store %arg13[%swap3A, %swap3A_648], %swap3A_651 {strides = array<i32>} : memref<1600x32xf32, #tpu.memory_space<vmem>>, vector<1x16xf32>,
              %swap3A_652 = arith.index_cast %add3A_647 : i32 to index
              %swap3A_653 = arith.constant 16 : index
              %swap3A_654 = tpu.vector_load %arg13[%swap3A_652, %swap3A_653] {strides = array<i32>} : memref<1600x32xf32, #tpu.memory_space<vmem>>, vector<1x16xf32>,
              %swap3A_655 = vector.shape_cast %swap3A_654 : vector<1x16xf32> to vector<16xf32>
              %swap3A_656 = vector.shape_cast %broadcast_in_dim3A_5 : vector<16xf32> to vector<1x16xf32>
              tpu.vector_store %arg13[%swap3A_652, %swap3A_653], %swap3A_656 {strides = array<i32>} : memref<1600x32xf32, #tpu.memory_space<vmem>>, vector<1x16xf32>,
            } else {
            }
            %slice3A_554 = vector.extract_strided_slice %get3A_485 {offsets = [7], sizes = [1], strides = [1]} : vector<16xi32> to vector<1xi32>
            %squeeze3A_555 = vector.extract %slice3A_554[0] : i32 from vector<1xi32>
            %eq3A_556 = arith.constant -1 : i32
            %eq3A_557 = arith.cmpi eq, %squeeze3A_555, %eq3A_556 : i32
            %eq3A_558 = arith.constant -2 : i32
            %eq3A_559 = arith.cmpi eq, %squeeze3A_555, %eq3A_558 : i32
            %or3A_560 = arith.ori %eq3A_557, %eq3A_559 : i1
            %convert_element_type3A_561 = arith.extui %or3A_560 : i1 to i32
            %cond3A_562 = arith.constant 0 : i32
            %cond3A_563 = arith.cmpi ne, %convert_element_type3A_561, %cond3A_562 : i32
            scf.if %cond3A_563 {
              %mul3A_644 = arith.constant 16 : i32
              %mul3A_645 = arith.muli %scan3A_481, %mul3A_644 : i32
              %add3A_646 = arith.constant 7 : i32
              %add3A_647 = arith.addi %mul3A_645, %add3A_646 : i32
              %swap3A = arith.index_cast %add3A_647 : i32 to index
              %swap3A_648 = arith.constant 0 : index
              %swap3A_649 = tpu.vector_load %arg13[%swap3A, %swap3A_648] {strides = array<i32>} : memref<1600x32xf32, #tpu.memory_space<vmem>>, vector<1x16xf32>,
              %swap3A_650 = vector.shape_cast %swap3A_649 : vector<1x16xf32> to vector<16xf32>
              %swap3A_651 = vector.shape_cast %broadcast_in_dim3A_5 : vector<16xf32> to vector<1x16xf32>
              tpu.vector_store %arg13[%swap3A, %swap3A_648], %swap3A_651 {strides = array<i32>} : memref<1600x32xf32, #tpu.memory_space<vmem>>, vector<1x16xf32>,
              %swap3A_652 = arith.index_cast %add3A_647 : i32 to index
              %swap3A_653 = arith.constant 16 : index
              %swap3A_654 = tpu.vector_load %arg13[%swap3A_652, %swap3A_653] {strides = array<i32>} : memref<1600x32xf32, #tpu.memory_space<vmem>>, vector<1x16xf32>,
              %swap3A_655 = vector.shape_cast %swap3A_654 : vector<1x16xf32> to vector<16xf32>
              %swap3A_656 = vector.shape_cast %broadcast_in_dim3A_5 : vector<16xf32> to vector<1x16xf32>
              tpu.vector_store %arg13[%swap3A_652, %swap3A_653], %swap3A_656 {strides = array<i32>} : memref<1600x32xf32, #tpu.memory_space<vmem>>, vector<1x16xf32>,
            } else {
            }
            %slice3A_564 = vector.extract_strided_slice %get3A_485 {offsets = [8], sizes = [1], strides = [1]} : vector<16xi32> to vector<1xi32>
            %squeeze3A_565 = vector.extract %slice3A_564[0] : i32 from vector<1xi32>
            %eq3A_566 = arith.constant -1 : i32
            %eq3A_567 = arith.cmpi eq, %squeeze3A_565, %eq3A_566 : i32
            %eq3A_568 = arith.constant -2 : i32
            %eq3A_569 = arith.cmpi eq, %squeeze3A_565, %eq3A_568 : i32
            %or3A_570 = arith.ori %eq3A_567, %eq3A_569 : i1
            %convert_element_type3A_571 = arith.extui %or3A_570 : i1 to i32
            %cond3A_572 = arith.constant 0 : i32
            %cond3A_573 = arith.cmpi ne, %convert_element_type3A_571, %cond3A_572 : i32
            scf.if %cond3A_573 {
              %mul3A_644 = arith.constant 16 : i32
              %mul3A_645 = arith.muli %scan3A_481, %mul3A_644 : i32
              %add3A_646 = arith.constant 8 : i32
              %add3A_647 = arith.addi %mul3A_645, %add3A_646 : i32
              %swap3A = arith.index_cast %add3A_647 : i32 to index
              %swap3A_648 = arith.constant 0 : index
              %swap3A_649 = tpu.vector_load %arg13[%swap3A, %swap3A_648] {strides = array<i32>} : memref<1600x32xf32, #tpu.memory_space<vmem>>, vector<1x16xf32>,
              %swap3A_650 = vector.shape_cast %swap3A_649 : vector<1x16xf32> to vector<16xf32>
              %swap3A_651 = vector.shape_cast %broadcast_in_dim3A_5 : vector<16xf32> to vector<1x16xf32>
              tpu.vector_store %arg13[%swap3A, %swap3A_648], %swap3A_651 {strides = array<i32>} : memref<1600x32xf32, #tpu.memory_space<vmem>>, vector<1x16xf32>,
              %swap3A_652 = arith.index_cast %add3A_647 : i32 to index
              %swap3A_653 = arith.constant 16 : index
              %swap3A_654 = tpu.vector_load %arg13[%swap3A_652, %swap3A_653] {strides = array<i32>} : memref<1600x32xf32, #tpu.memory_space<vmem>>, vector<1x16xf32>,
              %swap3A_655 = vector.shape_cast %swap3A_654 : vector<1x16xf32> to vector<16xf32>
              %swap3A_656 = vector.shape_cast %broadcast_in_dim3A_5 : vector<16xf32> to vector<1x16xf32>
              tpu.vector_store %arg13[%swap3A_652, %swap3A_653], %swap3A_656 {strides = array<i32>} : memref<1600x32xf32, #tpu.memory_space<vmem>>, vector<1x16xf32>,
            } else {
            }
            %slice3A_574 = vector.extract_strided_slice %get3A_485 {offsets = [9], sizes = [1], strides = [1]} : vector<16xi32> to vector<1xi32>
            %squeeze3A_575 = vector.extract %slice3A_574[0] : i32 from vector<1xi32>
            %eq3A_576 = arith.constant -1 : i32
            %eq3A_577 = arith.cmpi eq, %squeeze3A_575, %eq3A_576 : i32
            %eq3A_578 = arith.constant -2 : i32
            %eq3A_579 = arith.cmpi eq, %squeeze3A_575, %eq3A_578 : i32
            %or3A_580 = arith.ori %eq3A_577, %eq3A_579 : i1
            %convert_element_type3A_581 = arith.extui %or3A_580 : i1 to i32
            %cond3A_582 = arith.constant 0 : i32
            %cond3A_583 = arith.cmpi ne, %convert_element_type3A_581, %cond3A_582 : i32
            scf.if %cond3A_583 {
              %mul3A_644 = arith.constant 16 : i32
              %mul3A_645 = arith.muli %scan3A_481, %mul3A_644 : i32
              %add3A_646 = arith.constant 9 : i32
              %add3A_647 = arith.addi %mul3A_645, %add3A_646 : i32
              %swap3A = arith.index_cast %add3A_647 : i32 to index
              %swap3A_648 = arith.constant 0 : index
              %swap3A_649 = tpu.vector_load %arg13[%swap3A, %swap3A_648] {strides = array<i32>} : memref<1600x32xf32, #tpu.memory_space<vmem>>, vector<1x16xf32>,
              %swap3A_650 = vector.shape_cast %swap3A_649 : vector<1x16xf32> to vector<16xf32>
              %swap3A_651 = vector.shape_cast %broadcast_in_dim3A_5 : vector<16xf32> to vector<1x16xf32>
              tpu.vector_store %arg13[%swap3A, %swap3A_648], %swap3A_651 {strides = array<i32>} : memref<1600x32xf32, #tpu.memory_space<vmem>>, vector<1x16xf32>,
              %swap3A_652 = arith.index_cast %add3A_647 : i32 to index
              %swap3A_653 = arith.constant 16 : index
              %swap3A_654 = tpu.vector_load %arg13[%swap3A_652, %swap3A_653] {strides = array<i32>} : memref<1600x32xf32, #tpu.memory_space<vmem>>, vector<1x16xf32>,
              %swap3A_655 = vector.shape_cast %swap3A_654 : vector<1x16xf32> to vector<16xf32>
              %swap3A_656 = vector.shape_cast %broadcast_in_dim3A_5 : vector<16xf32> to vector<1x16xf32>
              tpu.vector_store %arg13[%swap3A_652, %swap3A_653], %swap3A_656 {strides = array<i32>} : memref<1600x32xf32, #tpu.memory_space<vmem>>, vector<1x16xf32>,
            } else {
            }
            %slice3A_584 = vector.extract_strided_slice %get3A_485 {offsets = [10], sizes = [1], strides = [1]} : vector<16xi32> to vector<1xi32>
            %squeeze3A_585 = vector.extract %slice3A_584[0] : i32 from vector<1xi32>
            %eq3A_586 = arith.constant -1 : i32
            %eq3A_587 = arith.cmpi eq, %squeeze3A_585, %eq3A_586 : i32
            %eq3A_588 = arith.constant -2 : i32
            %eq3A_589 = arith.cmpi eq, %squeeze3A_585, %eq3A_588 : i32
            %or3A_590 = arith.ori %eq3A_587, %eq3A_589 : i1
            %convert_element_type3A_591 = arith.extui %or3A_590 : i1 to i32
            %cond3A_592 = arith.constant 0 : i32
            %cond3A_593 = arith.cmpi ne, %convert_element_type3A_591, %cond3A_592 : i32
            scf.if %cond3A_593 {
              %mul3A_644 = arith.constant 16 : i32
              %mul3A_645 = arith.muli %scan3A_481, %mul3A_644 : i32
              %add3A_646 = arith.constant 10 : i32
              %add3A_647 = arith.addi %mul3A_645, %add3A_646 : i32
              %swap3A = arith.index_cast %add3A_647 : i32 to index
              %swap3A_648 = arith.constant 0 : index
              %swap3A_649 = tpu.vector_load %arg13[%swap3A, %swap3A_648] {strides = array<i32>} : memref<1600x32xf32, #tpu.memory_space<vmem>>, vector<1x16xf32>,
              %swap3A_650 = vector.shape_cast %swap3A_649 : vector<1x16xf32> to vector<16xf32>
              %swap3A_651 = vector.shape_cast %broadcast_in_dim3A_5 : vector<16xf32> to vector<1x16xf32>
              tpu.vector_store %arg13[%swap3A, %swap3A_648], %swap3A_651 {strides = array<i32>} : memref<1600x32xf32, #tpu.memory_space<vmem>>, vector<1x16xf32>,
              %swap3A_652 = arith.index_cast %add3A_647 : i32 to index
              %swap3A_653 = arith.constant 16 : index
              %swap3A_654 = tpu.vector_load %arg13[%swap3A_652, %swap3A_653] {strides = array<i32>} : memref<1600x32xf32, #tpu.memory_space<vmem>>, vector<1x16xf32>,
              %swap3A_655 = vector.shape_cast %swap3A_654 : vector<1x16xf32> to vector<16xf32>
              %swap3A_656 = vector.shape_cast %broadcast_in_dim3A_5 : vector<16xf32> to vector<1x16xf32>
              tpu.vector_store %arg13[%swap3A_652, %swap3A_653], %swap3A_656 {strides = array<i32>} : memref<1600x32xf32, #tpu.memory_space<vmem>>, vector<1x16xf32>,
            } else {
            }
            %slice3A_594 = vector.extract_strided_slice %get3A_485 {offsets = [11], sizes = [1], strides = [1]} : vector<16xi32> to vector<1xi32>
            %squeeze3A_595 = vector.extract %slice3A_594[0] : i32 from vector<1xi32>
            %eq3A_596 = arith.constant -1 : i32
            %eq3A_597 = arith.cmpi eq, %squeeze3A_595, %eq3A_596 : i32
            %eq3A_598 = arith.constant -2 : i32
            %eq3A_599 = arith.cmpi eq, %squeeze3A_595, %eq3A_598 : i32
            %or3A_600 = arith.ori %eq3A_597, %eq3A_599 : i1
            %convert_element_type3A_601 = arith.extui %or3A_600 : i1 to i32
            %cond3A_602 = arith.constant 0 : i32
            %cond3A_603 = arith.cmpi ne, %convert_element_type3A_601, %cond3A_602 : i32
            scf.if %cond3A_603 {
              %mul3A_644 = arith.constant 16 : i32
              %mul3A_645 = arith.muli %scan3A_481, %mul3A_644 : i32
              %add3A_646 = arith.constant 11 : i32
              %add3A_647 = arith.addi %mul3A_645, %add3A_646 : i32
              %swap3A = arith.index_cast %add3A_647 : i32 to index
              %swap3A_648 = arith.constant 0 : index
              %swap3A_649 = tpu.vector_load %arg13[%swap3A, %swap3A_648] {strides = array<i32>} : memref<1600x32xf32, #tpu.memory_space<vmem>>, vector<1x16xf32>,
              %swap3A_650 = vector.shape_cast %swap3A_649 : vector<1x16xf32> to vector<16xf32>
              %swap3A_651 = vector.shape_cast %broadcast_in_dim3A_5 : vector<16xf32> to vector<1x16xf32>
              tpu.vector_store %arg13[%swap3A, %swap3A_648], %swap3A_651 {strides = array<i32>} : memref<1600x32xf32, #tpu.memory_space<vmem>>, vector<1x16xf32>,
              %swap3A_652 = arith.index_cast %add3A_647 : i32 to index
              %swap3A_653 = arith.constant 16 : index
              %swap3A_654 = tpu.vector_load %arg13[%swap3A_652, %swap3A_653] {strides = array<i32>} : memref<1600x32xf32, #tpu.memory_space<vmem>>, vector<1x16xf32>,
              %swap3A_655 = vector.shape_cast %swap3A_654 : vector<1x16xf32> to vector<16xf32>
              %swap3A_656 = vector.shape_cast %broadcast_in_dim3A_5 : vector<16xf32> to vector<1x16xf32>
              tpu.vector_store %arg13[%swap3A_652, %swap3A_653], %swap3A_656 {strides = array<i32>} : memref<1600x32xf32, #tpu.memory_space<vmem>>, vector<1x16xf32>,
            } else {
            }
            %slice3A_604 = vector.extract_strided_slice %get3A_485 {offsets = [12], sizes = [1], strides = [1]} : vector<16xi32> to vector<1xi32>
            %squeeze3A_605 = vector.extract %slice3A_604[0] : i32 from vector<1xi32>
            %eq3A_606 = arith.constant -1 : i32
            %eq3A_607 = arith.cmpi eq, %squeeze3A_605, %eq3A_606 : i32
            %eq3A_608 = arith.constant -2 : i32
            %eq3A_609 = arith.cmpi eq, %squeeze3A_605, %eq3A_608 : i32
            %or3A_610 = arith.ori %eq3A_607, %eq3A_609 : i1
            %convert_element_type3A_611 = arith.extui %or3A_610 : i1 to i32
            %cond3A_612 = arith.constant 0 : i32
            %cond3A_613 = arith.cmpi ne, %convert_element_type3A_611, %cond3A_612 : i32
            scf.if %cond3A_613 {
              %mul3A_644 = arith.constant 16 : i32
              %mul3A_645 = arith.muli %scan3A_481, %mul3A_644 : i32
              %add3A_646 = arith.constant 12 : i32
              %add3A_647 = arith.addi %mul3A_645, %add3A_646 : i32
              %swap3A = arith.index_cast %add3A_647 : i32 to index
              %swap3A_648 = arith.constant 0 : index
              %swap3A_649 = tpu.vector_load %arg13[%swap3A, %swap3A_648] {strides = array<i32>} : memref<1600x32xf32, #tpu.memory_space<vmem>>, vector<1x16xf32>,
              %swap3A_650 = vector.shape_cast %swap3A_649 : vector<1x16xf32> to vector<16xf32>
              %swap3A_651 = vector.shape_cast %broadcast_in_dim3A_5 : vector<16xf32> to vector<1x16xf32>
              tpu.vector_store %arg13[%swap3A, %swap3A_648], %swap3A_651 {strides = array<i32>} : memref<1600x32xf32, #tpu.memory_space<vmem>>, vector<1x16xf32>,
              %swap3A_652 = arith.index_cast %add3A_647 : i32 to index
              %swap3A_653 = arith.constant 16 : index
              %swap3A_654 = tpu.vector_load %arg13[%swap3A_652, %swap3A_653] {strides = array<i32>} : memref<1600x32xf32, #tpu.memory_space<vmem>>, vector<1x16xf32>,
              %swap3A_655 = vector.shape_cast %swap3A_654 : vector<1x16xf32> to vector<16xf32>
              %swap3A_656 = vector.shape_cast %broadcast_in_dim3A_5 : vector<16xf32> to vector<1x16xf32>
              tpu.vector_store %arg13[%swap3A_652, %swap3A_653], %swap3A_656 {strides = array<i32>} : memref<1600x32xf32, #tpu.memory_space<vmem>>, vector<1x16xf32>,
            } else {
            }
            %slice3A_614 = vector.extract_strided_slice %get3A_485 {offsets = [13], sizes = [1], strides = [1]} : vector<16xi32> to vector<1xi32>
            %squeeze3A_615 = vector.extract %slice3A_614[0] : i32 from vector<1xi32>
            %eq3A_616 = arith.constant -1 : i32
            %eq3A_617 = arith.cmpi eq, %squeeze3A_615, %eq3A_616 : i32
            %eq3A_618 = arith.constant -2 : i32
            %eq3A_619 = arith.cmpi eq, %squeeze3A_615, %eq3A_618 : i32
            %or3A_620 = arith.ori %eq3A_617, %eq3A_619 : i1
            %convert_element_type3A_621 = arith.extui %or3A_620 : i1 to i32
            %cond3A_622 = arith.constant 0 : i32
            %cond3A_623 = arith.cmpi ne, %convert_element_type3A_621, %cond3A_622 : i32
            scf.if %cond3A_623 {
              %mul3A_644 = arith.constant 16 : i32
              %mul3A_645 = arith.muli %scan3A_481, %mul3A_644 : i32
              %add3A_646 = arith.constant 13 : i32
              %add3A_647 = arith.addi %mul3A_645, %add3A_646 : i32
              %swap3A = arith.index_cast %add3A_647 : i32 to index
              %swap3A_648 = arith.constant 0 : index
              %swap3A_649 = tpu.vector_load %arg13[%swap3A, %swap3A_648] {strides = array<i32>} : memref<1600x32xf32, #tpu.memory_space<vmem>>, vector<1x16xf32>,
              %swap3A_650 = vector.shape_cast %swap3A_649 : vector<1x16xf32> to vector<16xf32>
              %swap3A_651 = vector.shape_cast %broadcast_in_dim3A_5 : vector<16xf32> to vector<1x16xf32>
              tpu.vector_store %arg13[%swap3A, %swap3A_648], %swap3A_651 {strides = array<i32>} : memref<1600x32xf32, #tpu.memory_space<vmem>>, vector<1x16xf32>,
              %swap3A_652 = arith.index_cast %add3A_647 : i32 to index
              %swap3A_653 = arith.constant 16 : index
              %swap3A_654 = tpu.vector_load %arg13[%swap3A_652, %swap3A_653] {strides = array<i32>} : memref<1600x32xf32, #tpu.memory_space<vmem>>, vector<1x16xf32>,
              %swap3A_655 = vector.shape_cast %swap3A_654 : vector<1x16xf32> to vector<16xf32>
              %swap3A_656 = vector.shape_cast %broadcast_in_dim3A_5 : vector<16xf32> to vector<1x16xf32>
              tpu.vector_store %arg13[%swap3A_652, %swap3A_653], %swap3A_656 {strides = array<i32>} : memref<1600x32xf32, #tpu.memory_space<vmem>>, vector<1x16xf32>,
            } else {
            }
            %slice3A_624 = vector.extract_strided_slice %get3A_485 {offsets = [14], sizes = [1], strides = [1]} : vector<16xi32> to vector<1xi32>
            %squeeze3A_625 = vector.extract %slice3A_624[0] : i32 from vector<1xi32>
            %eq3A_626 = arith.constant -1 : i32
            %eq3A_627 = arith.cmpi eq, %squeeze3A_625, %eq3A_626 : i32
            %eq3A_628 = arith.constant -2 : i32
            %eq3A_629 = arith.cmpi eq, %squeeze3A_625, %eq3A_628 : i32
            %or3A_630 = arith.ori %eq3A_627, %eq3A_629 : i1
            %convert_element_type3A_631 = arith.extui %or3A_630 : i1 to i32
            %cond3A_632 = arith.constant 0 : i32
            %cond3A_633 = arith.cmpi ne, %convert_element_type3A_631, %cond3A_632 : i32
            scf.if %cond3A_633 {
              %mul3A_644 = arith.constant 16 : i32
              %mul3A_645 = arith.muli %scan3A_481, %mul3A_644 : i32
              %add3A_646 = arith.constant 14 : i32
              %add3A_647 = arith.addi %mul3A_645, %add3A_646 : i32
              %swap3A = arith.index_cast %add3A_647 : i32 to index
              %swap3A_648 = arith.constant 0 : index
              %swap3A_649 = tpu.vector_load %arg13[%swap3A, %swap3A_648] {strides = array<i32>} : memref<1600x32xf32, #tpu.memory_space<vmem>>, vector<1x16xf32>,
              %swap3A_650 = vector.shape_cast %swap3A_649 : vector<1x16xf32> to vector<16xf32>
              %swap3A_651 = vector.shape_cast %broadcast_in_dim3A_5 : vector<16xf32> to vector<1x16xf32>
              tpu.vector_store %arg13[%swap3A, %swap3A_648], %swap3A_651 {strides = array<i32>} : memref<1600x32xf32, #tpu.memory_space<vmem>>, vector<1x16xf32>,
              %swap3A_652 = arith.index_cast %add3A_647 : i32 to index
              %swap3A_653 = arith.constant 16 : index
              %swap3A_654 = tpu.vector_load %arg13[%swap3A_652, %swap3A_653] {strides = array<i32>} : memref<1600x32xf32, #tpu.memory_space<vmem>>, vector<1x16xf32>,
              %swap3A_655 = vector.shape_cast %swap3A_654 : vector<1x16xf32> to vector<16xf32>
              %swap3A_656 = vector.shape_cast %broadcast_in_dim3A_5 : vector<16xf32> to vector<1x16xf32>
              tpu.vector_store %arg13[%swap3A_652, %swap3A_653], %swap3A_656 {strides = array<i32>} : memref<1600x32xf32, #tpu.memory_space<vmem>>, vector<1x16xf32>,
            } else {
            }
            %slice3A_634 = vector.extract_strided_slice %get3A_485 {offsets = [15], sizes = [1], strides = [1]} : vector<16xi32> to vector<1xi32>
            %squeeze3A_635 = vector.extract %slice3A_634[0] : i32 from vector<1xi32>
            %eq3A_636 = arith.constant -1 : i32
            %eq3A_637 = arith.cmpi eq, %squeeze3A_635, %eq3A_636 : i32
            %eq3A_638 = arith.constant -2 : i32
            %eq3A_639 = arith.cmpi eq, %squeeze3A_635, %eq3A_638 : i32
            %or3A_640 = arith.ori %eq3A_637, %eq3A_639 : i1
            %convert_element_type3A_641 = arith.extui %or3A_640 : i1 to i32
            %cond3A_642 = arith.constant 0 : i32
            %cond3A_643 = arith.cmpi ne, %convert_element_type3A_641, %cond3A_642 : i32
            scf.if %cond3A_643 {
              %mul3A_644 = arith.constant 16 : i32
              %mul3A_645 = arith.muli %scan3A_481, %mul3A_644 : i32
              %add3A_646 = arith.constant 15 : i32
              %add3A_647 = arith.addi %mul3A_645, %add3A_646 : i32
              %swap3A = arith.index_cast %add3A_647 : i32 to index
              %swap3A_648 = arith.constant 0 : index
              %swap3A_649 = tpu.vector_load %arg13[%swap3A, %swap3A_648] {strides = array<i32>} : memref<1600x32xf32, #tpu.memory_space<vmem>>, vector<1x16xf32>,
              %swap3A_650 = vector.shape_cast %swap3A_649 : vector<1x16xf32> to vector<16xf32>
              %swap3A_651 = vector.shape_cast %broadcast_in_dim3A_5 : vector<16xf32> to vector<1x16xf32>
              tpu.vector_store %arg13[%swap3A, %swap3A_648], %swap3A_651 {strides = array<i32>} : memref<1600x32xf32, #tpu.memory_space<vmem>>, vector<1x16xf32>,
              %swap3A_652 = arith.index_cast %add3A_647 : i32 to index
              %swap3A_653 = arith.constant 16 : index
              %swap3A_654 = tpu.vector_load %arg13[%swap3A_652, %swap3A_653] {strides = array<i32>} : memref<1600x32xf32, #tpu.memory_space<vmem>>, vector<1x16xf32>,
              %swap3A_655 = vector.shape_cast %swap3A_654 : vector<1x16xf32> to vector<16xf32>
              %swap3A_656 = vector.shape_cast %broadcast_in_dim3A_5 : vector<16xf32> to vector<1x16xf32>
              tpu.vector_store %arg13[%swap3A_652, %swap3A_653], %swap3A_656 {strides = array<i32>} : memref<1600x32xf32, #tpu.memory_space<vmem>>, vector<1x16xf32>,
            } else {
            }
          }
          %scan3A_480 = arith.constant 100 : i32
        } else {
        }
        %dma_start3A_471 = arith.constant 0 : i32
        %dma_start3A_472 = tpu.memref_slice %arg5[%add3A_348, %dma_start3A_471] : memref<819200x32xf32, #tpu.memory_space<hbm>> -> memref<1600x32xf32, #tpu.memory_space<hbm>>
        %dma_start3A_473 = arith.constant 0 : i32
        %dma_start3A_474 = tpu.memref_slice %arg5[%add3A_348, %dma_start3A_473] : memref<819200x32xf32, #tpu.memory_space<hbm>> -> memref<1600x32xf32, #tpu.memory_space<hbm>>
        tpu.enqueue_dma source(%arg13 : memref<1600x32xf32, #tpu.memory_space<vmem>>) target(%dma_start3A_474 : memref<1600x32xf32, #tpu.memory_space<hbm>>) target_semaphore(%arg33 : memref<!tpu.dma_semaphore, #tpu.memory_space<semaphore_mem>>)
      } else {
      }
      %add3A_239 = arith.constant 1 : i32
      %add3A_240 = arith.addi %add3A_151, %add3A_239 : i32
      %lt3A_241 = arith.constant 16 : i32
      %lt3A_242 = arith.cmpi slt, %add3A_240, %lt3A_241 : i32
      %convert_element_type3A_243 = arith.extui %lt3A_242 : i1 to i32
      %cond3A_244 = arith.constant 0 : i32
      %cond3A_245 = arith.cmpi ne, %convert_element_type3A_243, %cond3A_244 : i32
      scf.if %cond3A_245 {
        %add3A_345 = arith.constant 1600 : i32
        %add3A_346 = arith.addi %add3A_154, %add3A_345 : i32
        %dma_start3A_347 = tpu.memref_slice %arg2[%add3A_346] : memref<819200xi32, #tpu.memory_space<hbm>> -> memref<1600xi32, #tpu.memory_space<hbm>>
        %dma_start3A_348 = tpu.memref_slice %arg2[%add3A_346] : memref<819200xi32, #tpu.memory_space<hbm>> -> memref<1600xi32, #tpu.memory_space<hbm>>
        tpu.enqueue_dma source(%dma_start3A_348 : memref<1600xi32, #tpu.memory_space<hbm>>) target(%arg7 : memref<1600xi32, #tpu.memory_space<vmem>>) target_semaphore(%arg15 : memref<!tpu.dma_semaphore, #tpu.memory_space<semaphore_mem>>)
        %dma_start3A_349 = tpu.memref_slice %arg3[%add3A_346] : memref<819200xi32, #tpu.memory_space<hbm>> -> memref<1600xi32, #tpu.memory_space<hbm>>
        %dma_start3A_350 = tpu.memref_slice %arg3[%add3A_346] : memref<819200xi32, #tpu.memory_space<hbm>> -> memref<1600xi32, #tpu.memory_space<hbm>>
        tpu.enqueue_dma source(%dma_start3A_350 : memref<1600xi32, #tpu.memory_space<hbm>>) target(%arg9 : memref<1600xi32, #tpu.memory_space<vmem>>) target_semaphore(%arg15 : memref<!tpu.dma_semaphore, #tpu.memory_space<semaphore_mem>>)
      } else {
      }
      %mul3A_246 = arith.constant 2 : i32
      %mul3A_247 = arith.muli %mul3A_246, %scan3A_147 : i32
      %add3A_248 = arith.constant 1 : i32
      %add3A_249 = arith.addi %mul3A_247, %add3A_248 : i32
      %mul3A_250 = arith.constant 1600 : i32
      %mul3A_251 = arith.muli %add3A_249, %mul3A_250 : i32
      %add3A_252 = arith.addi %mul3A_2, %mul3A_251 : i32
      %dma_wait3A_253 = tpu.memref_slice %arg2[%add3A_252] : memref<819200xi32, #tpu.memory_space<hbm>> -> memref<1600xi32, #tpu.memory_space<hbm>>
      %dma_wait3A_254 = tpu.memref_slice %arg2[%add3A_252] : memref<819200xi32, #tpu.memory_space<hbm>> -> memref<1600xi32, #tpu.memory_space<hbm>>
      tpu.wait_dma2 semaphore(%arg15 : memref<!tpu.dma_semaphore, #tpu.memory_space<semaphore_mem>>) src(%dma_wait3A_254 : memref<1600xi32, #tpu.memory_space<hbm>>) dst(%arg7 : memref<1600xi32, #tpu.memory_space<vmem>>)
      %dma_wait3A_255 = tpu.memref_slice %arg3[%add3A_252] : memref<819200xi32, #tpu.memory_space<hbm>> -> memref<1600xi32, #tpu.memory_space<hbm>>
      %dma_wait3A_256 = tpu.memref_slice %arg3[%add3A_252] : memref<819200xi32, #tpu.memory_space<hbm>> -> memref<1600xi32, #tpu.memory_space<hbm>>
      tpu.wait_dma2 semaphore(%arg15 : memref<!tpu.dma_semaphore, #tpu.memory_space<semaphore_mem>>) src(%dma_wait3A_256 : memref<1600xi32, #tpu.memory_space<hbm>>) dst(%arg9 : memref<1600xi32, #tpu.memory_space<vmem>>)
      %scan3A_257 = arith.constant 0 : i32
      %scan3A_258 = arith.constant 0 : i32
      %scan3A_259 = arith.constant 100 : i32
      %scan3A_260 = arith.addi %scan3A_258, %scan3A_259 : i32
      %scan3A_261 = arith.constant 1 : i32
      %scan3A_262 = scf.for %scan3A_345 = %scan3A_258 to %scan3A_260 step %scan3A_261 iter_args(%scan3A_346 = %scan3A_257) -> (i32)  : i32 {
        %mul3A_347 = arith.constant 16 : i32
        %mul3A_348 = arith.muli %scan3A_345, %mul3A_347 : i32
        %get3A = arith.index_cast %mul3A_348 : i32 to index
        %get3A_349 = tpu.vector_load %arg7[%get3A] {strides = array<i32>} : memref<1600xi32, #tpu.memory_space<vmem>>, vector<16xi32>,
        %get3A_350 = vector.shape_cast %get3A_349 : vector<16xi32> to vector<16xi32>
        %eq3A = arith.constant -2 : i32
        %eq3A_351 = vector.broadcast %eq3A : i32 to vector<16xi32>
        %eq3A_352 = arith.cmpi eq, %get3A_350, %eq3A_351 : vector<16xi32>
        %jit3A = arith.constant 1000000 : i32
        %broadcast_in_dim3A_353 = vector.broadcast %jit3A : i32 to vector<16xi32>
        %select_n3A = arith.select %eq3A_352, %broadcast_in_dim3A_353, %get3A_350 : vector<16xi1>, vector<16xi32>
        %swap3A = arith.index_cast %mul3A_348 : i32 to index
        %swap3A_354 = tpu.vector_load %arg11[%swap3A] {strides = array<i32>} : memref<1600xi32, #tpu.memory_space<vmem>>, vector<16xi32>,
        %swap3A_355 = vector.shape_cast %swap3A_354 : vector<16xi32> to vector<16xi32>
        %swap3A_356 = vector.shape_cast %select_n3A : vector<16xi32> to vector<16xi32>
        tpu.vector_store %arg11[%swap3A], %swap3A_356 {strides = array<i32>} : memref<1600xi32, #tpu.memory_space<vmem>>, vector<16xi32>,
        %scan3A_357 = arith.constant 0 : i32
        scf.yield %scan3A_357 : i32
      }
      %scan3A_263 = arith.constant 100 : i32
      %ge3A_264 = arith.constant 2 : i32
      %ge3A_265 = arith.cmpi sge, %add3A_249, %ge3A_264 : i32
      %convert_element_type3A_266 = arith.extui %ge3A_265 : i1 to i32
      %cond3A_267 = arith.constant 0 : i32
      %cond3A_268 = arith.cmpi ne, %convert_element_type3A_266, %cond3A_267 : i32
      scf.if %cond3A_268 {
        %sub3A = arith.constant 2 : i32
        %sub3A_345 = arith.subi %add3A_249, %sub3A : i32
        %mul3A_346 = arith.constant 1600 : i32
        %mul3A_347 = arith.muli %sub3A_345, %mul3A_346 : i32
        %add3A_348 = arith.addi %mul3A_2, %mul3A_347 : i32
        %dma_wait3A_349 = arith.constant 0 : i32
        %dma_wait3A_350 = tpu.memref_slice %arg5[%add3A_348, %dma_wait3A_349] : memref<819200x32xf32, #tpu.memory_space<hbm>> -> memref<1600x32xf32, #tpu.memory_space<hbm>>
        %dma_wait3A_351 = arith.constant 0 : i32
        %dma_wait3A_352 = tpu.memref_slice %arg5[%add3A_348, %dma_wait3A_351] : memref<819200x32xf32, #tpu.memory_space<hbm>> -> memref<1600x32xf32, #tpu.memory_space<hbm>>
        tpu.wait_dma2 semaphore(%arg33 : memref<!tpu.dma_semaphore, #tpu.memory_space<semaphore_mem>>) src(%arg13 : memref<1600x32xf32, #tpu.memory_space<vmem>>) dst(%dma_wait3A_352 : memref<1600x32xf32, #tpu.memory_space<hbm>>)
      } else {
      }
      %dma_start3A_269 = arith.constant 0 : i32
      %dma_start3A_270 = arith.constant 0 : i32
      %dma_start3A_271 = tpu.memref_slice %arg13[%dma_start3A_269, %dma_start3A_270] : memref<1600x32xf32, #tpu.memory_space<vmem>> -> memref<200x32xf32, #tpu.memory_space<vmem>>
      %dma_start3A_272 = arith.constant 0 : i32
      %dma_start3A_273 = tpu.memref_slice %arg11[%dma_start3A_272] : memref<1600xi32, #tpu.memory_space<vmem>> -> memref<200xi32, #tpu.memory_space<vmem>>
      %dma_start3A_274 = arith.constant 0 : i32
      %dma_start3A_275 = arith.constant 0 : i32
      %dma_start3A_276 = tpu.memref_slice %arg4[%dma_start3A_274, %dma_start3A_275] : memref<1000001x32xf32, #tpu.memory_space<hbm>> -> memref<1000001x32xf32, #tpu.memory_space<hbm>>
      tpu.enqueue_indirect_dma source(%dma_start3A_276 : memref<1000001x32xf32, #tpu.memory_space<hbm>>) target(%dma_start3A_271 : memref<200x32xf32, #tpu.memory_space<vmem>>) offsets(%dma_start3A_273 : memref<200xi32, #tpu.memory_space<vmem>>) semaphore(%arg24 : memref<!tpu.dma_semaphore, #tpu.memory_space<semaphore_mem>>)
      %dma_start3A_277 = arith.constant 200 : i32
      %dma_start3A_278 = arith.constant 0 : i32
      %dma_start3A_279 = tpu.memref_slice %arg13[%dma_start3A_277, %dma_start3A_278] : memref<1600x32xf32, #tpu.memory_space<vmem>> -> memref<200x32xf32, #tpu.memory_space<vmem>>
      %dma_start3A_280 = arith.constant 200 : i32
      %dma_start3A_281 = tpu.memref_slice %arg11[%dma_start3A_280] : memref<1600xi32, #tpu.memory_space<vmem>> -> memref<200xi32, #tpu.memory_space<vmem>>
      %dma_start3A_282 = arith.constant 0 : i32
      %dma_start3A_283 = arith.constant 0 : i32
      %dma_start3A_284 = tpu.memref_slice %arg4[%dma_start3A_282, %dma_start3A_283] : memref<1000001x32xf32, #tpu.memory_space<hbm>> -> memref<1000001x32xf32, #tpu.memory_space<hbm>>
      tpu.enqueue_indirect_dma source(%dma_start3A_284 : memref<1000001x32xf32, #tpu.memory_space<hbm>>) target(%dma_start3A_279 : memref<200x32xf32, #tpu.memory_space<vmem>>) offsets(%dma_start3A_281 : memref<200xi32, #tpu.memory_space<vmem>>) semaphore(%arg25 : memref<!tpu.dma_semaphore, #tpu.memory_space<semaphore_mem>>)
      %dma_start3A_285 = arith.constant 400 : i32
      %dma_start3A_286 = arith.constant 0 : i32
      %dma_start3A_287 = tpu.memref_slice %arg13[%dma_start3A_285, %dma_start3A_286] : memref<1600x32xf32, #tpu.memory_space<vmem>> -> memref<200x32xf32, #tpu.memory_space<vmem>>
      %dma_start3A_288 = arith.constant 400 : i32
      %dma_start3A_289 = tpu.memref_slice %arg11[%dma_start3A_288] : memref<1600xi32, #tpu.memory_space<vmem>> -> memref<200xi32, #tpu.memory_space<vmem>>
      %dma_start3A_290 = arith.constant 0 : i32
      %dma_start3A_291 = arith.constant 0 : i32
      %dma_start3A_292 = tpu.memref_slice %arg4[%dma_start3A_290, %dma_start3A_291] : memref<1000001x32xf32, #tpu.memory_space<hbm>> -> memref<1000001x32xf32, #tpu.memory_space<hbm>>
      tpu.enqueue_indirect_dma source(%dma_start3A_292 : memref<1000001x32xf32, #tpu.memory_space<hbm>>) target(%dma_start3A_287 : memref<200x32xf32, #tpu.memory_space<vmem>>) offsets(%dma_start3A_289 : memref<200xi32, #tpu.memory_space<vmem>>) semaphore(%arg26 : memref<!tpu.dma_semaphore, #tpu.memory_space<semaphore_mem>>)
      %dma_start3A_293 = arith.constant 600 : i32
      %dma_start3A_294 = arith.constant 0 : i32
      %dma_start3A_295 = tpu.memref_slice %arg13[%dma_start3A_293, %dma_start3A_294] : memref<1600x32xf32, #tpu.memory_space<vmem>> -> memref<200x32xf32, #tpu.memory_space<vmem>>
      %dma_start3A_296 = arith.constant 600 : i32
      %dma_start3A_297 = tpu.memref_slice %arg11[%dma_start3A_296] : memref<1600xi32, #tpu.memory_space<vmem>> -> memref<200xi32, #tpu.memory_space<vmem>>
      %dma_start3A_298 = arith.constant 0 : i32
      %dma_start3A_299 = arith.constant 0 : i32
      %dma_start3A_300 = tpu.memref_slice %arg4[%dma_start3A_298, %dma_start3A_299] : memref<1000001x32xf32, #tpu.memory_space<hbm>> -> memref<1000001x32xf32, #tpu.memory_space<hbm>>
      tpu.enqueue_indirect_dma source(%dma_start3A_300 : memref<1000001x32xf32, #tpu.memory_space<hbm>>) target(%dma_start3A_295 : memref<200x32xf32, #tpu.memory_space<vmem>>) offsets(%dma_start3A_297 : memref<200xi32, #tpu.memory_space<vmem>>) semaphore(%arg27 : memref<!tpu.dma_semaphore, #tpu.memory_space<semaphore_mem>>)
      %dma_start3A_301 = arith.constant 800 : i32
      %dma_start3A_302 = arith.constant 0 : i32
      %dma_start3A_303 = tpu.memref_slice %arg13[%dma_start3A_301, %dma_start3A_302] : memref<1600x32xf32, #tpu.memory_space<vmem>> -> memref<200x32xf32, #tpu.memory_space<vmem>>
      %dma_start3A_304 = arith.constant 800 : i32
      %dma_start3A_305 = tpu.memref_slice %arg11[%dma_start3A_304] : memref<1600xi32, #tpu.memory_space<vmem>> -> memref<200xi32, #tpu.memory_space<vmem>>
      %dma_start3A_306 = arith.constant 0 : i32
      %dma_start3A_307 = arith.constant 0 : i32
      %dma_start3A_308 = tpu.memref_slice %arg4[%dma_start3A_306, %dma_start3A_307] : memref<1000001x32xf32, #tpu.memory_space<hbm>> -> memref<1000001x32xf32, #tpu.memory_space<hbm>>
      tpu.enqueue_indirect_dma source(%dma_start3A_308 : memref<1000001x32xf32, #tpu.memory_space<hbm>>) target(%dma_start3A_303 : memref<200x32xf32, #tpu.memory_space<vmem>>) offsets(%dma_start3A_305 : memref<200xi32, #tpu.memory_space<vmem>>) semaphore(%arg28 : memref<!tpu.dma_semaphore, #tpu.memory_space<semaphore_mem>>)
      %dma_start3A_309 = arith.constant 1000 : i32
      %dma_start3A_310 = arith.constant 0 : i32
      %dma_start3A_311 = tpu.memref_slice %arg13[%dma_start3A_309, %dma_start3A_310] : memref<1600x32xf32, #tpu.memory_space<vmem>> -> memref<200x32xf32, #tpu.memory_space<vmem>>
      %dma_start3A_312 = arith.constant 1000 : i32
      %dma_start3A_313 = tpu.memref_slice %arg11[%dma_start3A_312] : memref<1600xi32, #tpu.memory_space<vmem>> -> memref<200xi32, #tpu.memory_space<vmem>>
      %dma_start3A_314 = arith.constant 0 : i32
      %dma_start3A_315 = arith.constant 0 : i32
      %dma_start3A_316 = tpu.memref_slice %arg4[%dma_start3A_314, %dma_start3A_315] : memref<1000001x32xf32, #tpu.memory_space<hbm>> -> memref<1000001x32xf32, #tpu.memory_space<hbm>>
      tpu.enqueue_indirect_dma source(%dma_start3A_316 : memref<1000001x32xf32, #tpu.memory_space<hbm>>) target(%dma_start3A_311 : memref<200x32xf32, #tpu.memory_space<vmem>>) offsets(%dma_start3A_313 : memref<200xi32, #tpu.memory_space<vmem>>) semaphore(%arg29 : memref<!tpu.dma_semaphore, #tpu.memory_space<semaphore_mem>>)
      %dma_start3A_317 = arith.constant 1200 : i32
      %dma_start3A_318 = arith.constant 0 : i32
      %dma_start3A_319 = tpu.memref_slice %arg13[%dma_start3A_317, %dma_start3A_318] : memref<1600x32xf32, #tpu.memory_space<vmem>> -> memref<200x32xf32, #tpu.memory_space<vmem>>
      %dma_start3A_320 = arith.constant 1200 : i32
      %dma_start3A_321 = tpu.memref_slice %arg11[%dma_start3A_320] : memref<1600xi32, #tpu.memory_space<vmem>> -> memref<200xi32, #tpu.memory_space<vmem>>
      %dma_start3A_322 = arith.constant 0 : i32
      %dma_start3A_323 = arith.constant 0 : i32
      %dma_start3A_324 = tpu.memref_slice %arg4[%dma_start3A_322, %dma_start3A_323] : memref<1000001x32xf32, #tpu.memory_space<hbm>> -> memref<1000001x32xf32, #tpu.memory_space<hbm>>
      tpu.enqueue_indirect_dma source(%dma_start3A_324 : memref<1000001x32xf32, #tpu.memory_space<hbm>>) target(%dma_start3A_319 : memref<200x32xf32, #tpu.memory_space<vmem>>) offsets(%dma_start3A_321 : memref<200xi32, #tpu.memory_space<vmem>>) semaphore(%arg30 : memref<!tpu.dma_semaphore, #tpu.memory_space<semaphore_mem>>)
      %dma_start3A_325 = arith.constant 1400 : i32
      %dma_start3A_326 = arith.constant 0 : i32
      %dma_start3A_327 = tpu.memref_slice %arg13[%dma_start3A_325, %dma_start3A_326] : memref<1600x32xf32, #tpu.memory_space<vmem>> -> memref<200x32xf32, #tpu.memory_space<vmem>>
      %dma_start3A_328 = arith.constant 1400 : i32
      %dma_start3A_329 = tpu.memref_slice %arg11[%dma_start3A_328] : memref<1600xi32, #tpu.memory_space<vmem>> -> memref<200xi32, #tpu.memory_space<vmem>>
      %dma_start3A_330 = arith.constant 0 : i32
      %dma_start3A_331 = arith.constant 0 : i32
      %dma_start3A_332 = tpu.memref_slice %arg4[%dma_start3A_330, %dma_start3A_331] : memref<1000001x32xf32, #tpu.memory_space<hbm>> -> memref<1000001x32xf32, #tpu.memory_space<hbm>>
      tpu.enqueue_indirect_dma source(%dma_start3A_332 : memref<1000001x32xf32, #tpu.memory_space<hbm>>) target(%dma_start3A_327 : memref<200x32xf32, #tpu.memory_space<vmem>>) offsets(%dma_start3A_329 : memref<200xi32, #tpu.memory_space<vmem>>) semaphore(%arg31 : memref<!tpu.dma_semaphore, #tpu.memory_space<semaphore_mem>>)
      %ge3A_333 = arith.constant 1 : i32
      %ge3A_334 = arith.cmpi sge, %add3A_249, %ge3A_333 : i32
      %convert_element_type3A_335 = arith.extui %ge3A_334 : i1 to i32
      %cond3A_336 = arith.constant 0 : i32
      %cond3A_337 = arith.cmpi ne, %convert_element_type3A_335, %cond3A_336 : i32
      scf.if %cond3A_337 {
        %sub3A = arith.constant 1 : i32
        %sub3A_345 = arith.subi %add3A_249, %sub3A : i32
        %mul3A_346 = arith.constant 1600 : i32
        %mul3A_347 = arith.muli %sub3A_345, %mul3A_346 : i32
        %add3A_348 = arith.addi %mul3A_2, %mul3A_347 : i32
        %dma_wait3A_349 = arith.constant 0 : i32
        %dma_wait3A_350 = arith.constant 0 : i32
        %dma_wait3A_351 = tpu.memref_slice %arg12[%dma_wait3A_349, %dma_wait3A_350] : memref<1600x32xf32, #tpu.memory_space<vmem>> -> memref<200x32xf32, #tpu.memory_space<vmem>>
        %dma_wait3A_352 = arith.constant 0 : i32
        %dma_wait3A_353 = tpu.memref_slice %arg10[%dma_wait3A_352] : memref<1600xi32, #tpu.memory_space<vmem>> -> memref<200xi32, #tpu.memory_space<vmem>>
        %dma_wait3A_354 = arith.constant 0 : i32
        %dma_wait3A_355 = arith.constant 0 : i32
        %dma_wait3A_356 = tpu.memref_slice %arg4[%dma_wait3A_354, %dma_wait3A_355] : memref<1000001x32xf32, #tpu.memory_space<hbm>> -> memref<1000001x32xf32, #tpu.memory_space<hbm>>
        tpu.wait_indirect_dma semaphore(%arg16 : memref<!tpu.dma_semaphore, #tpu.memory_space<semaphore_mem>>) src(%dma_wait3A_356 : memref<1000001x32xf32, #tpu.memory_space<hbm>>) dst(%dma_wait3A_351 : memref<200x32xf32, #tpu.memory_space<vmem>>)
        %dma_wait3A_357 = arith.constant 200 : i32
        %dma_wait3A_358 = arith.constant 0 : i32
        %dma_wait3A_359 = tpu.memref_slice %arg12[%dma_wait3A_357, %dma_wait3A_358] : memref<1600x32xf32, #tpu.memory_space<vmem>> -> memref<200x32xf32, #tpu.memory_space<vmem>>
        %dma_wait3A_360 = arith.constant 200 : i32
        %dma_wait3A_361 = tpu.memref_slice %arg10[%dma_wait3A_360] : memref<1600xi32, #tpu.memory_space<vmem>> -> memref<200xi32, #tpu.memory_space<vmem>>
        %dma_wait3A_362 = arith.constant 0 : i32
        %dma_wait3A_363 = arith.constant 0 : i32
        %dma_wait3A_364 = tpu.memref_slice %arg4[%dma_wait3A_362, %dma_wait3A_363] : memref<1000001x32xf32, #tpu.memory_space<hbm>> -> memref<1000001x32xf32, #tpu.memory_space<hbm>>
        tpu.wait_indirect_dma semaphore(%arg17 : memref<!tpu.dma_semaphore, #tpu.memory_space<semaphore_mem>>) src(%dma_wait3A_364 : memref<1000001x32xf32, #tpu.memory_space<hbm>>) dst(%dma_wait3A_359 : memref<200x32xf32, #tpu.memory_space<vmem>>)
        %dma_wait3A_365 = arith.constant 400 : i32
        %dma_wait3A_366 = arith.constant 0 : i32
        %dma_wait3A_367 = tpu.memref_slice %arg12[%dma_wait3A_365, %dma_wait3A_366] : memref<1600x32xf32, #tpu.memory_space<vmem>> -> memref<200x32xf32, #tpu.memory_space<vmem>>
        %dma_wait3A_368 = arith.constant 400 : i32
        %dma_wait3A_369 = tpu.memref_slice %arg10[%dma_wait3A_368] : memref<1600xi32, #tpu.memory_space<vmem>> -> memref<200xi32, #tpu.memory_space<vmem>>
        %dma_wait3A_370 = arith.constant 0 : i32
        %dma_wait3A_371 = arith.constant 0 : i32
        %dma_wait3A_372 = tpu.memref_slice %arg4[%dma_wait3A_370, %dma_wait3A_371] : memref<1000001x32xf32, #tpu.memory_space<hbm>> -> memref<1000001x32xf32, #tpu.memory_space<hbm>>
        tpu.wait_indirect_dma semaphore(%arg18 : memref<!tpu.dma_semaphore, #tpu.memory_space<semaphore_mem>>) src(%dma_wait3A_372 : memref<1000001x32xf32, #tpu.memory_space<hbm>>) dst(%dma_wait3A_367 : memref<200x32xf32, #tpu.memory_space<vmem>>)
        %dma_wait3A_373 = arith.constant 600 : i32
        %dma_wait3A_374 = arith.constant 0 : i32
        %dma_wait3A_375 = tpu.memref_slice %arg12[%dma_wait3A_373, %dma_wait3A_374] : memref<1600x32xf32, #tpu.memory_space<vmem>> -> memref<200x32xf32, #tpu.memory_space<vmem>>
        %dma_wait3A_376 = arith.constant 600 : i32
        %dma_wait3A_377 = tpu.memref_slice %arg10[%dma_wait3A_376] : memref<1600xi32, #tpu.memory_space<vmem>> -> memref<200xi32, #tpu.memory_space<vmem>>
        %dma_wait3A_378 = arith.constant 0 : i32
        %dma_wait3A_379 = arith.constant 0 : i32
        %dma_wait3A_380 = tpu.memref_slice %arg4[%dma_wait3A_378, %dma_wait3A_379] : memref<1000001x32xf32, #tpu.memory_space<hbm>> -> memref<1000001x32xf32, #tpu.memory_space<hbm>>
        tpu.wait_indirect_dma semaphore(%arg19 : memref<!tpu.dma_semaphore, #tpu.memory_space<semaphore_mem>>) src(%dma_wait3A_380 : memref<1000001x32xf32, #tpu.memory_space<hbm>>) dst(%dma_wait3A_375 : memref<200x32xf32, #tpu.memory_space<vmem>>)
        %dma_wait3A_381 = arith.constant 800 : i32
        %dma_wait3A_382 = arith.constant 0 : i32
        %dma_wait3A_383 = tpu.memref_slice %arg12[%dma_wait3A_381, %dma_wait3A_382] : memref<1600x32xf32, #tpu.memory_space<vmem>> -> memref<200x32xf32, #tpu.memory_space<vmem>>
        %dma_wait3A_384 = arith.constant 800 : i32
        %dma_wait3A_385 = tpu.memref_slice %arg10[%dma_wait3A_384] : memref<1600xi32, #tpu.memory_space<vmem>> -> memref<200xi32, #tpu.memory_space<vmem>>
        %dma_wait3A_386 = arith.constant 0 : i32
        %dma_wait3A_387 = arith.constant 0 : i32
        %dma_wait3A_388 = tpu.memref_slice %arg4[%dma_wait3A_386, %dma_wait3A_387] : memref<1000001x32xf32, #tpu.memory_space<hbm>> -> memref<1000001x32xf32, #tpu.memory_space<hbm>>
        tpu.wait_indirect_dma semaphore(%arg20 : memref<!tpu.dma_semaphore, #tpu.memory_space<semaphore_mem>>) src(%dma_wait3A_388 : memref<1000001x32xf32, #tpu.memory_space<hbm>>) dst(%dma_wait3A_383 : memref<200x32xf32, #tpu.memory_space<vmem>>)
        %dma_wait3A_389 = arith.constant 1000 : i32
        %dma_wait3A_390 = arith.constant 0 : i32
        %dma_wait3A_391 = tpu.memref_slice %arg12[%dma_wait3A_389, %dma_wait3A_390] : memref<1600x32xf32, #tpu.memory_space<vmem>> -> memref<200x32xf32, #tpu.memory_space<vmem>>
        %dma_wait3A_392 = arith.constant 1000 : i32
        %dma_wait3A_393 = tpu.memref_slice %arg10[%dma_wait3A_392] : memref<1600xi32, #tpu.memory_space<vmem>> -> memref<200xi32, #tpu.memory_space<vmem>>
        %dma_wait3A_394 = arith.constant 0 : i32
        %dma_wait3A_395 = arith.constant 0 : i32
        %dma_wait3A_396 = tpu.memref_slice %arg4[%dma_wait3A_394, %dma_wait3A_395] : memref<1000001x32xf32, #tpu.memory_space<hbm>> -> memref<1000001x32xf32, #tpu.memory_space<hbm>>
        tpu.wait_indirect_dma semaphore(%arg21 : memref<!tpu.dma_semaphore, #tpu.memory_space<semaphore_mem>>) src(%dma_wait3A_396 : memref<1000001x32xf32, #tpu.memory_space<hbm>>) dst(%dma_wait3A_391 : memref<200x32xf32, #tpu.memory_space<vmem>>)
        %dma_wait3A_397 = arith.constant 1200 : i32
        %dma_wait3A_398 = arith.constant 0 : i32
        %dma_wait3A_399 = tpu.memref_slice %arg12[%dma_wait3A_397, %dma_wait3A_398] : memref<1600x32xf32, #tpu.memory_space<vmem>> -> memref<200x32xf32, #tpu.memory_space<vmem>>
        %dma_wait3A_400 = arith.constant 1200 : i32
        %dma_wait3A_401 = tpu.memref_slice %arg10[%dma_wait3A_400] : memref<1600xi32, #tpu.memory_space<vmem>> -> memref<200xi32, #tpu.memory_space<vmem>>
        %dma_wait3A_402 = arith.constant 0 : i32
        %dma_wait3A_403 = arith.constant 0 : i32
        %dma_wait3A_404 = tpu.memref_slice %arg4[%dma_wait3A_402, %dma_wait3A_403] : memref<1000001x32xf32, #tpu.memory_space<hbm>> -> memref<1000001x32xf32, #tpu.memory_space<hbm>>
        tpu.wait_indirect_dma semaphore(%arg22 : memref<!tpu.dma_semaphore, #tpu.memory_space<semaphore_mem>>) src(%dma_wait3A_404 : memref<1000001x32xf32, #tpu.memory_space<hbm>>) dst(%dma_wait3A_399 : memref<200x32xf32, #tpu.memory_space<vmem>>)
        %dma_wait3A_405 = arith.constant 1400 : i32
        %dma_wait3A_406 = arith.constant 0 : i32
        %dma_wait3A_407 = tpu.memref_slice %arg12[%dma_wait3A_405, %dma_wait3A_406] : memref<1600x32xf32, #tpu.memory_space<vmem>> -> memref<200x32xf32, #tpu.memory_space<vmem>>
        %dma_wait3A_408 = arith.constant 1400 : i32
        %dma_wait3A_409 = tpu.memref_slice %arg10[%dma_wait3A_408] : memref<1600xi32, #tpu.memory_space<vmem>> -> memref<200xi32, #tpu.memory_space<vmem>>
        %dma_wait3A_410 = arith.constant 0 : i32
        %dma_wait3A_411 = arith.constant 0 : i32
        %dma_wait3A_412 = tpu.memref_slice %arg4[%dma_wait3A_410, %dma_wait3A_411] : memref<1000001x32xf32, #tpu.memory_space<hbm>> -> memref<1000001x32xf32, #tpu.memory_space<hbm>>
        tpu.wait_indirect_dma semaphore(%arg23 : memref<!tpu.dma_semaphore, #tpu.memory_space<semaphore_mem>>) src(%dma_wait3A_412 : memref<1000001x32xf32, #tpu.memory_space<hbm>>) dst(%dma_wait3A_407 : memref<200x32xf32, #tpu.memory_space<vmem>>)
        %scan3A_413 = arith.constant 0 : i32
        %scan3A_414 = arith.constant 100 : i32
        %scan3A_415 = arith.addi %scan3A_413, %scan3A_414 : i32
        %scan3A_416 = arith.constant 1 : i32
        %scan3A_417 = scf.for %scan3A_475 = %scan3A_413 to %scan3A_415 step %scan3A_416 iter_args(%scan3A_476 = %broadcast_in_dim3A_3) -> (vector<16xi32>)  : i32 {
          %mul3A_477 = arith.constant 16 : i32
          %mul3A_478 = arith.muli %scan3A_475, %mul3A_477 : i32
          %get3A = arith.index_cast %mul3A_478 : i32 to index
          %get3A_479 = tpu.vector_load %arg8[%get3A] {strides = array<i32>} : memref<1600xi32, #tpu.memory_space<vmem>>, vector<16xi32>,
          %get3A_480 = vector.shape_cast %get3A_479 : vector<16xi32> to vector<16xi32>
          %min3A_481 = arith.minsi %scan3A_476, %get3A_480 : vector<16xi32>
          scf.yield %min3A_481 : vector<16xi32>
        }
        %scan3A_418 = arith.constant 100 : i32
        %slice3A_419 = vector.extract_strided_slice %scan3A_417 {offsets = [0], sizes = [1], strides = [1]} : vector<16xi32> to vector<1xi32>
        %squeeze3A_420 = vector.extract %slice3A_419[0] : i32 from vector<1xi32>
        %slice3A_421 = vector.extract_strided_slice %scan3A_417 {offsets = [1], sizes = [1], strides = [1]} : vector<16xi32> to vector<1xi32>
        %squeeze3A_422 = vector.extract %slice3A_421[0] : i32 from vector<1xi32>
        %slice3A_423 = vector.extract_strided_slice %scan3A_417 {offsets = [2], sizes = [1], strides = [1]} : vector<16xi32> to vector<1xi32>
        %squeeze3A_424 = vector.extract %slice3A_423[0] : i32 from vector<1xi32>
        %slice3A_425 = vector.extract_strided_slice %scan3A_417 {offsets = [3], sizes = [1], strides = [1]} : vector<16xi32> to vector<1xi32>
        %squeeze3A_426 = vector.extract %slice3A_425[0] : i32 from vector<1xi32>
        %slice3A_427 = vector.extract_strided_slice %scan3A_417 {offsets = [4], sizes = [1], strides = [1]} : vector<16xi32> to vector<1xi32>
        %squeeze3A_428 = vector.extract %slice3A_427[0] : i32 from vector<1xi32>
        %slice3A_429 = vector.extract_strided_slice %scan3A_417 {offsets = [5], sizes = [1], strides = [1]} : vector<16xi32> to vector<1xi32>
        %squeeze3A_430 = vector.extract %slice3A_429[0] : i32 from vector<1xi32>
        %slice3A_431 = vector.extract_strided_slice %scan3A_417 {offsets = [6], sizes = [1], strides = [1]} : vector<16xi32> to vector<1xi32>
        %squeeze3A_432 = vector.extract %slice3A_431[0] : i32 from vector<1xi32>
        %slice3A_433 = vector.extract_strided_slice %scan3A_417 {offsets = [7], sizes = [1], strides = [1]} : vector<16xi32> to vector<1xi32>
        %squeeze3A_434 = vector.extract %slice3A_433[0] : i32 from vector<1xi32>
        %slice3A_435 = vector.extract_strided_slice %scan3A_417 {offsets = [8], sizes = [1], strides = [1]} : vector<16xi32> to vector<1xi32>
        %squeeze3A_436 = vector.extract %slice3A_435[0] : i32 from vector<1xi32>
        %slice3A_437 = vector.extract_strided_slice %scan3A_417 {offsets = [9], sizes = [1], strides = [1]} : vector<16xi32> to vector<1xi32>
        %squeeze3A_438 = vector.extract %slice3A_437[0] : i32 from vector<1xi32>
        %slice3A_439 = vector.extract_strided_slice %scan3A_417 {offsets = [10], sizes = [1], strides = [1]} : vector<16xi32> to vector<1xi32>
        %squeeze3A_440 = vector.extract %slice3A_439[0] : i32 from vector<1xi32>
        %slice3A_441 = vector.extract_strided_slice %scan3A_417 {offsets = [11], sizes = [1], strides = [1]} : vector<16xi32> to vector<1xi32>
        %squeeze3A_442 = vector.extract %slice3A_441[0] : i32 from vector<1xi32>
        %slice3A_443 = vector.extract_strided_slice %scan3A_417 {offsets = [12], sizes = [1], strides = [1]} : vector<16xi32> to vector<1xi32>
        %squeeze3A_444 = vector.extract %slice3A_443[0] : i32 from vector<1xi32>
        %slice3A_445 = vector.extract_strided_slice %scan3A_417 {offsets = [13], sizes = [1], strides = [1]} : vector<16xi32> to vector<1xi32>
        %squeeze3A_446 = vector.extract %slice3A_445[0] : i32 from vector<1xi32>
        %slice3A_447 = vector.extract_strided_slice %scan3A_417 {offsets = [14], sizes = [1], strides = [1]} : vector<16xi32> to vector<1xi32>
        %squeeze3A_448 = vector.extract %slice3A_447[0] : i32 from vector<1xi32>
        %slice3A_449 = vector.extract_strided_slice %scan3A_417 {offsets = [15], sizes = [1], strides = [1]} : vector<16xi32> to vector<1xi32>
        %squeeze3A_450 = vector.extract %slice3A_449[0] : i32 from vector<1xi32>
        %min3A_451 = arith.minsi %squeeze3A_420, %squeeze3A_422 : i32
        %min3A_452 = arith.minsi %squeeze3A_424, %squeeze3A_426 : i32
        %min3A_453 = arith.minsi %squeeze3A_428, %squeeze3A_430 : i32
        %min3A_454 = arith.minsi %squeeze3A_432, %squeeze3A_434 : i32
        %min3A_455 = arith.minsi %squeeze3A_436, %squeeze3A_438 : i32
        %min3A_456 = arith.minsi %squeeze3A_440, %squeeze3A_442 : i32
        %min3A_457 = arith.minsi %squeeze3A_444, %squeeze3A_446 : i32
        %min3A_458 = arith.minsi %squeeze3A_448, %squeeze3A_450 : i32
        %min3A_459 = arith.minsi %min3A_451, %min3A_452 : i32
        %min3A_460 = arith.minsi %min3A_453, %min3A_454 : i32
        %min3A_461 = arith.minsi %min3A_455, %min3A_456 : i32
        %min3A_462 = arith.minsi %min3A_457, %min3A_458 : i32
        %min3A_463 = arith.minsi %min3A_459, %min3A_460 : i32
        %min3A_464 = arith.minsi %min3A_461, %min3A_462 : i32
        %min3A_465 = arith.minsi %min3A_463, %min3A_464 : i32
        %lt3A_466 = arith.constant 0 : i32
        %lt3A_467 = arith.cmpi slt, %min3A_465, %lt3A_466 : i32
        %convert_element_type3A_468 = arith.extui %lt3A_467 : i1 to i32
        %cond3A_469 = arith.constant 0 : i32
        %cond3A_470 = arith.cmpi ne, %convert_element_type3A_468, %cond3A_469 : i32
        scf.if %cond3A_470 {
          %scan3A_475 = arith.constant 0 : i32
          %scan3A_476 = arith.constant 0 : i32
          %scan3A_477 = arith.constant 100 : i32
          %scan3A_478 = arith.addi %scan3A_476, %scan3A_477 : i32
          %scan3A_479 = arith.constant 1 : i32
          scf.for %scan3A_481 = %scan3A_476 to %scan3A_478 step %scan3A_479  : i32 {
            %mul3A_482 = arith.constant 16 : i32
            %mul3A_483 = arith.muli %scan3A_481, %mul3A_482 : i32
            %get3A = arith.index_cast %mul3A_483 : i32 to index
            %get3A_484 = tpu.vector_load %arg8[%get3A] {strides = array<i32>} : memref<1600xi32, #tpu.memory_space<vmem>>, vector<16xi32>,
            %get3A_485 = vector.shape_cast %get3A_484 : vector<16xi32> to vector<16xi32>
            %slice3A_486 = vector.extract_strided_slice %get3A_485 {offsets = [0], sizes = [1], strides = [1]} : vector<16xi32> to vector<1xi32>
            %squeeze3A_487 = vector.extract %slice3A_486[0] : i32 from vector<1xi32>
            %eq3A = arith.constant -1 : i32
            %eq3A_488 = arith.cmpi eq, %squeeze3A_487, %eq3A : i32
            %eq3A_489 = arith.constant -2 : i32
            %eq3A_490 = arith.cmpi eq, %squeeze3A_487, %eq3A_489 : i32
            %or3A = arith.ori %eq3A_488, %eq3A_490 : i1
            %convert_element_type3A_491 = arith.extui %or3A : i1 to i32
            %cond3A_492 = arith.constant 0 : i32
            %cond3A_493 = arith.cmpi ne, %convert_element_type3A_491, %cond3A_492 : i32
            scf.if %cond3A_493 {
              %mul3A_644 = arith.constant 16 : i32
              %mul3A_645 = arith.muli %scan3A_481, %mul3A_644 : i32
              %add3A_646 = arith.constant 0 : i32
              %add3A_647 = arith.addi %mul3A_645, %add3A_646 : i32
              %swap3A = arith.index_cast %add3A_647 : i32 to index
              %swap3A_648 = arith.constant 0 : index
              %swap3A_649 = tpu.vector_load %arg12[%swap3A, %swap3A_648] {strides = array<i32>} : memref<1600x32xf32, #tpu.memory_space<vmem>>, vector<1x16xf32>,
              %swap3A_650 = vector.shape_cast %swap3A_649 : vector<1x16xf32> to vector<16xf32>
              %swap3A_651 = vector.shape_cast %broadcast_in_dim3A_5 : vector<16xf32> to vector<1x16xf32>
              tpu.vector_store %arg12[%swap3A, %swap3A_648], %swap3A_651 {strides = array<i32>} : memref<1600x32xf32, #tpu.memory_space<vmem>>, vector<1x16xf32>,
              %swap3A_652 = arith.index_cast %add3A_647 : i32 to index
              %swap3A_653 = arith.constant 16 : index
              %swap3A_654 = tpu.vector_load %arg12[%swap3A_652, %swap3A_653] {strides = array<i32>} : memref<1600x32xf32, #tpu.memory_space<vmem>>, vector<1x16xf32>,
              %swap3A_655 = vector.shape_cast %swap3A_654 : vector<1x16xf32> to vector<16xf32>
              %swap3A_656 = vector.shape_cast %broadcast_in_dim3A_5 : vector<16xf32> to vector<1x16xf32>
              tpu.vector_store %arg12[%swap3A_652, %swap3A_653], %swap3A_656 {strides = array<i32>} : memref<1600x32xf32, #tpu.memory_space<vmem>>, vector<1x16xf32>,
            } else {
            }
            %slice3A_494 = vector.extract_strided_slice %get3A_485 {offsets = [1], sizes = [1], strides = [1]} : vector<16xi32> to vector<1xi32>
            %squeeze3A_495 = vector.extract %slice3A_494[0] : i32 from vector<1xi32>
            %eq3A_496 = arith.constant -1 : i32
            %eq3A_497 = arith.cmpi eq, %squeeze3A_495, %eq3A_496 : i32
            %eq3A_498 = arith.constant -2 : i32
            %eq3A_499 = arith.cmpi eq, %squeeze3A_495, %eq3A_498 : i32
            %or3A_500 = arith.ori %eq3A_497, %eq3A_499 : i1
            %convert_element_type3A_501 = arith.extui %or3A_500 : i1 to i32
            %cond3A_502 = arith.constant 0 : i32
            %cond3A_503 = arith.cmpi ne, %convert_element_type3A_501, %cond3A_502 : i32
            scf.if %cond3A_503 {
              %mul3A_644 = arith.constant 16 : i32
              %mul3A_645 = arith.muli %scan3A_481, %mul3A_644 : i32
              %add3A_646 = arith.constant 1 : i32
              %add3A_647 = arith.addi %mul3A_645, %add3A_646 : i32
              %swap3A = arith.index_cast %add3A_647 : i32 to index
              %swap3A_648 = arith.constant 0 : index
              %swap3A_649 = tpu.vector_load %arg12[%swap3A, %swap3A_648] {strides = array<i32>} : memref<1600x32xf32, #tpu.memory_space<vmem>>, vector<1x16xf32>,
              %swap3A_650 = vector.shape_cast %swap3A_649 : vector<1x16xf32> to vector<16xf32>
              %swap3A_651 = vector.shape_cast %broadcast_in_dim3A_5 : vector<16xf32> to vector<1x16xf32>
              tpu.vector_store %arg12[%swap3A, %swap3A_648], %swap3A_651 {strides = array<i32>} : memref<1600x32xf32, #tpu.memory_space<vmem>>, vector<1x16xf32>,
              %swap3A_652 = arith.index_cast %add3A_647 : i32 to index
              %swap3A_653 = arith.constant 16 : index
              %swap3A_654 = tpu.vector_load %arg12[%swap3A_652, %swap3A_653] {strides = array<i32>} : memref<1600x32xf32, #tpu.memory_space<vmem>>, vector<1x16xf32>,
              %swap3A_655 = vector.shape_cast %swap3A_654 : vector<1x16xf32> to vector<16xf32>
              %swap3A_656 = vector.shape_cast %broadcast_in_dim3A_5 : vector<16xf32> to vector<1x16xf32>
              tpu.vector_store %arg12[%swap3A_652, %swap3A_653], %swap3A_656 {strides = array<i32>} : memref<1600x32xf32, #tpu.memory_space<vmem>>, vector<1x16xf32>,
            } else {
            }
            %slice3A_504 = vector.extract_strided_slice %get3A_485 {offsets = [2], sizes = [1], strides = [1]} : vector<16xi32> to vector<1xi32>
            %squeeze3A_505 = vector.extract %slice3A_504[0] : i32 from vector<1xi32>
            %eq3A_506 = arith.constant -1 : i32
            %eq3A_507 = arith.cmpi eq, %squeeze3A_505, %eq3A_506 : i32
            %eq3A_508 = arith.constant -2 : i32
            %eq3A_509 = arith.cmpi eq, %squeeze3A_505, %eq3A_508 : i32
            %or3A_510 = arith.ori %eq3A_507, %eq3A_509 : i1
            %convert_element_type3A_511 = arith.extui %or3A_510 : i1 to i32
            %cond3A_512 = arith.constant 0 : i32
            %cond3A_513 = arith.cmpi ne, %convert_element_type3A_511, %cond3A_512 : i32
            scf.if %cond3A_513 {
              %mul3A_644 = arith.constant 16 : i32
              %mul3A_645 = arith.muli %scan3A_481, %mul3A_644 : i32
              %add3A_646 = arith.constant 2 : i32
              %add3A_647 = arith.addi %mul3A_645, %add3A_646 : i32
              %swap3A = arith.index_cast %add3A_647 : i32 to index
              %swap3A_648 = arith.constant 0 : index
              %swap3A_649 = tpu.vector_load %arg12[%swap3A, %swap3A_648] {strides = array<i32>} : memref<1600x32xf32, #tpu.memory_space<vmem>>, vector<1x16xf32>,
              %swap3A_650 = vector.shape_cast %swap3A_649 : vector<1x16xf32> to vector<16xf32>
              %swap3A_651 = vector.shape_cast %broadcast_in_dim3A_5 : vector<16xf32> to vector<1x16xf32>
              tpu.vector_store %arg12[%swap3A, %swap3A_648], %swap3A_651 {strides = array<i32>} : memref<1600x32xf32, #tpu.memory_space<vmem>>, vector<1x16xf32>,
              %swap3A_652 = arith.index_cast %add3A_647 : i32 to index
              %swap3A_653 = arith.constant 16 : index
              %swap3A_654 = tpu.vector_load %arg12[%swap3A_652, %swap3A_653] {strides = array<i32>} : memref<1600x32xf32, #tpu.memory_space<vmem>>, vector<1x16xf32>,
              %swap3A_655 = vector.shape_cast %swap3A_654 : vector<1x16xf32> to vector<16xf32>
              %swap3A_656 = vector.shape_cast %broadcast_in_dim3A_5 : vector<16xf32> to vector<1x16xf32>
              tpu.vector_store %arg12[%swap3A_652, %swap3A_653], %swap3A_656 {strides = array<i32>} : memref<1600x32xf32, #tpu.memory_space<vmem>>, vector<1x16xf32>,
            } else {
            }
            %slice3A_514 = vector.extract_strided_slice %get3A_485 {offsets = [3], sizes = [1], strides = [1]} : vector<16xi32> to vector<1xi32>
            %squeeze3A_515 = vector.extract %slice3A_514[0] : i32 from vector<1xi32>
            %eq3A_516 = arith.constant -1 : i32
            %eq3A_517 = arith.cmpi eq, %squeeze3A_515, %eq3A_516 : i32
            %eq3A_518 = arith.constant -2 : i32
            %eq3A_519 = arith.cmpi eq, %squeeze3A_515, %eq3A_518 : i32
            %or3A_520 = arith.ori %eq3A_517, %eq3A_519 : i1
            %convert_element_type3A_521 = arith.extui %or3A_520 : i1 to i32
            %cond3A_522 = arith.constant 0 : i32
            %cond3A_523 = arith.cmpi ne, %convert_element_type3A_521, %cond3A_522 : i32
            scf.if %cond3A_523 {
              %mul3A_644 = arith.constant 16 : i32
              %mul3A_645 = arith.muli %scan3A_481, %mul3A_644 : i32
              %add3A_646 = arith.constant 3 : i32
              %add3A_647 = arith.addi %mul3A_645, %add3A_646 : i32
              %swap3A = arith.index_cast %add3A_647 : i32 to index
              %swap3A_648 = arith.constant 0 : index
              %swap3A_649 = tpu.vector_load %arg12[%swap3A, %swap3A_648] {strides = array<i32>} : memref<1600x32xf32, #tpu.memory_space<vmem>>, vector<1x16xf32>,
              %swap3A_650 = vector.shape_cast %swap3A_649 : vector<1x16xf32> to vector<16xf32>
              %swap3A_651 = vector.shape_cast %broadcast_in_dim3A_5 : vector<16xf32> to vector<1x16xf32>
              tpu.vector_store %arg12[%swap3A, %swap3A_648], %swap3A_651 {strides = array<i32>} : memref<1600x32xf32, #tpu.memory_space<vmem>>, vector<1x16xf32>,
              %swap3A_652 = arith.index_cast %add3A_647 : i32 to index
              %swap3A_653 = arith.constant 16 : index
              %swap3A_654 = tpu.vector_load %arg12[%swap3A_652, %swap3A_653] {strides = array<i32>} : memref<1600x32xf32, #tpu.memory_space<vmem>>, vector<1x16xf32>,
              %swap3A_655 = vector.shape_cast %swap3A_654 : vector<1x16xf32> to vector<16xf32>
              %swap3A_656 = vector.shape_cast %broadcast_in_dim3A_5 : vector<16xf32> to vector<1x16xf32>
              tpu.vector_store %arg12[%swap3A_652, %swap3A_653], %swap3A_656 {strides = array<i32>} : memref<1600x32xf32, #tpu.memory_space<vmem>>, vector<1x16xf32>,
            } else {
            }
            %slice3A_524 = vector.extract_strided_slice %get3A_485 {offsets = [4], sizes = [1], strides = [1]} : vector<16xi32> to vector<1xi32>
            %squeeze3A_525 = vector.extract %slice3A_524[0] : i32 from vector<1xi32>
            %eq3A_526 = arith.constant -1 : i32
            %eq3A_527 = arith.cmpi eq, %squeeze3A_525, %eq3A_526 : i32
            %eq3A_528 = arith.constant -2 : i32
            %eq3A_529 = arith.cmpi eq, %squeeze3A_525, %eq3A_528 : i32
            %or3A_530 = arith.ori %eq3A_527, %eq3A_529 : i1
            %convert_element_type3A_531 = arith.extui %or3A_530 : i1 to i32
            %cond3A_532 = arith.constant 0 : i32
            %cond3A_533 = arith.cmpi ne, %convert_element_type3A_531, %cond3A_532 : i32
            scf.if %cond3A_533 {
              %mul3A_644 = arith.constant 16 : i32
              %mul3A_645 = arith.muli %scan3A_481, %mul3A_644 : i32
              %add3A_646 = arith.constant 4 : i32
              %add3A_647 = arith.addi %mul3A_645, %add3A_646 : i32
              %swap3A = arith.index_cast %add3A_647 : i32 to index
              %swap3A_648 = arith.constant 0 : index
              %swap3A_649 = tpu.vector_load %arg12[%swap3A, %swap3A_648] {strides = array<i32>} : memref<1600x32xf32, #tpu.memory_space<vmem>>, vector<1x16xf32>,
              %swap3A_650 = vector.shape_cast %swap3A_649 : vector<1x16xf32> to vector<16xf32>
              %swap3A_651 = vector.shape_cast %broadcast_in_dim3A_5 : vector<16xf32> to vector<1x16xf32>
              tpu.vector_store %arg12[%swap3A, %swap3A_648], %swap3A_651 {strides = array<i32>} : memref<1600x32xf32, #tpu.memory_space<vmem>>, vector<1x16xf32>,
              %swap3A_652 = arith.index_cast %add3A_647 : i32 to index
              %swap3A_653 = arith.constant 16 : index
              %swap3A_654 = tpu.vector_load %arg12[%swap3A_652, %swap3A_653] {strides = array<i32>} : memref<1600x32xf32, #tpu.memory_space<vmem>>, vector<1x16xf32>,
              %swap3A_655 = vector.shape_cast %swap3A_654 : vector<1x16xf32> to vector<16xf32>
              %swap3A_656 = vector.shape_cast %broadcast_in_dim3A_5 : vector<16xf32> to vector<1x16xf32>
              tpu.vector_store %arg12[%swap3A_652, %swap3A_653], %swap3A_656 {strides = array<i32>} : memref<1600x32xf32, #tpu.memory_space<vmem>>, vector<1x16xf32>,
            } else {
            }
            %slice3A_534 = vector.extract_strided_slice %get3A_485 {offsets = [5], sizes = [1], strides = [1]} : vector<16xi32> to vector<1xi32>
            %squeeze3A_535 = vector.extract %slice3A_534[0] : i32 from vector<1xi32>
            %eq3A_536 = arith.constant -1 : i32
            %eq3A_537 = arith.cmpi eq, %squeeze3A_535, %eq3A_536 : i32
            %eq3A_538 = arith.constant -2 : i32
            %eq3A_539 = arith.cmpi eq, %squeeze3A_535, %eq3A_538 : i32
            %or3A_540 = arith.ori %eq3A_537, %eq3A_539 : i1
            %convert_element_type3A_541 = arith.extui %or3A_540 : i1 to i32
            %cond3A_542 = arith.constant 0 : i32
            %cond3A_543 = arith.cmpi ne, %convert_element_type3A_541, %cond3A_542 : i32
            scf.if %cond3A_543 {
              %mul3A_644 = arith.constant 16 : i32
              %mul3A_645 = arith.muli %scan3A_481, %mul3A_644 : i32
              %add3A_646 = arith.constant 5 : i32
              %add3A_647 = arith.addi %mul3A_645, %add3A_646 : i32
              %swap3A = arith.index_cast %add3A_647 : i32 to index
              %swap3A_648 = arith.constant 0 : index
              %swap3A_649 = tpu.vector_load %arg12[%swap3A, %swap3A_648] {strides = array<i32>} : memref<1600x32xf32, #tpu.memory_space<vmem>>, vector<1x16xf32>,
              %swap3A_650 = vector.shape_cast %swap3A_649 : vector<1x16xf32> to vector<16xf32>
              %swap3A_651 = vector.shape_cast %broadcast_in_dim3A_5 : vector<16xf32> to vector<1x16xf32>
              tpu.vector_store %arg12[%swap3A, %swap3A_648], %swap3A_651 {strides = array<i32>} : memref<1600x32xf32, #tpu.memory_space<vmem>>, vector<1x16xf32>,
              %swap3A_652 = arith.index_cast %add3A_647 : i32 to index
              %swap3A_653 = arith.constant 16 : index
              %swap3A_654 = tpu.vector_load %arg12[%swap3A_652, %swap3A_653] {strides = array<i32>} : memref<1600x32xf32, #tpu.memory_space<vmem>>, vector<1x16xf32>,
              %swap3A_655 = vector.shape_cast %swap3A_654 : vector<1x16xf32> to vector<16xf32>
              %swap3A_656 = vector.shape_cast %broadcast_in_dim3A_5 : vector<16xf32> to vector<1x16xf32>
              tpu.vector_store %arg12[%swap3A_652, %swap3A_653], %swap3A_656 {strides = array<i32>} : memref<1600x32xf32, #tpu.memory_space<vmem>>, vector<1x16xf32>,
            } else {
            }
            %slice3A_544 = vector.extract_strided_slice %get3A_485 {offsets = [6], sizes = [1], strides = [1]} : vector<16xi32> to vector<1xi32>
            %squeeze3A_545 = vector.extract %slice3A_544[0] : i32 from vector<1xi32>
            %eq3A_546 = arith.constant -1 : i32
            %eq3A_547 = arith.cmpi eq, %squeeze3A_545, %eq3A_546 : i32
            %eq3A_548 = arith.constant -2 : i32
            %eq3A_549 = arith.cmpi eq, %squeeze3A_545, %eq3A_548 : i32
            %or3A_550 = arith.ori %eq3A_547, %eq3A_549 : i1
            %convert_element_type3A_551 = arith.extui %or3A_550 : i1 to i32
            %cond3A_552 = arith.constant 0 : i32
            %cond3A_553 = arith.cmpi ne, %convert_element_type3A_551, %cond3A_552 : i32
            scf.if %cond3A_553 {
              %mul3A_644 = arith.constant 16 : i32
              %mul3A_645 = arith.muli %scan3A_481, %mul3A_644 : i32
              %add3A_646 = arith.constant 6 : i32
              %add3A_647 = arith.addi %mul3A_645, %add3A_646 : i32
              %swap3A = arith.index_cast %add3A_647 : i32 to index
              %swap3A_648 = arith.constant 0 : index
              %swap3A_649 = tpu.vector_load %arg12[%swap3A, %swap3A_648] {strides = array<i32>} : memref<1600x32xf32, #tpu.memory_space<vmem>>, vector<1x16xf32>,
              %swap3A_650 = vector.shape_cast %swap3A_649 : vector<1x16xf32> to vector<16xf32>
              %swap3A_651 = vector.shape_cast %broadcast_in_dim3A_5 : vector<16xf32> to vector<1x16xf32>
              tpu.vector_store %arg12[%swap3A, %swap3A_648], %swap3A_651 {strides = array<i32>} : memref<1600x32xf32, #tpu.memory_space<vmem>>, vector<1x16xf32>,
              %swap3A_652 = arith.index_cast %add3A_647 : i32 to index
              %swap3A_653 = arith.constant 16 : index
              %swap3A_654 = tpu.vector_load %arg12[%swap3A_652, %swap3A_653] {strides = array<i32>} : memref<1600x32xf32, #tpu.memory_space<vmem>>, vector<1x16xf32>,
              %swap3A_655 = vector.shape_cast %swap3A_654 : vector<1x16xf32> to vector<16xf32>
              %swap3A_656 = vector.shape_cast %broadcast_in_dim3A_5 : vector<16xf32> to vector<1x16xf32>
              tpu.vector_store %arg12[%swap3A_652, %swap3A_653], %swap3A_656 {strides = array<i32>} : memref<1600x32xf32, #tpu.memory_space<vmem>>, vector<1x16xf32>,
            } else {
            }
            %slice3A_554 = vector.extract_strided_slice %get3A_485 {offsets = [7], sizes = [1], strides = [1]} : vector<16xi32> to vector<1xi32>
            %squeeze3A_555 = vector.extract %slice3A_554[0] : i32 from vector<1xi32>
            %eq3A_556 = arith.constant -1 : i32
            %eq3A_557 = arith.cmpi eq, %squeeze3A_555, %eq3A_556 : i32
            %eq3A_558 = arith.constant -2 : i32
            %eq3A_559 = arith.cmpi eq, %squeeze3A_555, %eq3A_558 : i32
            %or3A_560 = arith.ori %eq3A_557, %eq3A_559 : i1
            %convert_element_type3A_561 = arith.extui %or3A_560 : i1 to i32
            %cond3A_562 = arith.constant 0 : i32
            %cond3A_563 = arith.cmpi ne, %convert_element_type3A_561, %cond3A_562 : i32
            scf.if %cond3A_563 {
              %mul3A_644 = arith.constant 16 : i32
              %mul3A_645 = arith.muli %scan3A_481, %mul3A_644 : i32
              %add3A_646 = arith.constant 7 : i32
              %add3A_647 = arith.addi %mul3A_645, %add3A_646 : i32
              %swap3A = arith.index_cast %add3A_647 : i32 to index
              %swap3A_648 = arith.constant 0 : index
              %swap3A_649 = tpu.vector_load %arg12[%swap3A, %swap3A_648] {strides = array<i32>} : memref<1600x32xf32, #tpu.memory_space<vmem>>, vector<1x16xf32>,
              %swap3A_650 = vector.shape_cast %swap3A_649 : vector<1x16xf32> to vector<16xf32>
              %swap3A_651 = vector.shape_cast %broadcast_in_dim3A_5 : vector<16xf32> to vector<1x16xf32>
              tpu.vector_store %arg12[%swap3A, %swap3A_648], %swap3A_651 {strides = array<i32>} : memref<1600x32xf32, #tpu.memory_space<vmem>>, vector<1x16xf32>,
              %swap3A_652 = arith.index_cast %add3A_647 : i32 to index
              %swap3A_653 = arith.constant 16 : index
              %swap3A_654 = tpu.vector_load %arg12[%swap3A_652, %swap3A_653] {strides = array<i32>} : memref<1600x32xf32, #tpu.memory_space<vmem>>, vector<1x16xf32>,
              %swap3A_655 = vector.shape_cast %swap3A_654 : vector<1x16xf32> to vector<16xf32>
              %swap3A_656 = vector.shape_cast %broadcast_in_dim3A_5 : vector<16xf32> to vector<1x16xf32>
              tpu.vector_store %arg12[%swap3A_652, %swap3A_653], %swap3A_656 {strides = array<i32>} : memref<1600x32xf32, #tpu.memory_space<vmem>>, vector<1x16xf32>,
            } else {
            }
            %slice3A_564 = vector.extract_strided_slice %get3A_485 {offsets = [8], sizes = [1], strides = [1]} : vector<16xi32> to vector<1xi32>
            %squeeze3A_565 = vector.extract %slice3A_564[0] : i32 from vector<1xi32>
            %eq3A_566 = arith.constant -1 : i32
            %eq3A_567 = arith.cmpi eq, %squeeze3A_565, %eq3A_566 : i32
            %eq3A_568 = arith.constant -2 : i32
            %eq3A_569 = arith.cmpi eq, %squeeze3A_565, %eq3A_568 : i32
            %or3A_570 = arith.ori %eq3A_567, %eq3A_569 : i1
            %convert_element_type3A_571 = arith.extui %or3A_570 : i1 to i32
            %cond3A_572 = arith.constant 0 : i32
            %cond3A_573 = arith.cmpi ne, %convert_element_type3A_571, %cond3A_572 : i32
            scf.if %cond3A_573 {
              %mul3A_644 = arith.constant 16 : i32
              %mul3A_645 = arith.muli %scan3A_481, %mul3A_644 : i32
              %add3A_646 = arith.constant 8 : i32
              %add3A_647 = arith.addi %mul3A_645, %add3A_646 : i32
              %swap3A = arith.index_cast %add3A_647 : i32 to index
              %swap3A_648 = arith.constant 0 : index
              %swap3A_649 = tpu.vector_load %arg12[%swap3A, %swap3A_648] {strides = array<i32>} : memref<1600x32xf32, #tpu.memory_space<vmem>>, vector<1x16xf32>,
              %swap3A_650 = vector.shape_cast %swap3A_649 : vector<1x16xf32> to vector<16xf32>
              %swap3A_651 = vector.shape_cast %broadcast_in_dim3A_5 : vector<16xf32> to vector<1x16xf32>
              tpu.vector_store %arg12[%swap3A, %swap3A_648], %swap3A_651 {strides = array<i32>} : memref<1600x32xf32, #tpu.memory_space<vmem>>, vector<1x16xf32>,
              %swap3A_652 = arith.index_cast %add3A_647 : i32 to index
              %swap3A_653 = arith.constant 16 : index
              %swap3A_654 = tpu.vector_load %arg12[%swap3A_652, %swap3A_653] {strides = array<i32>} : memref<1600x32xf32, #tpu.memory_space<vmem>>, vector<1x16xf32>,
              %swap3A_655 = vector.shape_cast %swap3A_654 : vector<1x16xf32> to vector<16xf32>
              %swap3A_656 = vector.shape_cast %broadcast_in_dim3A_5 : vector<16xf32> to vector<1x16xf32>
              tpu.vector_store %arg12[%swap3A_652, %swap3A_653], %swap3A_656 {strides = array<i32>} : memref<1600x32xf32, #tpu.memory_space<vmem>>, vector<1x16xf32>,
            } else {
            }
            %slice3A_574 = vector.extract_strided_slice %get3A_485 {offsets = [9], sizes = [1], strides = [1]} : vector<16xi32> to vector<1xi32>
            %squeeze3A_575 = vector.extract %slice3A_574[0] : i32 from vector<1xi32>
            %eq3A_576 = arith.constant -1 : i32
            %eq3A_577 = arith.cmpi eq, %squeeze3A_575, %eq3A_576 : i32
            %eq3A_578 = arith.constant -2 : i32
            %eq3A_579 = arith.cmpi eq, %squeeze3A_575, %eq3A_578 : i32
            %or3A_580 = arith.ori %eq3A_577, %eq3A_579 : i1
            %convert_element_type3A_581 = arith.extui %or3A_580 : i1 to i32
            %cond3A_582 = arith.constant 0 : i32
            %cond3A_583 = arith.cmpi ne, %convert_element_type3A_581, %cond3A_582 : i32
            scf.if %cond3A_583 {
              %mul3A_644 = arith.constant 16 : i32
              %mul3A_645 = arith.muli %scan3A_481, %mul3A_644 : i32
              %add3A_646 = arith.constant 9 : i32
              %add3A_647 = arith.addi %mul3A_645, %add3A_646 : i32
              %swap3A = arith.index_cast %add3A_647 : i32 to index
              %swap3A_648 = arith.constant 0 : index
              %swap3A_649 = tpu.vector_load %arg12[%swap3A, %swap3A_648] {strides = array<i32>} : memref<1600x32xf32, #tpu.memory_space<vmem>>, vector<1x16xf32>,
              %swap3A_650 = vector.shape_cast %swap3A_649 : vector<1x16xf32> to vector<16xf32>
              %swap3A_651 = vector.shape_cast %broadcast_in_dim3A_5 : vector<16xf32> to vector<1x16xf32>
              tpu.vector_store %arg12[%swap3A, %swap3A_648], %swap3A_651 {strides = array<i32>} : memref<1600x32xf32, #tpu.memory_space<vmem>>, vector<1x16xf32>,
              %swap3A_652 = arith.index_cast %add3A_647 : i32 to index
              %swap3A_653 = arith.constant 16 : index
              %swap3A_654 = tpu.vector_load %arg12[%swap3A_652, %swap3A_653] {strides = array<i32>} : memref<1600x32xf32, #tpu.memory_space<vmem>>, vector<1x16xf32>,
              %swap3A_655 = vector.shape_cast %swap3A_654 : vector<1x16xf32> to vector<16xf32>
              %swap3A_656 = vector.shape_cast %broadcast_in_dim3A_5 : vector<16xf32> to vector<1x16xf32>
              tpu.vector_store %arg12[%swap3A_652, %swap3A_653], %swap3A_656 {strides = array<i32>} : memref<1600x32xf32, #tpu.memory_space<vmem>>, vector<1x16xf32>,
            } else {
            }
            %slice3A_584 = vector.extract_strided_slice %get3A_485 {offsets = [10], sizes = [1], strides = [1]} : vector<16xi32> to vector<1xi32>
            %squeeze3A_585 = vector.extract %slice3A_584[0] : i32 from vector<1xi32>
            %eq3A_586 = arith.constant -1 : i32
            %eq3A_587 = arith.cmpi eq, %squeeze3A_585, %eq3A_586 : i32
            %eq3A_588 = arith.constant -2 : i32
            %eq3A_589 = arith.cmpi eq, %squeeze3A_585, %eq3A_588 : i32
            %or3A_590 = arith.ori %eq3A_587, %eq3A_589 : i1
            %convert_element_type3A_591 = arith.extui %or3A_590 : i1 to i32
            %cond3A_592 = arith.constant 0 : i32
            %cond3A_593 = arith.cmpi ne, %convert_element_type3A_591, %cond3A_592 : i32
            scf.if %cond3A_593 {
              %mul3A_644 = arith.constant 16 : i32
              %mul3A_645 = arith.muli %scan3A_481, %mul3A_644 : i32
              %add3A_646 = arith.constant 10 : i32
              %add3A_647 = arith.addi %mul3A_645, %add3A_646 : i32
              %swap3A = arith.index_cast %add3A_647 : i32 to index
              %swap3A_648 = arith.constant 0 : index
              %swap3A_649 = tpu.vector_load %arg12[%swap3A, %swap3A_648] {strides = array<i32>} : memref<1600x32xf32, #tpu.memory_space<vmem>>, vector<1x16xf32>,
              %swap3A_650 = vector.shape_cast %swap3A_649 : vector<1x16xf32> to vector<16xf32>
              %swap3A_651 = vector.shape_cast %broadcast_in_dim3A_5 : vector<16xf32> to vector<1x16xf32>
              tpu.vector_store %arg12[%swap3A, %swap3A_648], %swap3A_651 {strides = array<i32>} : memref<1600x32xf32, #tpu.memory_space<vmem>>, vector<1x16xf32>,
              %swap3A_652 = arith.index_cast %add3A_647 : i32 to index
              %swap3A_653 = arith.constant 16 : index
              %swap3A_654 = tpu.vector_load %arg12[%swap3A_652, %swap3A_653] {strides = array<i32>} : memref<1600x32xf32, #tpu.memory_space<vmem>>, vector<1x16xf32>,
              %swap3A_655 = vector.shape_cast %swap3A_654 : vector<1x16xf32> to vector<16xf32>
              %swap3A_656 = vector.shape_cast %broadcast_in_dim3A_5 : vector<16xf32> to vector<1x16xf32>
              tpu.vector_store %arg12[%swap3A_652, %swap3A_653], %swap3A_656 {strides = array<i32>} : memref<1600x32xf32, #tpu.memory_space<vmem>>, vector<1x16xf32>,
            } else {
            }
            %slice3A_594 = vector.extract_strided_slice %get3A_485 {offsets = [11], sizes = [1], strides = [1]} : vector<16xi32> to vector<1xi32>
            %squeeze3A_595 = vector.extract %slice3A_594[0] : i32 from vector<1xi32>
            %eq3A_596 = arith.constant -1 : i32
            %eq3A_597 = arith.cmpi eq, %squeeze3A_595, %eq3A_596 : i32
            %eq3A_598 = arith.constant -2 : i32
            %eq3A_599 = arith.cmpi eq, %squeeze3A_595, %eq3A_598 : i32
            %or3A_600 = arith.ori %eq3A_597, %eq3A_599 : i1
            %convert_element_type3A_601 = arith.extui %or3A_600 : i1 to i32
            %cond3A_602 = arith.constant 0 : i32
            %cond3A_603 = arith.cmpi ne, %convert_element_type3A_601, %cond3A_602 : i32
            scf.if %cond3A_603 {
              %mul3A_644 = arith.constant 16 : i32
              %mul3A_645 = arith.muli %scan3A_481, %mul3A_644 : i32
              %add3A_646 = arith.constant 11 : i32
              %add3A_647 = arith.addi %mul3A_645, %add3A_646 : i32
              %swap3A = arith.index_cast %add3A_647 : i32 to index
              %swap3A_648 = arith.constant 0 : index
              %swap3A_649 = tpu.vector_load %arg12[%swap3A, %swap3A_648] {strides = array<i32>} : memref<1600x32xf32, #tpu.memory_space<vmem>>, vector<1x16xf32>,
              %swap3A_650 = vector.shape_cast %swap3A_649 : vector<1x16xf32> to vector<16xf32>
              %swap3A_651 = vector.shape_cast %broadcast_in_dim3A_5 : vector<16xf32> to vector<1x16xf32>
              tpu.vector_store %arg12[%swap3A, %swap3A_648], %swap3A_651 {strides = array<i32>} : memref<1600x32xf32, #tpu.memory_space<vmem>>, vector<1x16xf32>,
              %swap3A_652 = arith.index_cast %add3A_647 : i32 to index
              %swap3A_653 = arith.constant 16 : index
              %swap3A_654 = tpu.vector_load %arg12[%swap3A_652, %swap3A_653] {strides = array<i32>} : memref<1600x32xf32, #tpu.memory_space<vmem>>, vector<1x16xf32>,
              %swap3A_655 = vector.shape_cast %swap3A_654 : vector<1x16xf32> to vector<16xf32>
              %swap3A_656 = vector.shape_cast %broadcast_in_dim3A_5 : vector<16xf32> to vector<1x16xf32>
              tpu.vector_store %arg12[%swap3A_652, %swap3A_653], %swap3A_656 {strides = array<i32>} : memref<1600x32xf32, #tpu.memory_space<vmem>>, vector<1x16xf32>,
            } else {
            }
            %slice3A_604 = vector.extract_strided_slice %get3A_485 {offsets = [12], sizes = [1], strides = [1]} : vector<16xi32> to vector<1xi32>
            %squeeze3A_605 = vector.extract %slice3A_604[0] : i32 from vector<1xi32>
            %eq3A_606 = arith.constant -1 : i32
            %eq3A_607 = arith.cmpi eq, %squeeze3A_605, %eq3A_606 : i32
            %eq3A_608 = arith.constant -2 : i32
            %eq3A_609 = arith.cmpi eq, %squeeze3A_605, %eq3A_608 : i32
            %or3A_610 = arith.ori %eq3A_607, %eq3A_609 : i1
            %convert_element_type3A_611 = arith.extui %or3A_610 : i1 to i32
            %cond3A_612 = arith.constant 0 : i32
            %cond3A_613 = arith.cmpi ne, %convert_element_type3A_611, %cond3A_612 : i32
            scf.if %cond3A_613 {
              %mul3A_644 = arith.constant 16 : i32
              %mul3A_645 = arith.muli %scan3A_481, %mul3A_644 : i32
              %add3A_646 = arith.constant 12 : i32
              %add3A_647 = arith.addi %mul3A_645, %add3A_646 : i32
              %swap3A = arith.index_cast %add3A_647 : i32 to index
              %swap3A_648 = arith.constant 0 : index
              %swap3A_649 = tpu.vector_load %arg12[%swap3A, %swap3A_648] {strides = array<i32>} : memref<1600x32xf32, #tpu.memory_space<vmem>>, vector<1x16xf32>,
              %swap3A_650 = vector.shape_cast %swap3A_649 : vector<1x16xf32> to vector<16xf32>
              %swap3A_651 = vector.shape_cast %broadcast_in_dim3A_5 : vector<16xf32> to vector<1x16xf32>
              tpu.vector_store %arg12[%swap3A, %swap3A_648], %swap3A_651 {strides = array<i32>} : memref<1600x32xf32, #tpu.memory_space<vmem>>, vector<1x16xf32>,
              %swap3A_652 = arith.index_cast %add3A_647 : i32 to index
              %swap3A_653 = arith.constant 16 : index
              %swap3A_654 = tpu.vector_load %arg12[%swap3A_652, %swap3A_653] {strides = array<i32>} : memref<1600x32xf32, #tpu.memory_space<vmem>>, vector<1x16xf32>,
              %swap3A_655 = vector.shape_cast %swap3A_654 : vector<1x16xf32> to vector<16xf32>
              %swap3A_656 = vector.shape_cast %broadcast_in_dim3A_5 : vector<16xf32> to vector<1x16xf32>
              tpu.vector_store %arg12[%swap3A_652, %swap3A_653], %swap3A_656 {strides = array<i32>} : memref<1600x32xf32, #tpu.memory_space<vmem>>, vector<1x16xf32>,
            } else {
            }
            %slice3A_614 = vector.extract_strided_slice %get3A_485 {offsets = [13], sizes = [1], strides = [1]} : vector<16xi32> to vector<1xi32>
            %squeeze3A_615 = vector.extract %slice3A_614[0] : i32 from vector<1xi32>
            %eq3A_616 = arith.constant -1 : i32
            %eq3A_617 = arith.cmpi eq, %squeeze3A_615, %eq3A_616 : i32
            %eq3A_618 = arith.constant -2 : i32
            %eq3A_619 = arith.cmpi eq, %squeeze3A_615, %eq3A_618 : i32
            %or3A_620 = arith.ori %eq3A_617, %eq3A_619 : i1
            %convert_element_type3A_621 = arith.extui %or3A_620 : i1 to i32
            %cond3A_622 = arith.constant 0 : i32
            %cond3A_623 = arith.cmpi ne, %convert_element_type3A_621, %cond3A_622 : i32
            scf.if %cond3A_623 {
              %mul3A_644 = arith.constant 16 : i32
              %mul3A_645 = arith.muli %scan3A_481, %mul3A_644 : i32
              %add3A_646 = arith.constant 13 : i32
              %add3A_647 = arith.addi %mul3A_645, %add3A_646 : i32
              %swap3A = arith.index_cast %add3A_647 : i32 to index
              %swap3A_648 = arith.constant 0 : index
              %swap3A_649 = tpu.vector_load %arg12[%swap3A, %swap3A_648] {strides = array<i32>} : memref<1600x32xf32, #tpu.memory_space<vmem>>, vector<1x16xf32>,
              %swap3A_650 = vector.shape_cast %swap3A_649 : vector<1x16xf32> to vector<16xf32>
              %swap3A_651 = vector.shape_cast %broadcast_in_dim3A_5 : vector<16xf32> to vector<1x16xf32>
              tpu.vector_store %arg12[%swap3A, %swap3A_648], %swap3A_651 {strides = array<i32>} : memref<1600x32xf32, #tpu.memory_space<vmem>>, vector<1x16xf32>,
              %swap3A_652 = arith.index_cast %add3A_647 : i32 to index
              %swap3A_653 = arith.constant 16 : index
              %swap3A_654 = tpu.vector_load %arg12[%swap3A_652, %swap3A_653] {strides = array<i32>} : memref<1600x32xf32, #tpu.memory_space<vmem>>, vector<1x16xf32>,
              %swap3A_655 = vector.shape_cast %swap3A_654 : vector<1x16xf32> to vector<16xf32>
              %swap3A_656 = vector.shape_cast %broadcast_in_dim3A_5 : vector<16xf32> to vector<1x16xf32>
              tpu.vector_store %arg12[%swap3A_652, %swap3A_653], %swap3A_656 {strides = array<i32>} : memref<1600x32xf32, #tpu.memory_space<vmem>>, vector<1x16xf32>,
            } else {
            }
            %slice3A_624 = vector.extract_strided_slice %get3A_485 {offsets = [14], sizes = [1], strides = [1]} : vector<16xi32> to vector<1xi32>
            %squeeze3A_625 = vector.extract %slice3A_624[0] : i32 from vector<1xi32>
            %eq3A_626 = arith.constant -1 : i32
            %eq3A_627 = arith.cmpi eq, %squeeze3A_625, %eq3A_626 : i32
            %eq3A_628 = arith.constant -2 : i32
            %eq3A_629 = arith.cmpi eq, %squeeze3A_625, %eq3A_628 : i32
            %or3A_630 = arith.ori %eq3A_627, %eq3A_629 : i1
            %convert_element_type3A_631 = arith.extui %or3A_630 : i1 to i32
            %cond3A_632 = arith.constant 0 : i32
            %cond3A_633 = arith.cmpi ne, %convert_element_type3A_631, %cond3A_632 : i32
            scf.if %cond3A_633 {
              %mul3A_644 = arith.constant 16 : i32
              %mul3A_645 = arith.muli %scan3A_481, %mul3A_644 : i32
              %add3A_646 = arith.constant 14 : i32
              %add3A_647 = arith.addi %mul3A_645, %add3A_646 : i32
              %swap3A = arith.index_cast %add3A_647 : i32 to index
              %swap3A_648 = arith.constant 0 : index
              %swap3A_649 = tpu.vector_load %arg12[%swap3A, %swap3A_648] {strides = array<i32>} : memref<1600x32xf32, #tpu.memory_space<vmem>>, vector<1x16xf32>,
              %swap3A_650 = vector.shape_cast %swap3A_649 : vector<1x16xf32> to vector<16xf32>
              %swap3A_651 = vector.shape_cast %broadcast_in_dim3A_5 : vector<16xf32> to vector<1x16xf32>
              tpu.vector_store %arg12[%swap3A, %swap3A_648], %swap3A_651 {strides = array<i32>} : memref<1600x32xf32, #tpu.memory_space<vmem>>, vector<1x16xf32>,
              %swap3A_652 = arith.index_cast %add3A_647 : i32 to index
              %swap3A_653 = arith.constant 16 : index
              %swap3A_654 = tpu.vector_load %arg12[%swap3A_652, %swap3A_653] {strides = array<i32>} : memref<1600x32xf32, #tpu.memory_space<vmem>>, vector<1x16xf32>,
              %swap3A_655 = vector.shape_cast %swap3A_654 : vector<1x16xf32> to vector<16xf32>
              %swap3A_656 = vector.shape_cast %broadcast_in_dim3A_5 : vector<16xf32> to vector<1x16xf32>
              tpu.vector_store %arg12[%swap3A_652, %swap3A_653], %swap3A_656 {strides = array<i32>} : memref<1600x32xf32, #tpu.memory_space<vmem>>, vector<1x16xf32>,
            } else {
            }
            %slice3A_634 = vector.extract_strided_slice %get3A_485 {offsets = [15], sizes = [1], strides = [1]} : vector<16xi32> to vector<1xi32>
            %squeeze3A_635 = vector.extract %slice3A_634[0] : i32 from vector<1xi32>
            %eq3A_636 = arith.constant -1 : i32
            %eq3A_637 = arith.cmpi eq, %squeeze3A_635, %eq3A_636 : i32
            %eq3A_638 = arith.constant -2 : i32
            %eq3A_639 = arith.cmpi eq, %squeeze3A_635, %eq3A_638 : i32
            %or3A_640 = arith.ori %eq3A_637, %eq3A_639 : i1
            %convert_element_type3A_641 = arith.extui %or3A_640 : i1 to i32
            %cond3A_642 = arith.constant 0 : i32
            %cond3A_643 = arith.cmpi ne, %convert_element_type3A_641, %cond3A_642 : i32
            scf.if %cond3A_643 {
              %mul3A_644 = arith.constant 16 : i32
              %mul3A_645 = arith.muli %scan3A_481, %mul3A_644 : i32
              %add3A_646 = arith.constant 15 : i32
              %add3A_647 = arith.addi %mul3A_645, %add3A_646 : i32
              %swap3A = arith.index_cast %add3A_647 : i32 to index
              %swap3A_648 = arith.constant 0 : index
              %swap3A_649 = tpu.vector_load %arg12[%swap3A, %swap3A_648] {strides = array<i32>} : memref<1600x32xf32, #tpu.memory_space<vmem>>, vector<1x16xf32>,
              %swap3A_650 = vector.shape_cast %swap3A_649 : vector<1x16xf32> to vector<16xf32>
              %swap3A_651 = vector.shape_cast %broadcast_in_dim3A_5 : vector<16xf32> to vector<1x16xf32>
              tpu.vector_store %arg12[%swap3A, %swap3A_648], %swap3A_651 {strides = array<i32>} : memref<1600x32xf32, #tpu.memory_space<vmem>>, vector<1x16xf32>,
              %swap3A_652 = arith.index_cast %add3A_647 : i32 to index
              %swap3A_653 = arith.constant 16 : index
              %swap3A_654 = tpu.vector_load %arg12[%swap3A_652, %swap3A_653] {strides = array<i32>} : memref<1600x32xf32, #tpu.memory_space<vmem>>, vector<1x16xf32>,
              %swap3A_655 = vector.shape_cast %swap3A_654 : vector<1x16xf32> to vector<16xf32>
              %swap3A_656 = vector.shape_cast %broadcast_in_dim3A_5 : vector<16xf32> to vector<1x16xf32>
              tpu.vector_store %arg12[%swap3A_652, %swap3A_653], %swap3A_656 {strides = array<i32>} : memref<1600x32xf32, #tpu.memory_space<vmem>>, vector<1x16xf32>,
            } else {
            }
          }
          %scan3A_480 = arith.constant 100 : i32
        } else {
        }
        %dma_start3A_471 = arith.constant 0 : i32
        %dma_start3A_472 = tpu.memref_slice %arg5[%add3A_348, %dma_start3A_471] : memref<819200x32xf32, #tpu.memory_space<hbm>> -> memref<1600x32xf32, #tpu.memory_space<hbm>>
        %dma_start3A_473 = arith.constant 0 : i32
        %dma_start3A_474 = tpu.memref_slice %arg5[%add3A_348, %dma_start3A_473] : memref<819200x32xf32, #tpu.memory_space<hbm>> -> memref<1600x32xf32, #tpu.memory_space<hbm>>
        tpu.enqueue_dma source(%arg12 : memref<1600x32xf32, #tpu.memory_space<vmem>>) target(%dma_start3A_474 : memref<1600x32xf32, #tpu.memory_space<hbm>>) target_semaphore(%arg32 : memref<!tpu.dma_semaphore, #tpu.memory_space<semaphore_mem>>)
      } else {
      }
      %add3A_338 = arith.constant 1 : i32
      %add3A_339 = arith.addi %add3A_249, %add3A_338 : i32
      %lt3A_340 = arith.constant 16 : i32
      %lt3A_341 = arith.cmpi slt, %add3A_339, %lt3A_340 : i32
      %convert_element_type3A_342 = arith.extui %lt3A_341 : i1 to i32
      %cond3A_343 = arith.constant 0 : i32
      %cond3A_344 = arith.cmpi ne, %convert_element_type3A_342, %cond3A_343 : i32
      scf.if %cond3A_344 {
        %add3A_345 = arith.constant 1600 : i32
        %add3A_346 = arith.addi %add3A_252, %add3A_345 : i32
        %dma_start3A_347 = tpu.memref_slice %arg2[%add3A_346] : memref<819200xi32, #tpu.memory_space<hbm>> -> memref<1600xi32, #tpu.memory_space<hbm>>
        %dma_start3A_348 = tpu.memref_slice %arg2[%add3A_346] : memref<819200xi32, #tpu.memory_space<hbm>> -> memref<1600xi32, #tpu.memory_space<hbm>>
        tpu.enqueue_dma source(%dma_start3A_348 : memref<1600xi32, #tpu.memory_space<hbm>>) target(%arg6 : memref<1600xi32, #tpu.memory_space<vmem>>) target_semaphore(%arg14 : memref<!tpu.dma_semaphore, #tpu.memory_space<semaphore_mem>>)
        %dma_start3A_349 = tpu.memref_slice %arg3[%add3A_346] : memref<819200xi32, #tpu.memory_space<hbm>> -> memref<1600xi32, #tpu.memory_space<hbm>>
        %dma_start3A_350 = tpu.memref_slice %arg3[%add3A_346] : memref<819200xi32, #tpu.memory_space<hbm>> -> memref<1600xi32, #tpu.memory_space<hbm>>
        tpu.enqueue_dma source(%dma_start3A_350 : memref<1600xi32, #tpu.memory_space<hbm>>) target(%arg8 : memref<1600xi32, #tpu.memory_space<vmem>>) target_semaphore(%arg14 : memref<!tpu.dma_semaphore, #tpu.memory_space<semaphore_mem>>)
      } else {
      }
    }
    %scan3A_13 = arith.constant 8 : i32
    %add3A_14 = arith.constant 24000 : i32
    %add3A_15 = arith.addi %mul3A_2, %add3A_14 : i32
    %dma_wait3A = arith.constant 0 : i32
    %dma_wait3A_16 = arith.constant 0 : i32
    %dma_wait3A_17 = tpu.memref_slice %arg13[%dma_wait3A, %dma_wait3A_16] : memref<1600x32xf32, #tpu.memory_space<vmem>> -> memref<200x32xf32, #tpu.memory_space<vmem>>
    %dma_wait3A_18 = arith.constant 0 : i32
    %dma_wait3A_19 = tpu.memref_slice %arg11[%dma_wait3A_18] : memref<1600xi32, #tpu.memory_space<vmem>> -> memref<200xi32, #tpu.memory_space<vmem>>
    %dma_wait3A_20 = arith.constant 0 : i32
    %dma_wait3A_21 = arith.constant 0 : i32
    %dma_wait3A_22 = tpu.memref_slice %arg4[%dma_wait3A_20, %dma_wait3A_21] : memref<1000001x32xf32, #tpu.memory_space<hbm>> -> memref<1000001x32xf32, #tpu.memory_space<hbm>>
    tpu.wait_indirect_dma semaphore(%arg24 : memref<!tpu.dma_semaphore, #tpu.memory_space<semaphore_mem>>) src(%dma_wait3A_22 : memref<1000001x32xf32, #tpu.memory_space<hbm>>) dst(%dma_wait3A_17 : memref<200x32xf32, #tpu.memory_space<vmem>>)
    %dma_wait3A_23 = arith.constant 200 : i32
    %dma_wait3A_24 = arith.constant 0 : i32
    %dma_wait3A_25 = tpu.memref_slice %arg13[%dma_wait3A_23, %dma_wait3A_24] : memref<1600x32xf32, #tpu.memory_space<vmem>> -> memref<200x32xf32, #tpu.memory_space<vmem>>
    %dma_wait3A_26 = arith.constant 200 : i32
    %dma_wait3A_27 = tpu.memref_slice %arg11[%dma_wait3A_26] : memref<1600xi32, #tpu.memory_space<vmem>> -> memref<200xi32, #tpu.memory_space<vmem>>
    %dma_wait3A_28 = arith.constant 0 : i32
    %dma_wait3A_29 = arith.constant 0 : i32
    %dma_wait3A_30 = tpu.memref_slice %arg4[%dma_wait3A_28, %dma_wait3A_29] : memref<1000001x32xf32, #tpu.memory_space<hbm>> -> memref<1000001x32xf32, #tpu.memory_space<hbm>>
    tpu.wait_indirect_dma semaphore(%arg25 : memref<!tpu.dma_semaphore, #tpu.memory_space<semaphore_mem>>) src(%dma_wait3A_30 : memref<1000001x32xf32, #tpu.memory_space<hbm>>) dst(%dma_wait3A_25 : memref<200x32xf32, #tpu.memory_space<vmem>>)
    %dma_wait3A_31 = arith.constant 400 : i32
    %dma_wait3A_32 = arith.constant 0 : i32
    %dma_wait3A_33 = tpu.memref_slice %arg13[%dma_wait3A_31, %dma_wait3A_32] : memref<1600x32xf32, #tpu.memory_space<vmem>> -> memref<200x32xf32, #tpu.memory_space<vmem>>
    %dma_wait3A_34 = arith.constant 400 : i32
    %dma_wait3A_35 = tpu.memref_slice %arg11[%dma_wait3A_34] : memref<1600xi32, #tpu.memory_space<vmem>> -> memref<200xi32, #tpu.memory_space<vmem>>
    %dma_wait3A_36 = arith.constant 0 : i32
    %dma_wait3A_37 = arith.constant 0 : i32
    %dma_wait3A_38 = tpu.memref_slice %arg4[%dma_wait3A_36, %dma_wait3A_37] : memref<1000001x32xf32, #tpu.memory_space<hbm>> -> memref<1000001x32xf32, #tpu.memory_space<hbm>>
    tpu.wait_indirect_dma semaphore(%arg26 : memref<!tpu.dma_semaphore, #tpu.memory_space<semaphore_mem>>) src(%dma_wait3A_38 : memref<1000001x32xf32, #tpu.memory_space<hbm>>) dst(%dma_wait3A_33 : memref<200x32xf32, #tpu.memory_space<vmem>>)
    %dma_wait3A_39 = arith.constant 600 : i32
    %dma_wait3A_40 = arith.constant 0 : i32
    %dma_wait3A_41 = tpu.memref_slice %arg13[%dma_wait3A_39, %dma_wait3A_40] : memref<1600x32xf32, #tpu.memory_space<vmem>> -> memref<200x32xf32, #tpu.memory_space<vmem>>
    %dma_wait3A_42 = arith.constant 600 : i32
    %dma_wait3A_43 = tpu.memref_slice %arg11[%dma_wait3A_42] : memref<1600xi32, #tpu.memory_space<vmem>> -> memref<200xi32, #tpu.memory_space<vmem>>
    %dma_wait3A_44 = arith.constant 0 : i32
    %dma_wait3A_45 = arith.constant 0 : i32
    %dma_wait3A_46 = tpu.memref_slice %arg4[%dma_wait3A_44, %dma_wait3A_45] : memref<1000001x32xf32, #tpu.memory_space<hbm>> -> memref<1000001x32xf32, #tpu.memory_space<hbm>>
    tpu.wait_indirect_dma semaphore(%arg27 : memref<!tpu.dma_semaphore, #tpu.memory_space<semaphore_mem>>) src(%dma_wait3A_46 : memref<1000001x32xf32, #tpu.memory_space<hbm>>) dst(%dma_wait3A_41 : memref<200x32xf32, #tpu.memory_space<vmem>>)
    %dma_wait3A_47 = arith.constant 800 : i32
    %dma_wait3A_48 = arith.constant 0 : i32
    %dma_wait3A_49 = tpu.memref_slice %arg13[%dma_wait3A_47, %dma_wait3A_48] : memref<1600x32xf32, #tpu.memory_space<vmem>> -> memref<200x32xf32, #tpu.memory_space<vmem>>
    %dma_wait3A_50 = arith.constant 800 : i32
    %dma_wait3A_51 = tpu.memref_slice %arg11[%dma_wait3A_50] : memref<1600xi32, #tpu.memory_space<vmem>> -> memref<200xi32, #tpu.memory_space<vmem>>
    %dma_wait3A_52 = arith.constant 0 : i32
    %dma_wait3A_53 = arith.constant 0 : i32
    %dma_wait3A_54 = tpu.memref_slice %arg4[%dma_wait3A_52, %dma_wait3A_53] : memref<1000001x32xf32, #tpu.memory_space<hbm>> -> memref<1000001x32xf32, #tpu.memory_space<hbm>>
    tpu.wait_indirect_dma semaphore(%arg28 : memref<!tpu.dma_semaphore, #tpu.memory_space<semaphore_mem>>) src(%dma_wait3A_54 : memref<1000001x32xf32, #tpu.memory_space<hbm>>) dst(%dma_wait3A_49 : memref<200x32xf32, #tpu.memory_space<vmem>>)
    %dma_wait3A_55 = arith.constant 1000 : i32
    %dma_wait3A_56 = arith.constant 0 : i32
    %dma_wait3A_57 = tpu.memref_slice %arg13[%dma_wait3A_55, %dma_wait3A_56] : memref<1600x32xf32, #tpu.memory_space<vmem>> -> memref<200x32xf32, #tpu.memory_space<vmem>>
    %dma_wait3A_58 = arith.constant 1000 : i32
    %dma_wait3A_59 = tpu.memref_slice %arg11[%dma_wait3A_58] : memref<1600xi32, #tpu.memory_space<vmem>> -> memref<200xi32, #tpu.memory_space<vmem>>
    %dma_wait3A_60 = arith.constant 0 : i32
    %dma_wait3A_61 = arith.constant 0 : i32
    %dma_wait3A_62 = tpu.memref_slice %arg4[%dma_wait3A_60, %dma_wait3A_61] : memref<1000001x32xf32, #tpu.memory_space<hbm>> -> memref<1000001x32xf32, #tpu.memory_space<hbm>>
    tpu.wait_indirect_dma semaphore(%arg29 : memref<!tpu.dma_semaphore, #tpu.memory_space<semaphore_mem>>) src(%dma_wait3A_62 : memref<1000001x32xf32, #tpu.memory_space<hbm>>) dst(%dma_wait3A_57 : memref<200x32xf32, #tpu.memory_space<vmem>>)
    %dma_wait3A_63 = arith.constant 1200 : i32
    %dma_wait3A_64 = arith.constant 0 : i32
    %dma_wait3A_65 = tpu.memref_slice %arg13[%dma_wait3A_63, %dma_wait3A_64] : memref<1600x32xf32, #tpu.memory_space<vmem>> -> memref<200x32xf32, #tpu.memory_space<vmem>>
    %dma_wait3A_66 = arith.constant 1200 : i32
    %dma_wait3A_67 = tpu.memref_slice %arg11[%dma_wait3A_66] : memref<1600xi32, #tpu.memory_space<vmem>> -> memref<200xi32, #tpu.memory_space<vmem>>
    %dma_wait3A_68 = arith.constant 0 : i32
    %dma_wait3A_69 = arith.constant 0 : i32
    %dma_wait3A_70 = tpu.memref_slice %arg4[%dma_wait3A_68, %dma_wait3A_69] : memref<1000001x32xf32, #tpu.memory_space<hbm>> -> memref<1000001x32xf32, #tpu.memory_space<hbm>>
    tpu.wait_indirect_dma semaphore(%arg30 : memref<!tpu.dma_semaphore, #tpu.memory_space<semaphore_mem>>) src(%dma_wait3A_70 : memref<1000001x32xf32, #tpu.memory_space<hbm>>) dst(%dma_wait3A_65 : memref<200x32xf32, #tpu.memory_space<vmem>>)
    %dma_wait3A_71 = arith.constant 1400 : i32
    %dma_wait3A_72 = arith.constant 0 : i32
    %dma_wait3A_73 = tpu.memref_slice %arg13[%dma_wait3A_71, %dma_wait3A_72] : memref<1600x32xf32, #tpu.memory_space<vmem>> -> memref<200x32xf32, #tpu.memory_space<vmem>>
    %dma_wait3A_74 = arith.constant 1400 : i32
    %dma_wait3A_75 = tpu.memref_slice %arg11[%dma_wait3A_74] : memref<1600xi32, #tpu.memory_space<vmem>> -> memref<200xi32, #tpu.memory_space<vmem>>
    %dma_wait3A_76 = arith.constant 0 : i32
    %dma_wait3A_77 = arith.constant 0 : i32
    %dma_wait3A_78 = tpu.memref_slice %arg4[%dma_wait3A_76, %dma_wait3A_77] : memref<1000001x32xf32, #tpu.memory_space<hbm>> -> memref<1000001x32xf32, #tpu.memory_space<hbm>>
    tpu.wait_indirect_dma semaphore(%arg31 : memref<!tpu.dma_semaphore, #tpu.memory_space<semaphore_mem>>) src(%dma_wait3A_78 : memref<1000001x32xf32, #tpu.memory_space<hbm>>) dst(%dma_wait3A_73 : memref<200x32xf32, #tpu.memory_space<vmem>>)
    %scan3A_79 = arith.constant 0 : i32
    %scan3A_80 = arith.constant 100 : i32
    %scan3A_81 = arith.addi %scan3A_79, %scan3A_80 : i32
    %scan3A_82 = arith.constant 1 : i32
    %scan3A_83 = scf.for %scan3A_147 = %scan3A_79 to %scan3A_81 step %scan3A_82 iter_args(%scan3A_148 = %broadcast_in_dim3A_3) -> (vector<16xi32>)  : i32 {
      %mul3A_149 = arith.constant 16 : i32
      %mul3A_150 = arith.muli %scan3A_147, %mul3A_149 : i32
      %get3A = arith.index_cast %mul3A_150 : i32 to index
      %get3A_151 = tpu.vector_load %arg9[%get3A] {strides = array<i32>} : memref<1600xi32, #tpu.memory_space<vmem>>, vector<16xi32>,
      %get3A_152 = vector.shape_cast %get3A_151 : vector<16xi32> to vector<16xi32>
      %min3A_153 = arith.minsi %scan3A_148, %get3A_152 : vector<16xi32>
      scf.yield %min3A_153 : vector<16xi32>
    }
    %scan3A_84 = arith.constant 100 : i32
    %slice3A = vector.extract_strided_slice %scan3A_83 {offsets = [0], sizes = [1], strides = [1]} : vector<16xi32> to vector<1xi32>
    %squeeze3A = vector.extract %slice3A[0] : i32 from vector<1xi32>
    %slice3A_85 = vector.extract_strided_slice %scan3A_83 {offsets = [1], sizes = [1], strides = [1]} : vector<16xi32> to vector<1xi32>
    %squeeze3A_86 = vector.extract %slice3A_85[0] : i32 from vector<1xi32>
    %slice3A_87 = vector.extract_strided_slice %scan3A_83 {offsets = [2], sizes = [1], strides = [1]} : vector<16xi32> to vector<1xi32>
    %squeeze3A_88 = vector.extract %slice3A_87[0] : i32 from vector<1xi32>
    %slice3A_89 = vector.extract_strided_slice %scan3A_83 {offsets = [3], sizes = [1], strides = [1]} : vector<16xi32> to vector<1xi32>
    %squeeze3A_90 = vector.extract %slice3A_89[0] : i32 from vector<1xi32>
    %slice3A_91 = vector.extract_strided_slice %scan3A_83 {offsets = [4], sizes = [1], strides = [1]} : vector<16xi32> to vector<1xi32>
    %squeeze3A_92 = vector.extract %slice3A_91[0] : i32 from vector<1xi32>
    %slice3A_93 = vector.extract_strided_slice %scan3A_83 {offsets = [5], sizes = [1], strides = [1]} : vector<16xi32> to vector<1xi32>
    %squeeze3A_94 = vector.extract %slice3A_93[0] : i32 from vector<1xi32>
    %slice3A_95 = vector.extract_strided_slice %scan3A_83 {offsets = [6], sizes = [1], strides = [1]} : vector<16xi32> to vector<1xi32>
    %squeeze3A_96 = vector.extract %slice3A_95[0] : i32 from vector<1xi32>
    %slice3A_97 = vector.extract_strided_slice %scan3A_83 {offsets = [7], sizes = [1], strides = [1]} : vector<16xi32> to vector<1xi32>
    %squeeze3A_98 = vector.extract %slice3A_97[0] : i32 from vector<1xi32>
    %slice3A_99 = vector.extract_strided_slice %scan3A_83 {offsets = [8], sizes = [1], strides = [1]} : vector<16xi32> to vector<1xi32>
    %squeeze3A_100 = vector.extract %slice3A_99[0] : i32 from vector<1xi32>
    %slice3A_101 = vector.extract_strided_slice %scan3A_83 {offsets = [9], sizes = [1], strides = [1]} : vector<16xi32> to vector<1xi32>
    %squeeze3A_102 = vector.extract %slice3A_101[0] : i32 from vector<1xi32>
    %slice3A_103 = vector.extract_strided_slice %scan3A_83 {offsets = [10], sizes = [1], strides = [1]} : vector<16xi32> to vector<1xi32>
    %squeeze3A_104 = vector.extract %slice3A_103[0] : i32 from vector<1xi32>
    %slice3A_105 = vector.extract_strided_slice %scan3A_83 {offsets = [11], sizes = [1], strides = [1]} : vector<16xi32> to vector<1xi32>
    %squeeze3A_106 = vector.extract %slice3A_105[0] : i32 from vector<1xi32>
    %slice3A_107 = vector.extract_strided_slice %scan3A_83 {offsets = [12], sizes = [1], strides = [1]} : vector<16xi32> to vector<1xi32>
    %squeeze3A_108 = vector.extract %slice3A_107[0] : i32 from vector<1xi32>
    %slice3A_109 = vector.extract_strided_slice %scan3A_83 {offsets = [13], sizes = [1], strides = [1]} : vector<16xi32> to vector<1xi32>
    %squeeze3A_110 = vector.extract %slice3A_109[0] : i32 from vector<1xi32>
    %slice3A_111 = vector.extract_strided_slice %scan3A_83 {offsets = [14], sizes = [1], strides = [1]} : vector<16xi32> to vector<1xi32>
    %squeeze3A_112 = vector.extract %slice3A_111[0] : i32 from vector<1xi32>
    %slice3A_113 = vector.extract_strided_slice %scan3A_83 {offsets = [15], sizes = [1], strides = [1]} : vector<16xi32> to vector<1xi32>
    %squeeze3A_114 = vector.extract %slice3A_113[0] : i32 from vector<1xi32>
    %min3A = arith.minsi %squeeze3A, %squeeze3A_86 : i32
    %min3A_115 = arith.minsi %squeeze3A_88, %squeeze3A_90 : i32
    %min3A_116 = arith.minsi %squeeze3A_92, %squeeze3A_94 : i32
    %min3A_117 = arith.minsi %squeeze3A_96, %squeeze3A_98 : i32
    %min3A_118 = arith.minsi %squeeze3A_100, %squeeze3A_102 : i32
    %min3A_119 = arith.minsi %squeeze3A_104, %squeeze3A_106 : i32
    %min3A_120 = arith.minsi %squeeze3A_108, %squeeze3A_110 : i32
    %min3A_121 = arith.minsi %squeeze3A_112, %squeeze3A_114 : i32
    %min3A_122 = arith.minsi %min3A, %min3A_115 : i32
    %min3A_123 = arith.minsi %min3A_116, %min3A_117 : i32
    %min3A_124 = arith.minsi %min3A_118, %min3A_119 : i32
    %min3A_125 = arith.minsi %min3A_120, %min3A_121 : i32
    %min3A_126 = arith.minsi %min3A_122, %min3A_123 : i32
    %min3A_127 = arith.minsi %min3A_124, %min3A_125 : i32
    %min3A_128 = arith.minsi %min3A_126, %min3A_127 : i32
    %lt3A = arith.constant 0 : i32
    %lt3A_129 = arith.cmpi slt, %min3A_128, %lt3A : i32
    %convert_element_type3A = arith.extui %lt3A_129 : i1 to i32
    %cond3A = arith.constant 0 : i32
    %cond3A_130 = arith.cmpi ne, %convert_element_type3A, %cond3A : i32
    scf.if %cond3A_130 {
      %scan3A_147 = arith.constant 0 : i32
      %scan3A_148 = arith.constant 0 : i32
      %scan3A_149 = arith.constant 100 : i32
      %scan3A_150 = arith.addi %scan3A_148, %scan3A_149 : i32
      %scan3A_151 = arith.constant 1 : i32
      scf.for %scan3A_153 = %scan3A_148 to %scan3A_150 step %scan3A_151  : i32 {
        %mul3A_154 = arith.constant 16 : i32
        %mul3A_155 = arith.muli %scan3A_153, %mul3A_154 : i32
        %get3A = arith.index_cast %mul3A_155 : i32 to index
        %get3A_156 = tpu.vector_load %arg9[%get3A] {strides = array<i32>} : memref<1600xi32, #tpu.memory_space<vmem>>, vector<16xi32>,
        %get3A_157 = vector.shape_cast %get3A_156 : vector<16xi32> to vector<16xi32>
        %slice3A_158 = vector.extract_strided_slice %get3A_157 {offsets = [0], sizes = [1], strides = [1]} : vector<16xi32> to vector<1xi32>
        %squeeze3A_159 = vector.extract %slice3A_158[0] : i32 from vector<1xi32>
        %eq3A = arith.constant -1 : i32
        %eq3A_160 = arith.cmpi eq, %squeeze3A_159, %eq3A : i32
        %eq3A_161 = arith.constant -2 : i32
        %eq3A_162 = arith.cmpi eq, %squeeze3A_159, %eq3A_161 : i32
        %or3A = arith.ori %eq3A_160, %eq3A_162 : i1
        %convert_element_type3A_163 = arith.extui %or3A : i1 to i32
        %cond3A_164 = arith.constant 0 : i32
        %cond3A_165 = arith.cmpi ne, %convert_element_type3A_163, %cond3A_164 : i32
        scf.if %cond3A_165 {
          %mul3A_316 = arith.constant 16 : i32
          %mul3A_317 = arith.muli %scan3A_153, %mul3A_316 : i32
          %add3A_318 = arith.constant 0 : i32
          %add3A_319 = arith.addi %mul3A_317, %add3A_318 : i32
          %swap3A = arith.index_cast %add3A_319 : i32 to index
          %swap3A_320 = arith.constant 0 : index
          %swap3A_321 = tpu.vector_load %arg13[%swap3A, %swap3A_320] {strides = array<i32>} : memref<1600x32xf32, #tpu.memory_space<vmem>>, vector<1x16xf32>,
          %swap3A_322 = vector.shape_cast %swap3A_321 : vector<1x16xf32> to vector<16xf32>
          %swap3A_323 = vector.shape_cast %broadcast_in_dim3A_5 : vector<16xf32> to vector<1x16xf32>
          tpu.vector_store %arg13[%swap3A, %swap3A_320], %swap3A_323 {strides = array<i32>} : memref<1600x32xf32, #tpu.memory_space<vmem>>, vector<1x16xf32>,
          %swap3A_324 = arith.index_cast %add3A_319 : i32 to index
          %swap3A_325 = arith.constant 16 : index
          %swap3A_326 = tpu.vector_load %arg13[%swap3A_324, %swap3A_325] {strides = array<i32>} : memref<1600x32xf32, #tpu.memory_space<vmem>>, vector<1x16xf32>,
          %swap3A_327 = vector.shape_cast %swap3A_326 : vector<1x16xf32> to vector<16xf32>
          %swap3A_328 = vector.shape_cast %broadcast_in_dim3A_5 : vector<16xf32> to vector<1x16xf32>
          tpu.vector_store %arg13[%swap3A_324, %swap3A_325], %swap3A_328 {strides = array<i32>} : memref<1600x32xf32, #tpu.memory_space<vmem>>, vector<1x16xf32>,
        } else {
        }
        %slice3A_166 = vector.extract_strided_slice %get3A_157 {offsets = [1], sizes = [1], strides = [1]} : vector<16xi32> to vector<1xi32>
        %squeeze3A_167 = vector.extract %slice3A_166[0] : i32 from vector<1xi32>
        %eq3A_168 = arith.constant -1 : i32
        %eq3A_169 = arith.cmpi eq, %squeeze3A_167, %eq3A_168 : i32
        %eq3A_170 = arith.constant -2 : i32
        %eq3A_171 = arith.cmpi eq, %squeeze3A_167, %eq3A_170 : i32
        %or3A_172 = arith.ori %eq3A_169, %eq3A_171 : i1
        %convert_element_type3A_173 = arith.extui %or3A_172 : i1 to i32
        %cond3A_174 = arith.constant 0 : i32
        %cond3A_175 = arith.cmpi ne, %convert_element_type3A_173, %cond3A_174 : i32
        scf.if %cond3A_175 {
          %mul3A_316 = arith.constant 16 : i32
          %mul3A_317 = arith.muli %scan3A_153, %mul3A_316 : i32
          %add3A_318 = arith.constant 1 : i32
          %add3A_319 = arith.addi %mul3A_317, %add3A_318 : i32
          %swap3A = arith.index_cast %add3A_319 : i32 to index
          %swap3A_320 = arith.constant 0 : index
          %swap3A_321 = tpu.vector_load %arg13[%swap3A, %swap3A_320] {strides = array<i32>} : memref<1600x32xf32, #tpu.memory_space<vmem>>, vector<1x16xf32>,
          %swap3A_322 = vector.shape_cast %swap3A_321 : vector<1x16xf32> to vector<16xf32>
          %swap3A_323 = vector.shape_cast %broadcast_in_dim3A_5 : vector<16xf32> to vector<1x16xf32>
          tpu.vector_store %arg13[%swap3A, %swap3A_320], %swap3A_323 {strides = array<i32>} : memref<1600x32xf32, #tpu.memory_space<vmem>>, vector<1x16xf32>,
          %swap3A_324 = arith.index_cast %add3A_319 : i32 to index
          %swap3A_325 = arith.constant 16 : index
          %swap3A_326 = tpu.vector_load %arg13[%swap3A_324, %swap3A_325] {strides = array<i32>} : memref<1600x32xf32, #tpu.memory_space<vmem>>, vector<1x16xf32>,
          %swap3A_327 = vector.shape_cast %swap3A_326 : vector<1x16xf32> to vector<16xf32>
          %swap3A_328 = vector.shape_cast %broadcast_in_dim3A_5 : vector<16xf32> to vector<1x16xf32>
          tpu.vector_store %arg13[%swap3A_324, %swap3A_325], %swap3A_328 {strides = array<i32>} : memref<1600x32xf32, #tpu.memory_space<vmem>>, vector<1x16xf32>,
        } else {
        }
        %slice3A_176 = vector.extract_strided_slice %get3A_157 {offsets = [2], sizes = [1], strides = [1]} : vector<16xi32> to vector<1xi32>
        %squeeze3A_177 = vector.extract %slice3A_176[0] : i32 from vector<1xi32>
        %eq3A_178 = arith.constant -1 : i32
        %eq3A_179 = arith.cmpi eq, %squeeze3A_177, %eq3A_178 : i32
        %eq3A_180 = arith.constant -2 : i32
        %eq3A_181 = arith.cmpi eq, %squeeze3A_177, %eq3A_180 : i32
        %or3A_182 = arith.ori %eq3A_179, %eq3A_181 : i1
        %convert_element_type3A_183 = arith.extui %or3A_182 : i1 to i32
        %cond3A_184 = arith.constant 0 : i32
        %cond3A_185 = arith.cmpi ne, %convert_element_type3A_183, %cond3A_184 : i32
        scf.if %cond3A_185 {
          %mul3A_316 = arith.constant 16 : i32
          %mul3A_317 = arith.muli %scan3A_153, %mul3A_316 : i32
          %add3A_318 = arith.constant 2 : i32
          %add3A_319 = arith.addi %mul3A_317, %add3A_318 : i32
          %swap3A = arith.index_cast %add3A_319 : i32 to index
          %swap3A_320 = arith.constant 0 : index
          %swap3A_321 = tpu.vector_load %arg13[%swap3A, %swap3A_320] {strides = array<i32>} : memref<1600x32xf32, #tpu.memory_space<vmem>>, vector<1x16xf32>,
          %swap3A_322 = vector.shape_cast %swap3A_321 : vector<1x16xf32> to vector<16xf32>
          %swap3A_323 = vector.shape_cast %broadcast_in_dim3A_5 : vector<16xf32> to vector<1x16xf32>
          tpu.vector_store %arg13[%swap3A, %swap3A_320], %swap3A_323 {strides = array<i32>} : memref<1600x32xf32, #tpu.memory_space<vmem>>, vector<1x16xf32>,
          %swap3A_324 = arith.index_cast %add3A_319 : i32 to index
          %swap3A_325 = arith.constant 16 : index
          %swap3A_326 = tpu.vector_load %arg13[%swap3A_324, %swap3A_325] {strides = array<i32>} : memref<1600x32xf32, #tpu.memory_space<vmem>>, vector<1x16xf32>,
          %swap3A_327 = vector.shape_cast %swap3A_326 : vector<1x16xf32> to vector<16xf32>
          %swap3A_328 = vector.shape_cast %broadcast_in_dim3A_5 : vector<16xf32> to vector<1x16xf32>
          tpu.vector_store %arg13[%swap3A_324, %swap3A_325], %swap3A_328 {strides = array<i32>} : memref<1600x32xf32, #tpu.memory_space<vmem>>, vector<1x16xf32>,
        } else {
        }
        %slice3A_186 = vector.extract_strided_slice %get3A_157 {offsets = [3], sizes = [1], strides = [1]} : vector<16xi32> to vector<1xi32>
        %squeeze3A_187 = vector.extract %slice3A_186[0] : i32 from vector<1xi32>
        %eq3A_188 = arith.constant -1 : i32
        %eq3A_189 = arith.cmpi eq, %squeeze3A_187, %eq3A_188 : i32
        %eq3A_190 = arith.constant -2 : i32
        %eq3A_191 = arith.cmpi eq, %squeeze3A_187, %eq3A_190 : i32
        %or3A_192 = arith.ori %eq3A_189, %eq3A_191 : i1
        %convert_element_type3A_193 = arith.extui %or3A_192 : i1 to i32
        %cond3A_194 = arith.constant 0 : i32
        %cond3A_195 = arith.cmpi ne, %convert_element_type3A_193, %cond3A_194 : i32
        scf.if %cond3A_195 {
          %mul3A_316 = arith.constant 16 : i32
          %mul3A_317 = arith.muli %scan3A_153, %mul3A_316 : i32
          %add3A_318 = arith.constant 3 : i32
          %add3A_319 = arith.addi %mul3A_317, %add3A_318 : i32
          %swap3A = arith.index_cast %add3A_319 : i32 to index
          %swap3A_320 = arith.constant 0 : index
          %swap3A_321 = tpu.vector_load %arg13[%swap3A, %swap3A_320] {strides = array<i32>} : memref<1600x32xf32, #tpu.memory_space<vmem>>, vector<1x16xf32>,
          %swap3A_322 = vector.shape_cast %swap3A_321 : vector<1x16xf32> to vector<16xf32>
          %swap3A_323 = vector.shape_cast %broadcast_in_dim3A_5 : vector<16xf32> to vector<1x16xf32>
          tpu.vector_store %arg13[%swap3A, %swap3A_320], %swap3A_323 {strides = array<i32>} : memref<1600x32xf32, #tpu.memory_space<vmem>>, vector<1x16xf32>,
          %swap3A_324 = arith.index_cast %add3A_319 : i32 to index
          %swap3A_325 = arith.constant 16 : index
          %swap3A_326 = tpu.vector_load %arg13[%swap3A_324, %swap3A_325] {strides = array<i32>} : memref<1600x32xf32, #tpu.memory_space<vmem>>, vector<1x16xf32>,
          %swap3A_327 = vector.shape_cast %swap3A_326 : vector<1x16xf32> to vector<16xf32>
          %swap3A_328 = vector.shape_cast %broadcast_in_dim3A_5 : vector<16xf32> to vector<1x16xf32>
          tpu.vector_store %arg13[%swap3A_324, %swap3A_325], %swap3A_328 {strides = array<i32>} : memref<1600x32xf32, #tpu.memory_space<vmem>>, vector<1x16xf32>,
        } else {
        }
        %slice3A_196 = vector.extract_strided_slice %get3A_157 {offsets = [4], sizes = [1], strides = [1]} : vector<16xi32> to vector<1xi32>
        %squeeze3A_197 = vector.extract %slice3A_196[0] : i32 from vector<1xi32>
        %eq3A_198 = arith.constant -1 : i32
        %eq3A_199 = arith.cmpi eq, %squeeze3A_197, %eq3A_198 : i32
        %eq3A_200 = arith.constant -2 : i32
        %eq3A_201 = arith.cmpi eq, %squeeze3A_197, %eq3A_200 : i32
        %or3A_202 = arith.ori %eq3A_199, %eq3A_201 : i1
        %convert_element_type3A_203 = arith.extui %or3A_202 : i1 to i32
        %cond3A_204 = arith.constant 0 : i32
        %cond3A_205 = arith.cmpi ne, %convert_element_type3A_203, %cond3A_204 : i32
        scf.if %cond3A_205 {
          %mul3A_316 = arith.constant 16 : i32
          %mul3A_317 = arith.muli %scan3A_153, %mul3A_316 : i32
          %add3A_318 = arith.constant 4 : i32
          %add3A_319 = arith.addi %mul3A_317, %add3A_318 : i32
          %swap3A = arith.index_cast %add3A_319 : i32 to index
          %swap3A_320 = arith.constant 0 : index
          %swap3A_321 = tpu.vector_load %arg13[%swap3A, %swap3A_320] {strides = array<i32>} : memref<1600x32xf32, #tpu.memory_space<vmem>>, vector<1x16xf32>,
          %swap3A_322 = vector.shape_cast %swap3A_321 : vector<1x16xf32> to vector<16xf32>
          %swap3A_323 = vector.shape_cast %broadcast_in_dim3A_5 : vector<16xf32> to vector<1x16xf32>
          tpu.vector_store %arg13[%swap3A, %swap3A_320], %swap3A_323 {strides = array<i32>} : memref<1600x32xf32, #tpu.memory_space<vmem>>, vector<1x16xf32>,
          %swap3A_324 = arith.index_cast %add3A_319 : i32 to index
          %swap3A_325 = arith.constant 16 : index
          %swap3A_326 = tpu.vector_load %arg13[%swap3A_324, %swap3A_325] {strides = array<i32>} : memref<1600x32xf32, #tpu.memory_space<vmem>>, vector<1x16xf32>,
          %swap3A_327 = vector.shape_cast %swap3A_326 : vector<1x16xf32> to vector<16xf32>
          %swap3A_328 = vector.shape_cast %broadcast_in_dim3A_5 : vector<16xf32> to vector<1x16xf32>
          tpu.vector_store %arg13[%swap3A_324, %swap3A_325], %swap3A_328 {strides = array<i32>} : memref<1600x32xf32, #tpu.memory_space<vmem>>, vector<1x16xf32>,
        } else {
        }
        %slice3A_206 = vector.extract_strided_slice %get3A_157 {offsets = [5], sizes = [1], strides = [1]} : vector<16xi32> to vector<1xi32>
        %squeeze3A_207 = vector.extract %slice3A_206[0] : i32 from vector<1xi32>
        %eq3A_208 = arith.constant -1 : i32
        %eq3A_209 = arith.cmpi eq, %squeeze3A_207, %eq3A_208 : i32
        %eq3A_210 = arith.constant -2 : i32
        %eq3A_211 = arith.cmpi eq, %squeeze3A_207, %eq3A_210 : i32
        %or3A_212 = arith.ori %eq3A_209, %eq3A_211 : i1
        %convert_element_type3A_213 = arith.extui %or3A_212 : i1 to i32
        %cond3A_214 = arith.constant 0 : i32
        %cond3A_215 = arith.cmpi ne, %convert_element_type3A_213, %cond3A_214 : i32
        scf.if %cond3A_215 {
          %mul3A_316 = arith.constant 16 : i32
          %mul3A_317 = arith.muli %scan3A_153, %mul3A_316 : i32
          %add3A_318 = arith.constant 5 : i32
          %add3A_319 = arith.addi %mul3A_317, %add3A_318 : i32
          %swap3A = arith.index_cast %add3A_319 : i32 to index
          %swap3A_320 = arith.constant 0 : index
          %swap3A_321 = tpu.vector_load %arg13[%swap3A, %swap3A_320] {strides = array<i32>} : memref<1600x32xf32, #tpu.memory_space<vmem>>, vector<1x16xf32>,
          %swap3A_322 = vector.shape_cast %swap3A_321 : vector<1x16xf32> to vector<16xf32>
          %swap3A_323 = vector.shape_cast %broadcast_in_dim3A_5 : vector<16xf32> to vector<1x16xf32>
          tpu.vector_store %arg13[%swap3A, %swap3A_320], %swap3A_323 {strides = array<i32>} : memref<1600x32xf32, #tpu.memory_space<vmem>>, vector<1x16xf32>,
          %swap3A_324 = arith.index_cast %add3A_319 : i32 to index
          %swap3A_325 = arith.constant 16 : index
          %swap3A_326 = tpu.vector_load %arg13[%swap3A_324, %swap3A_325] {strides = array<i32>} : memref<1600x32xf32, #tpu.memory_space<vmem>>, vector<1x16xf32>,
          %swap3A_327 = vector.shape_cast %swap3A_326 : vector<1x16xf32> to vector<16xf32>
          %swap3A_328 = vector.shape_cast %broadcast_in_dim3A_5 : vector<16xf32> to vector<1x16xf32>
          tpu.vector_store %arg13[%swap3A_324, %swap3A_325], %swap3A_328 {strides = array<i32>} : memref<1600x32xf32, #tpu.memory_space<vmem>>, vector<1x16xf32>,
        } else {
        }
        %slice3A_216 = vector.extract_strided_slice %get3A_157 {offsets = [6], sizes = [1], strides = [1]} : vector<16xi32> to vector<1xi32>
        %squeeze3A_217 = vector.extract %slice3A_216[0] : i32 from vector<1xi32>
        %eq3A_218 = arith.constant -1 : i32
        %eq3A_219 = arith.cmpi eq, %squeeze3A_217, %eq3A_218 : i32
        %eq3A_220 = arith.constant -2 : i32
        %eq3A_221 = arith.cmpi eq, %squeeze3A_217, %eq3A_220 : i32
        %or3A_222 = arith.ori %eq3A_219, %eq3A_221 : i1
        %convert_element_type3A_223 = arith.extui %or3A_222 : i1 to i32
        %cond3A_224 = arith.constant 0 : i32
        %cond3A_225 = arith.cmpi ne, %convert_element_type3A_223, %cond3A_224 : i32
        scf.if %cond3A_225 {
          %mul3A_316 = arith.constant 16 : i32
          %mul3A_317 = arith.muli %scan3A_153, %mul3A_316 : i32
          %add3A_318 = arith.constant 6 : i32
          %add3A_319 = arith.addi %mul3A_317, %add3A_318 : i32
          %swap3A = arith.index_cast %add3A_319 : i32 to index
          %swap3A_320 = arith.constant 0 : index
          %swap3A_321 = tpu.vector_load %arg13[%swap3A, %swap3A_320] {strides = array<i32>} : memref<1600x32xf32, #tpu.memory_space<vmem>>, vector<1x16xf32>,
          %swap3A_322 = vector.shape_cast %swap3A_321 : vector<1x16xf32> to vector<16xf32>
          %swap3A_323 = vector.shape_cast %broadcast_in_dim3A_5 : vector<16xf32> to vector<1x16xf32>
          tpu.vector_store %arg13[%swap3A, %swap3A_320], %swap3A_323 {strides = array<i32>} : memref<1600x32xf32, #tpu.memory_space<vmem>>, vector<1x16xf32>,
          %swap3A_324 = arith.index_cast %add3A_319 : i32 to index
          %swap3A_325 = arith.constant 16 : index
          %swap3A_326 = tpu.vector_load %arg13[%swap3A_324, %swap3A_325] {strides = array<i32>} : memref<1600x32xf32, #tpu.memory_space<vmem>>, vector<1x16xf32>,
          %swap3A_327 = vector.shape_cast %swap3A_326 : vector<1x16xf32> to vector<16xf32>
          %swap3A_328 = vector.shape_cast %broadcast_in_dim3A_5 : vector<16xf32> to vector<1x16xf32>
          tpu.vector_store %arg13[%swap3A_324, %swap3A_325], %swap3A_328 {strides = array<i32>} : memref<1600x32xf32, #tpu.memory_space<vmem>>, vector<1x16xf32>,
        } else {
        }
        %slice3A_226 = vector.extract_strided_slice %get3A_157 {offsets = [7], sizes = [1], strides = [1]} : vector<16xi32> to vector<1xi32>
        %squeeze3A_227 = vector.extract %slice3A_226[0] : i32 from vector<1xi32>
        %eq3A_228 = arith.constant -1 : i32
        %eq3A_229 = arith.cmpi eq, %squeeze3A_227, %eq3A_228 : i32
        %eq3A_230 = arith.constant -2 : i32
        %eq3A_231 = arith.cmpi eq, %squeeze3A_227, %eq3A_230 : i32
        %or3A_232 = arith.ori %eq3A_229, %eq3A_231 : i1
        %convert_element_type3A_233 = arith.extui %or3A_232 : i1 to i32
        %cond3A_234 = arith.constant 0 : i32
        %cond3A_235 = arith.cmpi ne, %convert_element_type3A_233, %cond3A_234 : i32
        scf.if %cond3A_235 {
          %mul3A_316 = arith.constant 16 : i32
          %mul3A_317 = arith.muli %scan3A_153, %mul3A_316 : i32
          %add3A_318 = arith.constant 7 : i32
          %add3A_319 = arith.addi %mul3A_317, %add3A_318 : i32
          %swap3A = arith.index_cast %add3A_319 : i32 to index
          %swap3A_320 = arith.constant 0 : index
          %swap3A_321 = tpu.vector_load %arg13[%swap3A, %swap3A_320] {strides = array<i32>} : memref<1600x32xf32, #tpu.memory_space<vmem>>, vector<1x16xf32>,
          %swap3A_322 = vector.shape_cast %swap3A_321 : vector<1x16xf32> to vector<16xf32>
          %swap3A_323 = vector.shape_cast %broadcast_in_dim3A_5 : vector<16xf32> to vector<1x16xf32>
          tpu.vector_store %arg13[%swap3A, %swap3A_320], %swap3A_323 {strides = array<i32>} : memref<1600x32xf32, #tpu.memory_space<vmem>>, vector<1x16xf32>,
          %swap3A_324 = arith.index_cast %add3A_319 : i32 to index
          %swap3A_325 = arith.constant 16 : index
          %swap3A_326 = tpu.vector_load %arg13[%swap3A_324, %swap3A_325] {strides = array<i32>} : memref<1600x32xf32, #tpu.memory_space<vmem>>, vector<1x16xf32>,
          %swap3A_327 = vector.shape_cast %swap3A_326 : vector<1x16xf32> to vector<16xf32>
          %swap3A_328 = vector.shape_cast %broadcast_in_dim3A_5 : vector<16xf32> to vector<1x16xf32>
          tpu.vector_store %arg13[%swap3A_324, %swap3A_325], %swap3A_328 {strides = array<i32>} : memref<1600x32xf32, #tpu.memory_space<vmem>>, vector<1x16xf32>,
        } else {
        }
        %slice3A_236 = vector.extract_strided_slice %get3A_157 {offsets = [8], sizes = [1], strides = [1]} : vector<16xi32> to vector<1xi32>
        %squeeze3A_237 = vector.extract %slice3A_236[0] : i32 from vector<1xi32>
        %eq3A_238 = arith.constant -1 : i32
        %eq3A_239 = arith.cmpi eq, %squeeze3A_237, %eq3A_238 : i32
        %eq3A_240 = arith.constant -2 : i32
        %eq3A_241 = arith.cmpi eq, %squeeze3A_237, %eq3A_240 : i32
        %or3A_242 = arith.ori %eq3A_239, %eq3A_241 : i1
        %convert_element_type3A_243 = arith.extui %or3A_242 : i1 to i32
        %cond3A_244 = arith.constant 0 : i32
        %cond3A_245 = arith.cmpi ne, %convert_element_type3A_243, %cond3A_244 : i32
        scf.if %cond3A_245 {
          %mul3A_316 = arith.constant 16 : i32
          %mul3A_317 = arith.muli %scan3A_153, %mul3A_316 : i32
          %add3A_318 = arith.constant 8 : i32
          %add3A_319 = arith.addi %mul3A_317, %add3A_318 : i32
          %swap3A = arith.index_cast %add3A_319 : i32 to index
          %swap3A_320 = arith.constant 0 : index
          %swap3A_321 = tpu.vector_load %arg13[%swap3A, %swap3A_320] {strides = array<i32>} : memref<1600x32xf32, #tpu.memory_space<vmem>>, vector<1x16xf32>,
          %swap3A_322 = vector.shape_cast %swap3A_321 : vector<1x16xf32> to vector<16xf32>
          %swap3A_323 = vector.shape_cast %broadcast_in_dim3A_5 : vector<16xf32> to vector<1x16xf32>
          tpu.vector_store %arg13[%swap3A, %swap3A_320], %swap3A_323 {strides = array<i32>} : memref<1600x32xf32, #tpu.memory_space<vmem>>, vector<1x16xf32>,
          %swap3A_324 = arith.index_cast %add3A_319 : i32 to index
          %swap3A_325 = arith.constant 16 : index
          %swap3A_326 = tpu.vector_load %arg13[%swap3A_324, %swap3A_325] {strides = array<i32>} : memref<1600x32xf32, #tpu.memory_space<vmem>>, vector<1x16xf32>,
          %swap3A_327 = vector.shape_cast %swap3A_326 : vector<1x16xf32> to vector<16xf32>
          %swap3A_328 = vector.shape_cast %broadcast_in_dim3A_5 : vector<16xf32> to vector<1x16xf32>
          tpu.vector_store %arg13[%swap3A_324, %swap3A_325], %swap3A_328 {strides = array<i32>} : memref<1600x32xf32, #tpu.memory_space<vmem>>, vector<1x16xf32>,
        } else {
        }
        %slice3A_246 = vector.extract_strided_slice %get3A_157 {offsets = [9], sizes = [1], strides = [1]} : vector<16xi32> to vector<1xi32>
        %squeeze3A_247 = vector.extract %slice3A_246[0] : i32 from vector<1xi32>
        %eq3A_248 = arith.constant -1 : i32
        %eq3A_249 = arith.cmpi eq, %squeeze3A_247, %eq3A_248 : i32
        %eq3A_250 = arith.constant -2 : i32
        %eq3A_251 = arith.cmpi eq, %squeeze3A_247, %eq3A_250 : i32
        %or3A_252 = arith.ori %eq3A_249, %eq3A_251 : i1
        %convert_element_type3A_253 = arith.extui %or3A_252 : i1 to i32
        %cond3A_254 = arith.constant 0 : i32
        %cond3A_255 = arith.cmpi ne, %convert_element_type3A_253, %cond3A_254 : i32
        scf.if %cond3A_255 {
          %mul3A_316 = arith.constant 16 : i32
          %mul3A_317 = arith.muli %scan3A_153, %mul3A_316 : i32
          %add3A_318 = arith.constant 9 : i32
          %add3A_319 = arith.addi %mul3A_317, %add3A_318 : i32
          %swap3A = arith.index_cast %add3A_319 : i32 to index
          %swap3A_320 = arith.constant 0 : index
          %swap3A_321 = tpu.vector_load %arg13[%swap3A, %swap3A_320] {strides = array<i32>} : memref<1600x32xf32, #tpu.memory_space<vmem>>, vector<1x16xf32>,
          %swap3A_322 = vector.shape_cast %swap3A_321 : vector<1x16xf32> to vector<16xf32>
          %swap3A_323 = vector.shape_cast %broadcast_in_dim3A_5 : vector<16xf32> to vector<1x16xf32>
          tpu.vector_store %arg13[%swap3A, %swap3A_320], %swap3A_323 {strides = array<i32>} : memref<1600x32xf32, #tpu.memory_space<vmem>>, vector<1x16xf32>,
          %swap3A_324 = arith.index_cast %add3A_319 : i32 to index
          %swap3A_325 = arith.constant 16 : index
          %swap3A_326 = tpu.vector_load %arg13[%swap3A_324, %swap3A_325] {strides = array<i32>} : memref<1600x32xf32, #tpu.memory_space<vmem>>, vector<1x16xf32>,
          %swap3A_327 = vector.shape_cast %swap3A_326 : vector<1x16xf32> to vector<16xf32>
          %swap3A_328 = vector.shape_cast %broadcast_in_dim3A_5 : vector<16xf32> to vector<1x16xf32>
          tpu.vector_store %arg13[%swap3A_324, %swap3A_325], %swap3A_328 {strides = array<i32>} : memref<1600x32xf32, #tpu.memory_space<vmem>>, vector<1x16xf32>,
        } else {
        }
        %slice3A_256 = vector.extract_strided_slice %get3A_157 {offsets = [10], sizes = [1], strides = [1]} : vector<16xi32> to vector<1xi32>
        %squeeze3A_257 = vector.extract %slice3A_256[0] : i32 from vector<1xi32>
        %eq3A_258 = arith.constant -1 : i32
        %eq3A_259 = arith.cmpi eq, %squeeze3A_257, %eq3A_258 : i32
        %eq3A_260 = arith.constant -2 : i32
        %eq3A_261 = arith.cmpi eq, %squeeze3A_257, %eq3A_260 : i32
        %or3A_262 = arith.ori %eq3A_259, %eq3A_261 : i1
        %convert_element_type3A_263 = arith.extui %or3A_262 : i1 to i32
        %cond3A_264 = arith.constant 0 : i32
        %cond3A_265 = arith.cmpi ne, %convert_element_type3A_263, %cond3A_264 : i32
        scf.if %cond3A_265 {
          %mul3A_316 = arith.constant 16 : i32
          %mul3A_317 = arith.muli %scan3A_153, %mul3A_316 : i32
          %add3A_318 = arith.constant 10 : i32
          %add3A_319 = arith.addi %mul3A_317, %add3A_318 : i32
          %swap3A = arith.index_cast %add3A_319 : i32 to index
          %swap3A_320 = arith.constant 0 : index
          %swap3A_321 = tpu.vector_load %arg13[%swap3A, %swap3A_320] {strides = array<i32>} : memref<1600x32xf32, #tpu.memory_space<vmem>>, vector<1x16xf32>,
          %swap3A_322 = vector.shape_cast %swap3A_321 : vector<1x16xf32> to vector<16xf32>
          %swap3A_323 = vector.shape_cast %broadcast_in_dim3A_5 : vector<16xf32> to vector<1x16xf32>
          tpu.vector_store %arg13[%swap3A, %swap3A_320], %swap3A_323 {strides = array<i32>} : memref<1600x32xf32, #tpu.memory_space<vmem>>, vector<1x16xf32>,
          %swap3A_324 = arith.index_cast %add3A_319 : i32 to index
          %swap3A_325 = arith.constant 16 : index
          %swap3A_326 = tpu.vector_load %arg13[%swap3A_324, %swap3A_325] {strides = array<i32>} : memref<1600x32xf32, #tpu.memory_space<vmem>>, vector<1x16xf32>,
          %swap3A_327 = vector.shape_cast %swap3A_326 : vector<1x16xf32> to vector<16xf32>
          %swap3A_328 = vector.shape_cast %broadcast_in_dim3A_5 : vector<16xf32> to vector<1x16xf32>
          tpu.vector_store %arg13[%swap3A_324, %swap3A_325], %swap3A_328 {strides = array<i32>} : memref<1600x32xf32, #tpu.memory_space<vmem>>, vector<1x16xf32>,
        } else {
        }
        %slice3A_266 = vector.extract_strided_slice %get3A_157 {offsets = [11], sizes = [1], strides = [1]} : vector<16xi32> to vector<1xi32>
        %squeeze3A_267 = vector.extract %slice3A_266[0] : i32 from vector<1xi32>
        %eq3A_268 = arith.constant -1 : i32
        %eq3A_269 = arith.cmpi eq, %squeeze3A_267, %eq3A_268 : i32
        %eq3A_270 = arith.constant -2 : i32
        %eq3A_271 = arith.cmpi eq, %squeeze3A_267, %eq3A_270 : i32
        %or3A_272 = arith.ori %eq3A_269, %eq3A_271 : i1
        %convert_element_type3A_273 = arith.extui %or3A_272 : i1 to i32
        %cond3A_274 = arith.constant 0 : i32
        %cond3A_275 = arith.cmpi ne, %convert_element_type3A_273, %cond3A_274 : i32
        scf.if %cond3A_275 {
          %mul3A_316 = arith.constant 16 : i32
          %mul3A_317 = arith.muli %scan3A_153, %mul3A_316 : i32
          %add3A_318 = arith.constant 11 : i32
          %add3A_319 = arith.addi %mul3A_317, %add3A_318 : i32
          %swap3A = arith.index_cast %add3A_319 : i32 to index
          %swap3A_320 = arith.constant 0 : index
          %swap3A_321 = tpu.vector_load %arg13[%swap3A, %swap3A_320] {strides = array<i32>} : memref<1600x32xf32, #tpu.memory_space<vmem>>, vector<1x16xf32>,
          %swap3A_322 = vector.shape_cast %swap3A_321 : vector<1x16xf32> to vector<16xf32>
          %swap3A_323 = vector.shape_cast %broadcast_in_dim3A_5 : vector<16xf32> to vector<1x16xf32>
          tpu.vector_store %arg13[%swap3A, %swap3A_320], %swap3A_323 {strides = array<i32>} : memref<1600x32xf32, #tpu.memory_space<vmem>>, vector<1x16xf32>,
          %swap3A_324 = arith.index_cast %add3A_319 : i32 to index
          %swap3A_325 = arith.constant 16 : index
          %swap3A_326 = tpu.vector_load %arg13[%swap3A_324, %swap3A_325] {strides = array<i32>} : memref<1600x32xf32, #tpu.memory_space<vmem>>, vector<1x16xf32>,
          %swap3A_327 = vector.shape_cast %swap3A_326 : vector<1x16xf32> to vector<16xf32>
          %swap3A_328 = vector.shape_cast %broadcast_in_dim3A_5 : vector<16xf32> to vector<1x16xf32>
          tpu.vector_store %arg13[%swap3A_324, %swap3A_325], %swap3A_328 {strides = array<i32>} : memref<1600x32xf32, #tpu.memory_space<vmem>>, vector<1x16xf32>,
        } else {
        }
        %slice3A_276 = vector.extract_strided_slice %get3A_157 {offsets = [12], sizes = [1], strides = [1]} : vector<16xi32> to vector<1xi32>
        %squeeze3A_277 = vector.extract %slice3A_276[0] : i32 from vector<1xi32>
        %eq3A_278 = arith.constant -1 : i32
        %eq3A_279 = arith.cmpi eq, %squeeze3A_277, %eq3A_278 : i32
        %eq3A_280 = arith.constant -2 : i32
        %eq3A_281 = arith.cmpi eq, %squeeze3A_277, %eq3A_280 : i32
        %or3A_282 = arith.ori %eq3A_279, %eq3A_281 : i1
        %convert_element_type3A_283 = arith.extui %or3A_282 : i1 to i32
        %cond3A_284 = arith.constant 0 : i32
        %cond3A_285 = arith.cmpi ne, %convert_element_type3A_283, %cond3A_284 : i32
        scf.if %cond3A_285 {
          %mul3A_316 = arith.constant 16 : i32
          %mul3A_317 = arith.muli %scan3A_153, %mul3A_316 : i32
          %add3A_318 = arith.constant 12 : i32
          %add3A_319 = arith.addi %mul3A_317, %add3A_318 : i32
          %swap3A = arith.index_cast %add3A_319 : i32 to index
          %swap3A_320 = arith.constant 0 : index
          %swap3A_321 = tpu.vector_load %arg13[%swap3A, %swap3A_320] {strides = array<i32>} : memref<1600x32xf32, #tpu.memory_space<vmem>>, vector<1x16xf32>,
          %swap3A_322 = vector.shape_cast %swap3A_321 : vector<1x16xf32> to vector<16xf32>
          %swap3A_323 = vector.shape_cast %broadcast_in_dim3A_5 : vector<16xf32> to vector<1x16xf32>
          tpu.vector_store %arg13[%swap3A, %swap3A_320], %swap3A_323 {strides = array<i32>} : memref<1600x32xf32, #tpu.memory_space<vmem>>, vector<1x16xf32>,
          %swap3A_324 = arith.index_cast %add3A_319 : i32 to index
          %swap3A_325 = arith.constant 16 : index
          %swap3A_326 = tpu.vector_load %arg13[%swap3A_324, %swap3A_325] {strides = array<i32>} : memref<1600x32xf32, #tpu.memory_space<vmem>>, vector<1x16xf32>,
          %swap3A_327 = vector.shape_cast %swap3A_326 : vector<1x16xf32> to vector<16xf32>
          %swap3A_328 = vector.shape_cast %broadcast_in_dim3A_5 : vector<16xf32> to vector<1x16xf32>
          tpu.vector_store %arg13[%swap3A_324, %swap3A_325], %swap3A_328 {strides = array<i32>} : memref<1600x32xf32, #tpu.memory_space<vmem>>, vector<1x16xf32>,
        } else {
        }
        %slice3A_286 = vector.extract_strided_slice %get3A_157 {offsets = [13], sizes = [1], strides = [1]} : vector<16xi32> to vector<1xi32>
        %squeeze3A_287 = vector.extract %slice3A_286[0] : i32 from vector<1xi32>
        %eq3A_288 = arith.constant -1 : i32
        %eq3A_289 = arith.cmpi eq, %squeeze3A_287, %eq3A_288 : i32
        %eq3A_290 = arith.constant -2 : i32
        %eq3A_291 = arith.cmpi eq, %squeeze3A_287, %eq3A_290 : i32
        %or3A_292 = arith.ori %eq3A_289, %eq3A_291 : i1
        %convert_element_type3A_293 = arith.extui %or3A_292 : i1 to i32
        %cond3A_294 = arith.constant 0 : i32
        %cond3A_295 = arith.cmpi ne, %convert_element_type3A_293, %cond3A_294 : i32
        scf.if %cond3A_295 {
          %mul3A_316 = arith.constant 16 : i32
          %mul3A_317 = arith.muli %scan3A_153, %mul3A_316 : i32
          %add3A_318 = arith.constant 13 : i32
          %add3A_319 = arith.addi %mul3A_317, %add3A_318 : i32
          %swap3A = arith.index_cast %add3A_319 : i32 to index
          %swap3A_320 = arith.constant 0 : index
          %swap3A_321 = tpu.vector_load %arg13[%swap3A, %swap3A_320] {strides = array<i32>} : memref<1600x32xf32, #tpu.memory_space<vmem>>, vector<1x16xf32>,
          %swap3A_322 = vector.shape_cast %swap3A_321 : vector<1x16xf32> to vector<16xf32>
          %swap3A_323 = vector.shape_cast %broadcast_in_dim3A_5 : vector<16xf32> to vector<1x16xf32>
          tpu.vector_store %arg13[%swap3A, %swap3A_320], %swap3A_323 {strides = array<i32>} : memref<1600x32xf32, #tpu.memory_space<vmem>>, vector<1x16xf32>,
          %swap3A_324 = arith.index_cast %add3A_319 : i32 to index
          %swap3A_325 = arith.constant 16 : index
          %swap3A_326 = tpu.vector_load %arg13[%swap3A_324, %swap3A_325] {strides = array<i32>} : memref<1600x32xf32, #tpu.memory_space<vmem>>, vector<1x16xf32>,
          %swap3A_327 = vector.shape_cast %swap3A_326 : vector<1x16xf32> to vector<16xf32>
          %swap3A_328 = vector.shape_cast %broadcast_in_dim3A_5 : vector<16xf32> to vector<1x16xf32>
          tpu.vector_store %arg13[%swap3A_324, %swap3A_325], %swap3A_328 {strides = array<i32>} : memref<1600x32xf32, #tpu.memory_space<vmem>>, vector<1x16xf32>,
        } else {
        }
        %slice3A_296 = vector.extract_strided_slice %get3A_157 {offsets = [14], sizes = [1], strides = [1]} : vector<16xi32> to vector<1xi32>
        %squeeze3A_297 = vector.extract %slice3A_296[0] : i32 from vector<1xi32>
        %eq3A_298 = arith.constant -1 : i32
        %eq3A_299 = arith.cmpi eq, %squeeze3A_297, %eq3A_298 : i32
        %eq3A_300 = arith.constant -2 : i32
        %eq3A_301 = arith.cmpi eq, %squeeze3A_297, %eq3A_300 : i32
        %or3A_302 = arith.ori %eq3A_299, %eq3A_301 : i1
        %convert_element_type3A_303 = arith.extui %or3A_302 : i1 to i32
        %cond3A_304 = arith.constant 0 : i32
        %cond3A_305 = arith.cmpi ne, %convert_element_type3A_303, %cond3A_304 : i32
        scf.if %cond3A_305 {
          %mul3A_316 = arith.constant 16 : i32
          %mul3A_317 = arith.muli %scan3A_153, %mul3A_316 : i32
          %add3A_318 = arith.constant 14 : i32
          %add3A_319 = arith.addi %mul3A_317, %add3A_318 : i32
          %swap3A = arith.index_cast %add3A_319 : i32 to index
          %swap3A_320 = arith.constant 0 : index
          %swap3A_321 = tpu.vector_load %arg13[%swap3A, %swap3A_320] {strides = array<i32>} : memref<1600x32xf32, #tpu.memory_space<vmem>>, vector<1x16xf32>,
          %swap3A_322 = vector.shape_cast %swap3A_321 : vector<1x16xf32> to vector<16xf32>
          %swap3A_323 = vector.shape_cast %broadcast_in_dim3A_5 : vector<16xf32> to vector<1x16xf32>
          tpu.vector_store %arg13[%swap3A, %swap3A_320], %swap3A_323 {strides = array<i32>} : memref<1600x32xf32, #tpu.memory_space<vmem>>, vector<1x16xf32>,
          %swap3A_324 = arith.index_cast %add3A_319 : i32 to index
          %swap3A_325 = arith.constant 16 : index
          %swap3A_326 = tpu.vector_load %arg13[%swap3A_324, %swap3A_325] {strides = array<i32>} : memref<1600x32xf32, #tpu.memory_space<vmem>>, vector<1x16xf32>,
          %swap3A_327 = vector.shape_cast %swap3A_326 : vector<1x16xf32> to vector<16xf32>
          %swap3A_328 = vector.shape_cast %broadcast_in_dim3A_5 : vector<16xf32> to vector<1x16xf32>
          tpu.vector_store %arg13[%swap3A_324, %swap3A_325], %swap3A_328 {strides = array<i32>} : memref<1600x32xf32, #tpu.memory_space<vmem>>, vector<1x16xf32>,
        } else {
        }
        %slice3A_306 = vector.extract_strided_slice %get3A_157 {offsets = [15], sizes = [1], strides = [1]} : vector<16xi32> to vector<1xi32>
        %squeeze3A_307 = vector.extract %slice3A_306[0] : i32 from vector<1xi32>
        %eq3A_308 = arith.constant -1 : i32
        %eq3A_309 = arith.cmpi eq, %squeeze3A_307, %eq3A_308 : i32
        %eq3A_310 = arith.constant -2 : i32
        %eq3A_311 = arith.cmpi eq, %squeeze3A_307, %eq3A_310 : i32
        %or3A_312 = arith.ori %eq3A_309, %eq3A_311 : i1
        %convert_element_type3A_313 = arith.extui %or3A_312 : i1 to i32
        %cond3A_314 = arith.constant 0 : i32
        %cond3A_315 = arith.cmpi ne, %convert_element_type3A_313, %cond3A_314 : i32
        scf.if %cond3A_315 {
          %mul3A_316 = arith.constant 16 : i32
          %mul3A_317 = arith.muli %scan3A_153, %mul3A_316 : i32
          %add3A_318 = arith.constant 15 : i32
          %add3A_319 = arith.addi %mul3A_317, %add3A_318 : i32
          %swap3A = arith.index_cast %add3A_319 : i32 to index
          %swap3A_320 = arith.constant 0 : index
          %swap3A_321 = tpu.vector_load %arg13[%swap3A, %swap3A_320] {strides = array<i32>} : memref<1600x32xf32, #tpu.memory_space<vmem>>, vector<1x16xf32>,
          %swap3A_322 = vector.shape_cast %swap3A_321 : vector<1x16xf32> to vector<16xf32>
          %swap3A_323 = vector.shape_cast %broadcast_in_dim3A_5 : vector<16xf32> to vector<1x16xf32>
          tpu.vector_store %arg13[%swap3A, %swap3A_320], %swap3A_323 {strides = array<i32>} : memref<1600x32xf32, #tpu.memory_space<vmem>>, vector<1x16xf32>,
          %swap3A_324 = arith.index_cast %add3A_319 : i32 to index
          %swap3A_325 = arith.constant 16 : index
          %swap3A_326 = tpu.vector_load %arg13[%swap3A_324, %swap3A_325] {strides = array<i32>} : memref<1600x32xf32, #tpu.memory_space<vmem>>, vector<1x16xf32>,
          %swap3A_327 = vector.shape_cast %swap3A_326 : vector<1x16xf32> to vector<16xf32>
          %swap3A_328 = vector.shape_cast %broadcast_in_dim3A_5 : vector<16xf32> to vector<1x16xf32>
          tpu.vector_store %arg13[%swap3A_324, %swap3A_325], %swap3A_328 {strides = array<i32>} : memref<1600x32xf32, #tpu.memory_space<vmem>>, vector<1x16xf32>,
        } else {
        }
      }
      %scan3A_152 = arith.constant 100 : i32
    } else {
    }
    %dma_start3A_131 = arith.constant 0 : i32
    %dma_start3A_132 = tpu.memref_slice %arg5[%add3A_15, %dma_start3A_131] : memref<819200x32xf32, #tpu.memory_space<hbm>> -> memref<1600x32xf32, #tpu.memory_space<hbm>>
    %dma_start3A_133 = arith.constant 0 : i32
    %dma_start3A_134 = tpu.memref_slice %arg5[%add3A_15, %dma_start3A_133] : memref<819200x32xf32, #tpu.memory_space<hbm>> -> memref<1600x32xf32, #tpu.memory_space<hbm>>
    tpu.enqueue_dma source(%arg13 : memref<1600x32xf32, #tpu.memory_space<vmem>>) target(%dma_start3A_134 : memref<1600x32xf32, #tpu.memory_space<hbm>>) target_semaphore(%arg33 : memref<!tpu.dma_semaphore, #tpu.memory_space<semaphore_mem>>)
    %add3A_135 = arith.constant 22400 : i32
    %add3A_136 = arith.addi %mul3A_2, %add3A_135 : i32
    %dma_wait3A_137 = arith.constant 0 : i32
    %dma_wait3A_138 = tpu.memref_slice %arg5[%add3A_136, %dma_wait3A_137] : memref<819200x32xf32, #tpu.memory_space<hbm>> -> memref<1600x32xf32, #tpu.memory_space<hbm>>
    %dma_wait3A_139 = arith.constant 0 : i32
    %dma_wait3A_140 = tpu.memref_slice %arg5[%add3A_136, %dma_wait3A_139] : memref<819200x32xf32, #tpu.memory_space<hbm>> -> memref<1600x32xf32, #tpu.memory_space<hbm>>
    tpu.wait_dma2 semaphore(%arg32 : memref<!tpu.dma_semaphore, #tpu.memory_space<semaphore_mem>>) src(%arg12 : memref<1600x32xf32, #tpu.memory_space<vmem>>) dst(%dma_wait3A_140 : memref<1600x32xf32, #tpu.memory_space<hbm>>)
    %add3A_141 = arith.constant 24000 : i32
    %add3A_142 = arith.addi %mul3A_2, %add3A_141 : i32
    %dma_wait3A_143 = arith.constant 0 : i32
    %dma_wait3A_144 = tpu.memref_slice %arg5[%add3A_142, %dma_wait3A_143] : memref<819200x32xf32, #tpu.memory_space<hbm>> -> memref<1600x32xf32, #tpu.memory_space<hbm>>
    %dma_wait3A_145 = arith.constant 0 : i32
    %dma_wait3A_146 = tpu.memref_slice %arg5[%add3A_142, %dma_wait3A_145] : memref<819200x32xf32, #tpu.memory_space<hbm>> -> memref<1600x32xf32, #tpu.memory_space<hbm>>
    tpu.wait_dma2 semaphore(%arg33 : memref<!tpu.dma_semaphore, #tpu.memory_space<semaphore_mem>>) src(%arg13 : memref<1600x32xf32, #tpu.memory_space<vmem>>) dst(%dma_wait3A_146 : memref<1600x32xf32, #tpu.memory_space<hbm>>)
    return
  }
}

</mosaic_0001>

<sc_bundles>
// kernel: kernel.3.cloned.1.call-start
scs
__scs_entry_jumppad:
0x0: {  	(pc) =	sbr.rel $0x88, $3  }
0x1: {  	(tag) =	ssettag $0x0;
	lr =	simm.s32 $0x1  }
0x2: {  	[smem:$0x3F9E] =	sst lr;
	_ =	strace $0xD0000000  }
0x3: {  	_ = 	snop  }
0x4: {  	_ = 	snop  }
0x5: {  	_ = 	snop  }
0x6: {  	_ = 	snop  }
0x7: {  	_ = 	snop  }
__scs_overlays_trampoline_lowered:
0x8: {  	[smem:$0x3FAD] =	sst s0  }
0x9: {  	[smem:$0x3FAE] =	sst s1  }
0xa: {  	[smem:$0x3FAF] =	sst s2  }
0xb: {  	[smem:$0x3FB0] =	sst s3  }
0xc: {  	[smem:$0x3FB1] =	sst s4  }
0xd: {  	[smem:$0x3FB2] =	sst s5  }
0xe: {  	[smem:$0x3FB3] =	sst s6  }
0xf: {  	[smem:$0x3FB4] =	sst s7  }
0x10: {  	[smem:$0x3FB5] =	sst s8  }
0x11: {  	[smem:$0x3FB6] =	sst s9;
	s0 =	simm.s32 @!p0 $0x0  }
0x12: {  	s1 =	sld [smem:$0x3F9C];
	s0 =	simm.s32 @p0 $0x1  }
0x13: {  	[smem:$0x3FB7] =	sst s0;
	s0 =	simm.s32 @!p1 $0x0  }
0x14: {  	s2 =	sld [smem:$0x3F9B];
	s0 =	simm.s32 @p1 $0x1  }
0x15: {  	[smem:$0x3FB8] =	sst s0;
	s0 =	simm.s32 @!p2 $0x0  }
0x16: {  	s3 =	sld [smem:$0x3FDB];
	s0 =	simm.s32 @p2 $0x1  }
0x17: {  	s4 =	simm.s32 $0x1BF5;
	[smem:$0x3FBA] =	sst s0  }
0x18: {  	s0 =	sld [smem:$0x3F9D];
	_ =	swait.ge [sflag:s4], $0x0  }
0x19: {  	s7 =	sld [smem:$0x3F9E]  }
0x1a: {  	s8 =	sadd.s32 $0xFFFFE003, lr  }
0x1b: {  	s9 =	sadd.s32 $0xFFFFFEF7, lr;
	s5 =	simm.s32 $0xFFFFFFFF;
	p2 =	slt.u32 s8, $0xFFFFF086  }
0x1c: {  	p1 =	slt.u32 s9, $0xF7A;
	s5 =	simm.s32 @!p2 $0x0  }
0x1d: {  	s5 =	simm.s32 @p1 $0x1;
	p0 =	seq.s32 s7, s2  }
0x1e: {  	s7 =	smul.u32 @!p0 $0xF7A, s2;
	p2 =	seq.s32 @!p0 s5, $0x0  }
0x1f: {  	s9 =	smul.u32 $0xF7A, s1;
	s8 =	simm.s32 @!p0 $0x1BF5;
	p2 =	por !p2, p0  }
0x20: {  	[sflag:s8] =	ssyncset.s32 @!p0 $0xFFFFF086;
	s6 =	sadd.s32 @!p0 s3, s7;
	s7 =	simm.s32 @!p0 $0x108  }
0x21: {  	s3 =	sadd.s32 s3, s9;
	s6 =	sadd.s32 @!p0 $0x88, s6;
	s7 =	simm.s32 @p2 $0x1082  }
0x22: {  	[simem:s7], [sflag:s8] =	dma.local @!p0 [hbm:s6], $0xF7A  }
0x23: {  	s9 =	sor.u32 $0xD0000000, s2;
	s6 =	simm.s32 $0x108;
	_ =	swait.ge @!p0 [sflag:s8], $0x0  }
0x24: {  	s3 =	sadd.s32 $0x88, s3;
	s6 =	simm.s32 @!p1 $0x1082;
	[sflag:s4] =	ssyncset.s32 $0xFFFFF086  }
0x25: {  	[simem:s6], [sflag:s4] =	dma.local [hbm:s3], $0xF7A  }
0x26: {  	[smem:$0x3F9E] =	sst s1;
	(tag) =	ssettag s2;
	_ =	strace s9  }
0x27: {  	s1 =	sld [smem:$0x3FAE]  }
0x28: {  	s2 =	sld [smem:$0x3FAF]  }
0x29: {  	s4 =	sld [smem:$0x3FB1]  }
0x2a: {  	p0 =	seq.s32 s5, $0x0;
	s5 =	sld [smem:$0x3FB2]  }
0x2b: {  	s6 =	sld [smem:$0x3FB3]  }
0x2c: {  	s7 =	sld [smem:$0x3FB4]  }
0x2d: {  	s3 =	simm.s32 $0x108;
	s8 =	sld [smem:$0x3FB5]  }
0x2e: {  	s3 =	simm.s32 @!p0 $0x1082;
	s9 =	sld [smem:$0x3FB6]  }
0x2f: {  	lr =	sadd.s32 s0, s3;
	s0 =	sld [smem:$0x3FAD]  }
0x30: {  	s3 =	sld [smem:$0x3FB0]  }
0x31: {  	[smem:$0x3FB9] =	sst s10  }
0x32: {  	s10 =	sld [smem:$0x3FB7];
	_ =	sdelay $0x3  }
0x33: {  	p0 =	seq.s32 s10, $0x1;
	s10 =	sld [smem:$0x3FB9];
	_ =	sdelay $0x3  }
0x34: {  	[smem:$0x3FB9] =	sst s10  }
0x35: {  	s10 =	sld [smem:$0x3FB8];
	_ =	sdelay $0x3  }
0x36: {  	p1 =	seq.s32 s10, $0x1;
	s10 =	sld [smem:$0x3FB9];
	_ =	sdelay $0x3  }
0x37: {  	[smem:$0x3FB9] =	sst s10  }
0x38: {  	s10 =	sld [smem:$0x3FBA]  }
0x39: {  	_ = 	snop;
	(pc) =	sbr.ind lr, $3  }
0x3a: {  	_ = 	snop  }
0x3b: {  	_ = 	snop  }
0x3c: {  	p2 =	seq.s32 s10, $0x1;
	s10 =	sld [smem:$0x3FB9]  }
0x3d: {  	_ =	shalt  }
0x3e: {  	_ =	shalt  }
0x3f: {  	_ =	shalt  }
0x40: {  	_ =	shalt  }
0x41: {  	_ =	shalt  }
0x42: {  	_ =	shalt  }
0x43: {  	_ =	shalt  }
0x44: {  	_ =	shalt  }
0x45: {  	_ =	shalt  }
0x46: {  	_ =	shalt  }
0x47: {  	_ =	shalt  }
0x48: {  	_ =	shalt  }
0x49: {  	_ =	shalt  }
0x4a: {  	_ =	shalt  }
0x4b: {  	_ =	shalt  }
0x4c: {  	_ =	shalt  }
0x4d: {  	_ =	shalt  }
0x4e: {  	_ =	shalt  }
0x4f: {  	_ =	shalt  }
0x50: {  	_ =	shalt  }
0x51: {  	_ =	shalt  }
0x52: {  	_ =	shalt  }
0x53: {  	_ =	shalt  }
0x54: {  	_ =	shalt  }
0x55: {  	_ =	shalt  }
0x56: {  	_ =	shalt  }
0x57: {  	_ =	shalt  }
0x58: {  	_ =	shalt  }
0x59: {  	_ =	shalt  }
0x5a: {  	_ =	shalt  }
0x5b: {  	_ =	shalt  }
0x5c: {  	_ =	shalt  }
0x5d: {  	_ =	shalt  }
0x5e: {  	_ =	shalt  }
0x5f: {  	_ =	shalt  }
0x60: {  	_ =	shalt  }
0x61: {  	_ =	shalt  }
0x62: {  	_ =	shalt  }
0x63: {  	_ =	shalt  }
0x64: {  	_ =	shalt  }
0x65: {  	_ =	shalt  }
0x66: {  	_ =	shalt  }
0x67: {  	_ =	shalt  }
0x68: {  	_ =	shalt  }
0x69: {  	_ =	shalt  }
0x6a: {  	_ =	shalt  }
0x6b: {  	_ =	shalt  }
0x6c: {  	_ =	shalt  }
0x6d: {  	_ =	shalt  }
0x6e: {  	_ =	shalt  }
0x6f: {  	_ =	shalt  }
0x70: {  	_ =	shalt  }
0x71: {  	_ =	shalt  }
0x72: {  	_ =	shalt  }
0x73: {  	_ =	shalt  }
0x74: {  	_ =	shalt  }
0x75: {  	_ =	shalt  }
0x76: {  	_ =	shalt  }
0x77: {  	_ =	shalt  }
0x78: {  	_ =	shalt  }
0x79: {  	_ =	shalt  }
0x7a: {  	_ =	shalt  }
0x7b: {  	_ =	shalt  }
0x7c: {  	_ =	shalt  }
0x7d: {  	_ =	shalt  }
0x7e: {  	_ =	shalt  }
0x7f: {  	_ =	shalt  }
0x80: {  	_ =	shalt  }
0x81: {  	_ =	shalt  }
0x82: {  	_ =	shalt  }
0x83: {  	_ =	shalt  }
0x84: {  	_ =	shalt  }
0x85: {  	_ =	shalt  }
0x86: {  	_ =	shalt  }
0x87: {  	_ =	shalt  }
.Lfunc_end0:
.L_simem_size_0:
called_computation.1_lowered:
.L_overlay_start_0:
0x88: {  	s2 =	sld [smem:$0x3FD9]  }
0x89: {  	s3 =	sld [smem:$0x3FFE];
	_ =	sdelay $0x1  }
0x8a: {  	s1 =	srdreg.scid  }
0x8b: {  	s0 =	sand.u32 $0x1, s1  }
0x8c: {  	s17 =	sshll.u32 s0, $0xA;
	s2 =	sadd.s32 s3, s2  }
0x8d: {  	s2 =	sadd.s32 s2, s17  }
0x8e: {  	[smem:$0x3FC5] =	sst s2  }
0x8f: {  	_ = 	snop  }
0x90: {  	s2 =	sld [smem:$0x3FD0];
	(tm) =	ssettm $0x1  }
0x91: {  	s18 =	sld [smem:$0x3FFB];
	_ =	sdelay $0x3  }
0x92: {  	_ =	strace s18  }
0x93: {  	s3 =	sld [smem:$0x3FFC];
	_ =	sdelay $0x3  }
0x94: {  	_ =	strace s3  }
0x95: {  	s3 =	sld [smem:$0x3FFD];
	_ =	sdelay $0x3  }
0x96: {  	_ =	strace s3  }
0x97: {  	_ =	strace $0x8FFFFFFF  }
0x98: {  	s19 =	sld [smem:$0x3FDB];
	_ =	sdelay $0x1  }
0x99: {  	s4 =	simm.s32 $_scs_section_size  }
0x9a: {  	s5 =	simm.s32 $_size__tile_overlayer_lowered;
	s6 =	simm.s32 $_tile_overlayer_lowered  }
0x9b: {  	s22 =	simm.s32 $0x1BFF;
	s21 =	sshll.u32 s6, $0x1;
	s3 =	sadd.s32 s4, s19  }
0x9c: {  	s7 =	simm.s32 $0x0;
	s20 =	sshll.u32 s5, $0x1;
	s5 =	sadd.s32 s21, s3  }
0x9d: {  	[timem:s7], [sflag:s22] =	dma.local [hbm:s5], s20  }
0x9e: {  	_ =	swait.ge [sflag:s22], s20  }
0x9f: {  	s4 =	ssub.s32 $0x0, s20;
	[sflag:s22] =	ssyncset.done $0x0  }
0xa0: {  	[sflag:s22] =	ssyncadd.s32 s4;
	_ =	sdelay $0x1  }
0xa1: {  	s23 =	simm.s32 $0x1B8B  }
0xa2: {  	_ =	swait.ge [sflag:s23], $0x1  }
0xa3: {  	[sflag:s23] =	ssyncset.done $0x0  }
0xa4: {  	s25 =	simm.s32 $0x1B8E;
	s24 =	sld [smem:$0x3FFE];
	[sflag:s23] =	ssyncadd.s32 $0xFFFFFFFF  }
0xa5: {  	s26 =	simm.s32 $execute0_lowered;
	[smem:$0x3FD2] =	sst s25  }
0xa6: {  	s5 =	sshll.u32 s26, $0x1;
	_ =	strace $0x80000046;
	[dreg:$0x1] =	wrdreg $0xFFFFFFFF  }
0xa7: {  	s28 =	simm.s32 $_size_execute0_lowered;
	s3 =	sadd.s32 s3, s5;
	[dreg:$0x0] =	wrdreg $0x0  }
0xa8: {  	s5 =	sshll.u32 s28, $0x1;
	[dreg:$0x2] =	wrdreg s3  }
0xa9: {  	[dreg:$0x3] =	wrdreg s5  }
0xaa: {  	[dreg:$0x4] =	wrdreg $0xC0  }
0xab: {  	_ =	task [dreg:s7], $0x5FFFF  }
0xac: {  	[dreg:$0x1] =	wrdreg $0xFFFFFFFF  }
0xad: {  	[dreg:$0x0] =	wrdreg $0x60  }
0xae: {  	[dreg:$0x2] =	wrdreg s24  }
0xaf: {  	[dreg:$0x3] =	wrdreg s2  }
0xb0: {  	[dreg:$0x4] =	wrdreg $0x9  }
0xb1: {  	_ =	task.clear_ibuf [dreg:s7], $0x5FFFF;
	_ =	strace $0x90000046  }
0xb2: {  	s29 =	simm.s32 $0x9;
	_ =	strace $0x80000048  }
0xb3: {  	_ =	swait.ge [sflag:s29], $0x1  }
0xb4: {  	[sflag:s29] =	ssyncadd.s32 $0xFFFFFFFF  }
0xb5: {  	_ =	strace $0x90000048  }
0xb6: {  	_ =	sfence  }
0xb7: {  	s30 =	sld [smem:$0x0];
	_ =	sdelay $0x2  }
0xb8: {  	s31 =	sshll.u32 s1, $0xD;
	s1 =	sshrl.u32 s1, $0x2  }
0xb9: {  	s3 =	sand.u32 $0x4000, s31;
	s1 =	sadd.s32 s1, s30  }
0xba: {  	s0 =	sor.u32 s3, s0;
	s1 =	sshll.u32 s1, $0x11  }
0xbb: {  	s0 =	sor.u32 s1, s0  }
0xbc: {  	s0 =	sadd.s32 $0x8F2B, s0  }
0xbd: {  	[sflag:s0] =	ssyncadd.remote.s32 $0x1  }
0xbe: {  	_ =	sfence.sel $0xFFFF  }
0xbf: {  	[dreg:$0x0] =	wrdreg $0xFFFFFFFF;
	(pc) =	sbr.abs _section_cstart, $3  }
0xc0: {  	[dreg:$0x1] =	wrdreg $0xFFFFFFFF  }
0xc1: {  	_ =	task.clear_ibuf [dreg:s7], $0x2FFFF;
	_ =	strace $0x9FFFFFFF  }
0xc2: {  	(tm) =	ssettm $0x7FFFFFFF  }
0xc3: {  	_ =	shalt  }
tec
execute0_lowered:
.L_overlay_start_1:
0x0: {  	(tag) =	ssettag $0x1  }
0x1: {  	s0 =	rddreg [dreg:$0x0]  }
0x2: {  	s5 =	rddreg [dreg:$0x1]  }
0x3: {  	s1 =	srdreg.scid;
	s2 =	stileid.u32;
	s3 =	simm.s32 $0x0  }
0x4: {  	s15 =	simm.s32 $0x1;
	s16 =	simm.s32 $0xC8;
	s12 =	simm.s32 $0x2  }
0x5: {  	s13 =	simm.s32 $0x6;
	s17 =	simm.s32 $0x7;
	s19 =	simm.s32 $0x8  }
0x6: {  	s1 =	sand.u32 $0x1, s1;
	s2 =	sshll.u32 s2, $0x1;
	[smem:$0x7FF] =	sst s3  }
0x7: {  	s4 =	sadd.s32 $0x19C00, s0;
	s6 =	sadd.s32 $0xC00, s0;
	s2 =	sor.u32 s1, s2  }
0x8: {  	s7 =	sadd.s32 $0xF43200, s0;
	s1 =	ssub.s32 $0x2, s1;
	s9 =	smul.u32 $0x6400, s2  }
0x9: {  	_ =	strace $0x80000047;
	s2 =	smul.u32 $0xC8000, s2;
	s25 =	sshrl.u32 s1, $0x1  }
0xa: {  	s0 =	ssub.s32 s1, s25;
	s30 =	sadd.s32 $0x7FFF9C0, s9;
	[dreg:$0x3] =	wrdreg s9  }
0xb: {  	s8 =	sshrl.u32 s9, $0x3;
	s31 =	sadd.s32 $0xC80, s9;
	[dreg:$0x6] =	wrdreg s30  }
.Ltmp0:
0xc: {  	s0 =	smax.u32 s0, $0x1;
	[dreg:$0x7] =	wrdreg s31;
	(pc) =	sbr.rel .LBB2_1-.Ltmp0, $4  }
0xd: {  	s28 =	sshrl.u32 s2, $0x3;
	s26 =	sadd.s32 s4, s8;
	[dreg:$0x9] =	wrdreg s0  }
0xe: {  	s29 =	sadd.s32 s6, s8;
	s1 =	sadd.s32 s5, s28;
	[dreg:$0x4] =	wrdreg s26  }
0xf: {  	s20 =	simm.s32 $0x9;
	[dreg:$0x5] =	wrdreg s29;
	s1 =	sadd.s32 $0x17700, s1  }
0x10: {  	s21 =	simm.s32 $0xA;
	s2 =	simm.s32 $0x0;
	[dreg:$0x8] =	wrdreg s1  }
.LBB2_29:
0x11: {  	s0 =	rddreg [dreg:$0x8];
	s1 =	simm.s32 $0xED80;
	s29 =	simm.s32 $0x13  }
0x12: {  	[hbm4b:s0+s3] =	stream.linear.scatter [tilespmem:s1], [sflag:$0x14], $0xC800, $0x38;
	[tilespmem:$0x1B580] =	vst v63  }
0x13: {  	_ =	swait.ge [sflag:s29], $0xC800  }
0x14: {  	[sflag:s29] =	ssyncset.done $0x0  }
0x15: {  	s30 =	simm.s32 $0x14;
	[sflag:s29] =	ssyncadd.s32 $0xFFFF3800  }
0x16: {  	_ =	swait.ge [sflag:s30], $0xC800  }
0x17: {  	s2 =	sadd.s32 $0x1, s2;
	s31 =	rddreg [dreg:$0x9]  }
0x18: {  	p0 =	sne.s32 s2, s31  }
.Ltmp1:
0x19: {  	_ = 	snop;
	(pc) =	sbr.rel @!p0 .LBB2_30-.Ltmp1, $3  }
0x1a: {  	_ =	sdelay $0x1  }
0x1b: {  	[sflag:s30] =	ssyncset.done $0x0  }
0x1c: {  	[sflag:s30] =	ssyncadd.s32 $0xFFFF3800  }
.LBB2_1:
0x1d: {  	[dreg:$0xa] =	wrdreg s2  }
0x1e: {  	s0 =	rddreg [dreg:$0x4]  }
0x1f: {  	[tilespmem:s3], [sflag:$0x1] =	stream.linear.gather [hbm4b:s0+s3], $0x640, $0x38;
	[tilespmem:$0x1B580] =	vst v63  }
0x20: {  	s31 =	rddreg [dreg:$0x5];
	s1 =	simm.s32 $0xC80;
	s0 =	simm.s32 $0x0  }
0x21: {  	[tilespmem:s1], [sflag:$0x1] =	stream.linear.gather [hbm4b:s31+s3], $0x640, $0x38;
	[tilespmem:$0x1B580] =	vst v63  }
.LBB2_2:
0x22: {  	_ =	swait.ge [sflag:s15], $0x640  }
0x23: {  	[sflag:s15] =	ssyncset.done $0x0  }
0x24: {  	[sflag:s15] =	ssyncadd.s32 $0xFFFFF9C0  }
0x25: {  	_ =	swait.ge [sflag:s15], $0x640  }
0x26: {  	[sflag:s15] =	ssyncset.done $0x0  }
0x27: {  	s2 =	simm.s32 $0x0;
	[sflag:s15] =	ssyncadd.s32 $0xFFFFF9C0  }
0x28: {  	v0 =	vld [tilespmem:s2+$0x0]  }
0x29: {  	s10 =	simm.s32 $0x40  }
.LBB2_3:
0x2a: {  	p0 =	sne.s32 s10, $0x18C0  }
.Ltmp2:
0x2b: {  	_ = 	snop;
	(pc) =	sbr.rel @p0 .LBB2_3-.Ltmp2, $4  }
0x2c: {  	_ = 	snop  }
0x2d: {  	s11 =	sshra.s32 s10, $0x2;
	s10 =	sadd.s32 $0x40, s10;
	vm0 =	veq.s32 v0, $0xFFFFFFFE  }
0x2e: {  	v1 =	vsel vm0, $0xF4240, v0;
	v0 =	vld [tilespmem:s11+$0x0]  }
0x2f: {  	[tilespmem:s2+$0x1900] =	vst v1;
	s2 =	smov.u32 s11  }
0x30: {  	p1 =	seq.s32 s0, $0x0  }
.Ltmp3:
0x31: {  	_ = 	snop;
	(pc) =	sbr.rel @p1 .LBB2_12-.Ltmp3, $4  }
0x32: {  	_ = 	snop  }
0x33: {  	vm0 =	veq.s32 v0, $0xFFFFFFFE  }
0x34: {  	v0 =	vsel vm0, $0xF4240, v0  }
0x35: {  	s10 =	smul.u32 $0xC80, s0;
	[tilespmem:s2+$0x1900] =	vst v0  }
0x36: {  	s1 =	simm.s32 $0x13  }
0x37: {  	_ =	swait.ge [sflag:s1], $0xC800  }
0x38: {  	[sflag:s1] =	ssyncset.done $0x0  }
0x39: {  	s22 =	simm.s32 $0x1900;
	s2 =	simm.s32 $0x2580;
	[sflag:s1] =	ssyncadd.s32 $0xFFFF3800  }
0x3a: {  	[tilespmem:s2], [sflag:$0x3] =	stream.indirect.gather [hbm4b:s7+s16], $0x20, s22, s16, $0xb8;
	[tilespmem:$0x1B580] =	vst v63  }
0x3b: {  	s23 =	simm.s32 $0x19C8;
	s24 =	simm.s32 $0x3E80  }
0x3c: {  	[tilespmem:s24], [sflag:$0x4] =	stream.indirect.gather [hbm4b:s7+s16], $0x20, s23, s16, $0xb8;
	[tilespmem:$0x1B580] =	vst v63  }
0x3d: {  	s25 =	simm.s32 $0x1A90;
	s26 =	simm.s32 $0x5780  }
0x3e: {  	[tilespmem:s26], [sflag:$0x5] =	stream.indirect.gather [hbm4b:s7+s16], $0x20, s25, s16, $0xb8;
	[tilespmem:$0x1B580] =	vst v63  }
0x3f: {  	s28 =	simm.s32 $0x1B58;
	s29 =	simm.s32 $0x7080  }
0x40: {  	[tilespmem:s29], [sflag:$0x6] =	stream.indirect.gather [hbm4b:s7+s16], $0x20, s28, s16, $0xb8;
	[tilespmem:$0x1B580] =	vst v63  }
0x41: {  	s30 =	simm.s32 $0x1C20;
	s31 =	simm.s32 $0x8980  }
0x42: {  	[tilespmem:s31], [sflag:$0x7] =	stream.indirect.gather [hbm4b:s7+s16], $0x20, s30, s16, $0xb8;
	[tilespmem:$0x1B580] =	vst v63  }
0x43: {  	s5 =	simm.s32 $0x1CE8;
	s8 =	simm.s32 $0xA280  }
0x44: {  	[tilespmem:s8], [sflag:$0x8] =	stream.indirect.gather [hbm4b:s7+s16], $0x20, s5, s16, $0xb8;
	[tilespmem:$0x1B580] =	vst v63  }
0x45: {  	s9 =	simm.s32 $0x1DB0;
	s11 =	simm.s32 $0xBB80  }
0x46: {  	[tilespmem:s11], [sflag:$0x9] =	stream.indirect.gather [hbm4b:s7+s16], $0x20, s9, s16, $0xb8;
	[tilespmem:$0x1B580] =	vst v63  }
0x47: {  	s14 =	simm.s32 $0x1E78;
	s18 =	simm.s32 $0xD480;
	s22 =	simm.s32 $0xB  }
0x48: {  	[tilespmem:s18], [sflag:$0xA] =	stream.indirect.gather [hbm4b:s7+s16], $0x20, s14, s16, $0xb8;
	[tilespmem:$0x1B580] =	vst v63  }
0x49: {  	_ =	swait.ge [sflag:s22], $0x1900  }
0x4a: {  	[sflag:s22] =	ssyncset.done $0x0  }
0x4b: {  	s23 =	simm.s32 $0xC;
	[sflag:s22] =	ssyncadd.s32 $0xFFFFE700  }
0x4c: {  	_ =	swait.ge [sflag:s23], $0x1900  }
0x4d: {  	[sflag:s23] =	ssyncset.done $0x0  }
0x4e: {  	s24 =	simm.s32 $0xD;
	[sflag:s23] =	ssyncadd.s32 $0xFFFFE700  }
0x4f: {  	_ =	swait.ge [sflag:s24], $0x1900  }
0x50: {  	[sflag:s24] =	ssyncset.done $0x0  }
0x51: {  	s25 =	simm.s32 $0xE;
	[sflag:s24] =	ssyncadd.s32 $0xFFFFE700  }
0x52: {  	_ =	swait.ge [sflag:s25], $0x1900  }
0x53: {  	[sflag:s25] =	ssyncset.done $0x0  }
0x54: {  	s26 =	simm.s32 $0xF;
	[sflag:s25] =	ssyncadd.s32 $0xFFFFE700  }
0x55: {  	_ =	swait.ge [sflag:s26], $0x1900  }
0x56: {  	[sflag:s26] =	ssyncset.done $0x0  }
0x57: {  	s28 =	simm.s32 $0x10;
	[sflag:s26] =	ssyncadd.s32 $0xFFFFE700  }
0x58: {  	_ =	swait.ge [sflag:s28], $0x1900  }
0x59: {  	[sflag:s28] =	ssyncset.done $0x0  }
0x5a: {  	s29 =	simm.s32 $0x11;
	[sflag:s28] =	ssyncadd.s32 $0xFFFFE700  }
0x5b: {  	_ =	swait.ge [sflag:s29], $0x1900  }
0x5c: {  	[sflag:s29] =	ssyncset.done $0x0  }
0x5d: {  	s30 =	simm.s32 $0x12;
	[sflag:s29] =	ssyncadd.s32 $0xFFFFE700  }
0x5e: {  	_ =	swait.ge [sflag:s30], $0x1900  }
0x5f: {  	[sflag:s30] =	ssyncset.done $0x0  }
0x60: {  	s31 =	simm.s32 $0x0;
	[sflag:s30] =	ssyncadd.s32 $0xFFFFE700  }
0x61: {  	v0 =	vimm.s32 $0x0;
	s2 =	simm.s32 $0x40;
	v1 =	vld [tilespmem:s31+$0x12C0]  }
.LBB2_6:
0x62: {  	p0 =	sne.s32 s2, $0x18C0  }
.Ltmp4:
0x63: {  	_ = 	snop;
	(pc) =	sbr.rel @p0 .LBB2_6-.Ltmp4, $3  }
0x64: {  	_ =	sdelay $0x1  }
0x65: {  	s11 =	sshra.s32 s2, $0x2;
	s2 =	sadd.s32 $0x40, s2;
	vm0 =	vlt.s32 v0, v1  }
0x66: {  	v0 =	vsel vm0, v0, v1;
	v1 =	vld [tilespmem:s11+$0x12C0]  }
0x67: {  	_ =	sdelay $0x3  }
0x68: {  	vm0 =	vlt.s32 v0, v1  }
0x69: {  	v0 =	vsel vm0, v0, v1  }
0x6a: {  	(v2sf) =	vpush v0, $0x0  }
0x6b: {  	(v2sf) =	vpush v0, $0x1  }
0x6c: {  	(v2sf) =	vpush v0, $0x2  }
0x6d: {  	(v2sf) =	vpush v0, $0x3  }
0x6e: {  	(v2sf) =	vpush v0, $0x4  }
0x6f: {  	(v2sf) =	vpush v0, $0x5  }
0x70: {  	(v2sf) =	vpush v0, $0x6  }
0x71: {  	(v2sf) =	vpush v0, $0x7  }
0x72: {  	(v2sf) =	vpush v0, $0x8  }
0x73: {  	(v2sf) =	vpush v0, $0x9  }
0x74: {  	(v2sf) =	vpush v0, $0xA  }
0x75: {  	(v2sf) =	vpush v0, $0xB  }
0x76: {  	(v2sf) =	vpush v0, $0xC  }
0x77: {  	(v2sf) =	vpush v0, $0xD  }
0x78: {  	(v2sf) =	vpush v0, $0xE  }
0x79: {  	s2 =	spop (v2sf);
	(v2sf) =	vpush v0, $0xF  }
0x7a: {  	s11 =	spop (v2sf)  }
0x7b: {  	s14 =	spop (v2sf)  }
0x7c: {  	s5 =	spop (v2sf)  }
0x7d: {  	s18 =	spop (v2sf)  }
0x7e: {  	s22 =	spop (v2sf)  }
0x7f: {  	s23 =	spop (v2sf)  }
0x80: {  	s24 =	spop (v2sf)  }
0x81: {  	s25 =	spop (v2sf)  }
0x82: {  	s26 =	spop (v2sf)  }
0x83: {  	s28 =	spop (v2sf)  }
0x84: {  	s29 =	spop (v2sf)  }
0x85: {  	s30 =	spop (v2sf)  }
0x86: {  	s2 =	sor.u32 s11, s2;
	s5 =	sor.u32 s5, s14;
	s31 =	spop (v2sf)  }
0x87: {  	s2 =	sor.u32 s5, s2;
	s22 =	sor.u32 s22, s18;
	s1 =	spop (v2sf)  }
0x88: {  	s24 =	sor.u32 s24, s23;
	s26 =	sor.u32 s26, s25;
	s8 =	spop (v2sf)  }
0x89: {  	s28 =	sor.u32 s29, s28;
	s29 =	sor.u32 s31, s30;
	s1 =	sor.u32 s8, s1  }
0x8a: {  	s30 =	sor.u32 s24, s22;
	s31 =	sor.u32 s28, s26;
	s1 =	sor.u32 s1, s29  }
0x8b: {  	s2 =	sor.u32 s30, s2;
	s1 =	sor.u32 s1, s31  }
0x8c: {  	s1 =	sor.u32 s1, s2  }
0x8d: {  	p0 =	sgt.s32 s1, $0xFFFFFFFF  }
.Ltmp5:
0x8e: {  	_ = 	snop;
	(pc) =	sbr.rel @p0 .LBB2_11-.Ltmp5, $1  }
0x8f: {  	_ =	sdelay $0x3  }
0x90: {  	s31 =	simm.s32 $0x0  }
0x91: {  	v0 =	vld [tilespmem:s31+$0x12C0];
	_ =	sdelay $0x4  }
0x92: {  	(v2sf) =	vpush v0, $0x0;
	_ =	sdelay $0x1  }
0x93: {  	(v2sf) =	vpush v0, $0x1;
	_ =	sdelay $0x1  }
0x94: {  	(v2sf) =	vpush v0, $0x2;
	_ =	sdelay $0x1  }
0x95: {  	(v2sf) =	vpush v0, $0x3;
	_ =	sdelay $0x1  }
0x96: {  	(v2sf) =	vpush v0, $0x4;
	_ =	sdelay $0x1  }
0x97: {  	(v2sf) =	vpush v0, $0x5;
	_ =	sdelay $0x1  }
0x98: {  	(v2sf) =	vpush v0, $0x6;
	_ =	sdelay $0x1  }
0x99: {  	(v2sf) =	vpush v0, $0x7  }
0x9a: {  	s2 =	spop (v2sf)  }
0x9b: {  	(v2sf) =	vpush v0, $0x8;
	p0 =	slt.u32 s2, $0xFFFFFFFE  }
0x9c: {  	s1 =	simm.s32 @!p1 $0x0;
	s2 =	simm.s32 $0xEE80;
	s5 =	spop (v2sf);
	v1 =	vimm.f32 @!p0 $0.0e+00  }
0x9d: {  	s1 =	simm.s32 @p1 $0x1;
	(v2sf) =	vpush v0, $0x9;
	p1 =	slt.u32 s5, $0xFFFFFFFE;
	[tilespmem:s2+$0xFFFFFF00] =	vst @!p0 v1  }
0x9e: {  	s8 =	spop (v2sf);
	v2 =	vimm.f32 @!p1 $0.0e+00;
	[tilespmem:s2+$0xFFFFFF10] =	vst @!p0 v1  }
0x9f: {  	(v2sf) =	vpush v0, $0xA;
	p0 =	slt.u32 s8, $0xFFFFFFFE;
	[tilespmem:s2+$0xFFFFFF20] =	vst @!p1 v2  }
0xa0: {  	s9 =	spop (v2sf);
	v1 =	vimm.f32 @!p0 $0.0e+00;
	[tilespmem:s2+$0xFFFFFF30] =	vst @!p1 v2  }
0xa1: {  	(v2sf) =	vpush v0, $0xB;
	p1 =	slt.u32 s9, $0xFFFFFFFE;
	[tilespmem:s2+$0xFFFFFF40] =	vst @!p0 v1  }
0xa2: {  	s11 =	spop (v2sf);
	v2 =	vimm.f32 @!p1 $0.0e+00;
	[tilespmem:s2+$0xFFFFFF50] =	vst @!p0 v1  }
0xa3: {  	(v2sf) =	vpush v0, $0xC;
	p0 =	slt.u32 s11, $0xFFFFFFFE;
	[tilespmem:s2+$0xFFFFFF60] =	vst @!p1 v2  }
0xa4: {  	s14 =	spop (v2sf);
	v1 =	vimm.f32 @!p0 $0.0e+00;
	[tilespmem:s2+$0xFFFFFF70] =	vst @!p1 v2  }
0xa5: {  	(v2sf) =	vpush v0, $0xD;
	p1 =	slt.u32 s14, $0xFFFFFFFE;
	[tilespmem:s2+$0xFFFFFF80] =	vst @!p0 v1  }
0xa6: {  	s18 =	spop (v2sf);
	v2 =	vimm.f32 @!p1 $0.0e+00;
	[tilespmem:s2+$0xFFFFFF90] =	vst @!p0 v1  }
0xa7: {  	(v2sf) =	vpush v0, $0xE;
	p0 =	slt.u32 s18, $0xFFFFFFFE;
	[tilespmem:s2+$0xFFFFFFA0] =	vst @!p1 v2  }
0xa8: {  	s22 =	spop (v2sf);
	v1 =	vimm.f32 @!p0 $0.0e+00;
	[tilespmem:s2+$0xFFFFFFB0] =	vst @!p1 v2  }
0xa9: {  	(v2sf) =	vpush v0, $0xF;
	p1 =	slt.u32 s22, $0xFFFFFFFE;
	[tilespmem:s2+$0xFFFFFFC0] =	vst @!p0 v1  }
0xaa: {  	v0 =	vimm.f32 @!p1 $0.0e+00;
	[tilespmem:s2+$0xFFFFFFD0] =	vst @!p0 v1;
	s23 =	spop (v2sf)  }
0xab: {  	[tilespmem:s2+$0xFFFFFFE0] =	vst @!p1 v0;
	p0 =	slt.u32 s23, $0xFFFFFFFE  }
0xac: {  	[tilespmem:s2+$0xFFFFFFF0] =	vst @!p1 v0;
	s24 =	spop (v2sf);
	v1 =	vimm.f32 @!p0 $0.0e+00  }
0xad: {  	p1 =	slt.u32 s24, $0xFFFFFFFE;
	[tilespmem:s2+$0x0] =	vst @!p0 v1  }
0xae: {  	s25 =	spop (v2sf);
	v0 =	vimm.f32 @!p1 $0.0e+00;
	[tilespmem:s2+$0x10] =	vst @!p0 v1  }
0xaf: {  	p0 =	slt.u32 s25, $0xFFFFFFFE;
	[tilespmem:s2+$0x20] =	vst @!p1 v0  }
0xb0: {  	s26 =	spop (v2sf);
	v1 =	vimm.f32 @!p0 $0.0e+00;
	[tilespmem:s2+$0x30] =	vst @!p1 v0  }
0xb1: {  	p1 =	slt.u32 s26, $0xFFFFFFFE;
	[tilespmem:s2+$0x40] =	vst @!p0 v1  }
0xb2: {  	s28 =	spop (v2sf);
	v0 =	vimm.f32 @!p1 $0.0e+00;
	[tilespmem:s2+$0x50] =	vst @!p0 v1  }
0xb3: {  	p0 =	slt.u32 s28, $0xFFFFFFFE;
	[tilespmem:s2+$0x60] =	vst @!p1 v0  }
0xb4: {  	s29 =	spop (v2sf);
	v1 =	vimm.f32 @!p0 $0.0e+00;
	[tilespmem:s2+$0x70] =	vst @!p1 v0  }
0xb5: {  	p1 =	slt.u32 s29, $0xFFFFFFFE;
	[tilespmem:s2+$0x80] =	vst @!p0 v1  }
0xb6: {  	s30 =	spop (v2sf);
	v0 =	vimm.f32 @!p1 $0.0e+00;
	[tilespmem:s2+$0x90] =	vst @!p0 v1  }
0xb7: {  	p0 =	slt.u32 s30, $0xFFFFFFFE;
	[tilespmem:s2+$0xA0] =	vst @!p1 v0  }
0xb8: {  	s31 =	spop (v2sf);
	v1 =	vimm.f32 @!p0 $0.0e+00;
	[tilespmem:s2+$0xB0] =	vst @!p1 v0  }
0xb9: {  	p2 =	slt.u32 s31, $0xFFFFFFFE;
	[tilespmem:s2+$0xC0] =	vst @!p0 v1  }
0xba: {  	[tilespmem:s2+$0xD0] =	vst @!p0 v1;
	v0 =	vimm.f32 @!p2 $0.0e+00  }
0xbb: {  	[smem:$0x7FD] =	sst s1;
	s14 =	simm.s32 $0x40;
	[tilespmem:s2+$0xE0] =	vst @!p2 v0  }
.LBB2_9:
0xbc: {  	s1 =	sshra.s32 s14, $0x2;
	[tilespmem:s2+$0xF0] =	vst @!p2 v0  }
0xbd: {  	v0 =	vld [tilespmem:s1+$0x12C0];
	_ =	sdelay $0x4  }
0xbe: {  	(v2sf) =	vpush v0, $0x0;
	_ =	sdelay $0x1  }
0xbf: {  	(v2sf) =	vpush v0, $0x1;
	_ =	sdelay $0x1  }
0xc0: {  	(v2sf) =	vpush v0, $0x2  }
0xc1: {  	(v2sf) =	vpush v0, $0x3  }
0xc2: {  	(v2sf) =	vpush v0, $0x4  }
0xc3: {  	(v2sf) =	vpush v0, $0x5  }
0xc4: {  	(v2sf) =	vpush v0, $0x6  }
0xc5: {  	(v2sf) =	vpush v0, $0x7  }
0xc6: {  	(v2sf) =	vpush v0, $0x8  }
0xc7: {  	(v2sf) =	vpush v0, $0x9  }
0xc8: {  	(v2sf) =	vpush v0, $0xA  }
0xc9: {  	(v2sf) =	vpush v0, $0xB  }
0xca: {  	(v2sf) =	vpush v0, $0xC  }
0xcb: {  	s14 =	sadd.s32 $0x40, s14;
	(v2sf) =	vpush v0, $0xD;
	s25 =	spop (v2sf)  }
0xcc: {  	p0 =	sne.s32 s14, $0x1900;
	(v2sf) =	vpush v0, $0xE;
	p1 =	slt.u32 s25, $0xFFFFFFFE  }
0xcd: {  	s2 =	sadd.s32 $0x200, s2;
	s1 =	simm.s32 @!p0 $0x0;
	(v2sf) =	vpush v0, $0xF;
	s26 =	spop (v2sf);
	v0 =	vimm.f32 @!p1 $0.0e+00  }
0xce: {  	s1 =	simm.s32 @p0 $0x1;
	p0 =	slt.u32 s26, $0xFFFFFFFE;
	[tilespmem:s2+$0xFFFFFF00] =	vst @!p1 v0  }
0xcf: {  	s28 =	spop (v2sf);
	v1 =	vimm.f32 @!p0 $0.0e+00;
	[tilespmem:s2+$0xFFFFFF10] =	vst @!p1 v0  }
0xd0: {  	p4 =	slt.u32 s28, $0xFFFFFFFE;
	[tilespmem:s2+$0xFFFFFF20] =	vst @!p0 v1  }
0xd1: {  	s29 =	spop (v2sf);
	v0 =	vimm.f32 @!p4 $0.0e+00;
	[tilespmem:s2+$0xFFFFFF30] =	vst @!p0 v1  }
0xd2: {  	p3 =	slt.u32 s29, $0xFFFFFFFE;
	[tilespmem:s2+$0xFFFFFF40] =	vst @!p4 v0  }
0xd3: {  	s30 =	spop (v2sf);
	v2 =	vimm.f32 @!p3 $0.0e+00;
	[tilespmem:s2+$0xFFFFFF50] =	vst @!p4 v0  }
0xd4: {  	p1 =	slt.u32 s30, $0xFFFFFFFE;
	s31 =	spop (v2sf);
	[tilespmem:s2+$0xFFFFFF60] =	vst @!p3 v2  }
0xd5: {  	v1 =	vimm.f32 @!p1 $0.0e+00;
	s5 =	spop (v2sf);
	[tilespmem:s2+$0xFFFFFF70] =	vst @!p3 v2  }
0xd6: {  	p0 =	slt.u32 s31, $0xFFFFFFFE;
	s8 =	spop (v2sf);
	[tilespmem:s2+$0xFFFFFF80] =	vst @!p1 v1  }
0xd7: {  	v3 =	vimm.f32 @!p0 $0.0e+00;
	[tilespmem:s2+$0xFFFFFF90] =	vst @!p1 v1;
	s9 =	spop (v2sf)  }
0xd8: {  	p2 =	slt.u32 s5, $0xFFFFFFFE;
	[tilespmem:s2+$0xFFFFFFA0] =	vst @!p0 v3;
	s11 =	spop (v2sf)  }
0xd9: {  	v0 =	vimm.f32 @!p2 $0.0e+00;
	p4 =	slt.u32 s8, $0xFFFFFFFE;
	[tilespmem:s2+$0xFFFFFFB0] =	vst @!p0 v3;
	s18 =	spop (v2sf)  }
0xda: {  	[smem:$0x7FC] =	sst s1;
	s1 =	simm.s32 @!p4 $0x0;
	[tilespmem:s2+$0xFFFFFFC0] =	vst @!p2 v0;
	p6 =	slt.u32 s18, $0xFFFFFFFE  }
0xdb: {  	[tilespmem:s2+$0xFFFFFFD0] =	vst @!p2 v0;
	s1 =	simm.s32 @p4 $0x1;
	s22 =	spop (v2sf);
	v1 =	vimm.f32 @!p6 $0.0e+00  }
0xdc: {  	v4 =	vimm.f32 @!p4 $0.0e+00;
	p4 =	slt.u32 s9, $0xFFFFFFFE;
	p3 =	slt.u32 s11, $0xFFFFFFFE;
	p5 =	slt.u32 s22, $0xFFFFFFFE;
	[tilespmem:s2+$0x40] =	vst @!p6 v1  }
0xdd: {  	[smem:$0x7F9] =	sst s1;
	s1 =	simm.s32 @!p4 $0x0;
	s23 =	spop (v2sf);
	v6 =	vimm.f32 @!p5 $0.0e+00;
	[tilespmem:s2+$0x50] =	vst @!p6 v1  }
0xde: {  	v2 =	vimm.f32 @!p4 $0.0e+00;
	s1 =	simm.s32 @p4 $0x1;
	s28 =	sld [smem:$0x7F9];
	p4 =	slt.u32 s23, $0xFFFFFFFE;
	[tilespmem:s2+$0x60] =	vst @!p5 v6  }
0xdf: {  	[smem:$0x7FA] =	sst s1;
	s1 =	simm.s32 @!p3 $0x0;
	v3 =	vimm.f32 @!p4 $0.0e+00;
	[tilespmem:s2+$0x70] =	vst @!p5 v6  }
0xe0: {  	s1 =	simm.s32 @p3 $0x1;
	s29 =	sld [smem:$0x7FA];
	[tilespmem:s2+$0x80] =	vst @!p4 v3  }
0xe1: {  	[smem:$0x7FB] =	sst s1;
	p0 =	seq.s32 s28, $0x1;
	[tilespmem:s2+$0x90] =	vst @!p4 v3  }
0xe2: {  	[tilespmem:s2+$0xFFFFFFE0] =	vst @!p0 v4;
	s30 =	sld [smem:$0x7FB]  }
0xe3: {  	[tilespmem:s2+$0xFFFFFFF0] =	vst @!p0 v4;
	p0 =	seq.s32 s29, $0x1  }
0xe4: {  	s31 =	sld [smem:$0x7FC];
	[tilespmem:s2+$0x0] =	vst @!p0 v2  }
0xe5: {  	v5 =	vimm.f32 @!p3 $0.0e+00;
	s24 =	spop (v2sf);
	[tilespmem:s2+$0x10] =	vst @!p0 v2;
	p0 =	seq.s32 s30, $0x1  }
0xe6: {  	p3 =	slt.u32 s24, $0xFFFFFFFE;
	[tilespmem:s2+$0x20] =	vst @!p0 v5  }
0xe7: {  	s25 =	spop (v2sf);
	v7 =	vimm.f32 @!p3 $0.0e+00;
	[tilespmem:s2+$0x30] =	vst @!p0 v5;
	p0 =	seq.s32 s31, $0x1  }
.Ltmp6:
0xe8: {  	p1 =	slt.u32 s25, $0xFFFFFFFE;
	[tilespmem:s2+$0xA0] =	vst @!p3 v7;
	(pc) =	sbr.rel @p0 .LBB2_9-.Ltmp6, $4  }
0xe9: {  	s26 =	spop (v2sf);
	v8 =	vimm.f32 @!p1 $0.0e+00;
	[tilespmem:s2+$0xB0] =	vst @!p3 v7  }
0xea: {  	p2 =	slt.u32 s26, $0xFFFFFFFE;
	[tilespmem:s2+$0xC0] =	vst @!p1 v8  }
0xeb: {  	v0 =	vimm.f32 @!p2 $0.0e+00;
	[tilespmem:s2+$0xD0] =	vst @!p1 v8  }
0xec: {  	[tilespmem:s2+$0xE0] =	vst @!p2 v0  }
0xed: {  	s1 =	sld [smem:$0x7FD];
	_ =	sdelay $0x2  }
0xee: {  	[tilespmem:s2+$0xF0] =	vst @!p2 v0;
	p1 =	seq.s32 s1, $0x1  }
.LBB2_11:
0xef: {  	s1 =	rddreg [dreg:$0x6]  }
.Ltmp7:
0xf0: {  	s1 =	sadd.s32 s10, s1;
	(pc) =	sbr.rel .LBB2_13-.Ltmp7, $4  }
0xf1: {  	s1 =	sshll.u32 s1, $0x2  }
0xf2: {  	s2 =	rddreg [dreg:$0x1];
	s1 =	sand.u32 $0x1FFFFF00, s1  }
0xf3: {  	s31 =	simm.s32 $0xED80;
	s1 =	sadd.s32 s2, s1  }
0xf4: {  	[hbm4b:s1+s3] =	stream.linear.scatter [tilespmem:s31], [sflag:$0x14], $0xC800, $0x38;
	[tilespmem:$0x1B580] =	vst v63  }
.LBB2_12:
0xf5: {  	s1 =	simm.s32 $0x1900;
	s2 =	simm.s32 $0x2580  }
0xf6: {  	[tilespmem:s2], [sflag:$0x3] =	stream.indirect.gather [hbm4b:s7+s16], $0x20, s1, s16, $0xb8;
	[tilespmem:$0x1B580] =	vst v63  }
0xf7: {  	s8 =	simm.s32 $0x19C8;
	s9 =	simm.s32 $0x3E80  }
0xf8: {  	[tilespmem:s9], [sflag:$0x4] =	stream.indirect.gather [hbm4b:s7+s16], $0x20, s8, s16, $0xb8;
	[tilespmem:$0x1B580] =	vst v63  }
0xf9: {  	s11 =	simm.s32 $0x1A90;
	s14 =	simm.s32 $0x5780  }
0xfa: {  	[tilespmem:s14], [sflag:$0x5] =	stream.indirect.gather [hbm4b:s7+s16], $0x20, s11, s16, $0xb8;
	[tilespmem:$0x1B580] =	vst v63  }
0xfb: {  	s18 =	simm.s32 $0x1B58;
	s22 =	simm.s32 $0x7080  }
0xfc: {  	[tilespmem:s22], [sflag:$0x6] =	stream.indirect.gather [hbm4b:s7+s16], $0x20, s18, s16, $0xb8;
	[tilespmem:$0x1B580] =	vst v63  }
0xfd: {  	s23 =	simm.s32 $0x1C20;
	s24 =	simm.s32 $0x8980  }
0xfe: {  	[tilespmem:s24], [sflag:$0x7] =	stream.indirect.gather [hbm4b:s7+s16], $0x20, s23, s16, $0xb8;
	[tilespmem:$0x1B580] =	vst v63  }
0xff: {  	s25 =	simm.s32 $0x1CE8;
	s26 =	simm.s32 $0xA280  }
0x100: {  	[tilespmem:s26], [sflag:$0x8] =	stream.indirect.gather [hbm4b:s7+s16], $0x20, s25, s16, $0xb8;
	[tilespmem:$0x1B580] =	vst v63  }
0x101: {  	s28 =	simm.s32 $0x1DB0;
	s29 =	simm.s32 $0xBB80  }
0x102: {  	[tilespmem:s29], [sflag:$0x9] =	stream.indirect.gather [hbm4b:s7+s16], $0x20, s28, s16, $0xb8;
	[tilespmem:$0x1B580] =	vst v63  }
0x103: {  	s30 =	simm.s32 $0x1E78;
	s31 =	simm.s32 $0xD480  }
0x104: {  	[tilespmem:s31], [sflag:$0xA] =	stream.indirect.gather [hbm4b:s7+s16], $0x20, s30, s16, $0xb8;
	[tilespmem:$0x1B580] =	vst v63  }
.LBB2_13:
0x105: {  	s1 =	rddreg [dreg:$0x3]  }
0x106: {  	s2 =	sadd.s32 s1, s10  }
0x107: {  	s1 =	sshrl.u32 s2, $0x3  }
0x108: {  	s1 =	sadd.s32 $0xC8, s1  }
0x109: {  	s8 =	simm.s32 $0x0;
	s9 =	simm.s32 $0x640;
	s5 =	sadd.s32 s4, s1  }
0x10a: {  	[tilespmem:s9], [sflag:$0x2] =	stream.linear.gather [hbm4b:s5+s8], $0x640, $0x38;
	[tilespmem:$0x1B580] =	vst v63  }
0x10b: {  	s31 =	simm.s32 $0x12C0;
	s1 =	sadd.s32 s6, s1  }
0x10c: {  	[tilespmem:s31], [sflag:$0x2] =	stream.linear.gather [hbm4b:s1+s8], $0x640, $0x38;
	[tilespmem:$0x1B580] =	vst v63  }
0x10d: {  	_ =	swait.ge [sflag:s12], $0x640  }
0x10e: {  	[sflag:s12] =	ssyncset.done $0x0  }
0x10f: {  	[sflag:s12] =	ssyncadd.s32 $0xFFFFF9C0  }
0x110: {  	_ =	swait.ge [sflag:s12], $0x640  }
0x111: {  	[sflag:s12] =	ssyncset.done $0x0  }
0x112: {  	s11 =	simm.s32 $0x0;
	[sflag:s12] =	ssyncadd.s32 $0xFFFFF9C0  }
0x113: {  	v0 =	vld [tilespmem:s11+$0x640]  }
0x114: {  	s14 =	simm.s32 $0x40  }
.LBB2_14:
0x115: {  	p0 =	sne.s32 s14, $0x18C0  }
.Ltmp8:
0x116: {  	_ = 	snop;
	(pc) =	sbr.rel @p0 .LBB2_14-.Ltmp8, $4  }
0x117: {  	_ = 	snop  }
0x118: {  	s1 =	sshra.s32 s14, $0x2;
	s14 =	sadd.s32 $0x40, s14;
	vm0 =	veq.s32 v0, $0xFFFFFFFE  }
0x119: {  	v1 =	vsel vm0, $0xF4240, v0;
	v0 =	vld [tilespmem:s1+$0x640]  }
0x11a: {  	[tilespmem:s11+$0x1F40] =	vst v1;
	s11 =	smov.u32 s1  }
0x11b: {  	_ =	sdelay $0x2  }
0x11c: {  	vm0 =	veq.s32 v0, $0xFFFFFFFE  }
0x11d: {  	v0 =	vsel vm0, $0xF4240, v0  }
0x11e: {  	s1 =	simm.s32 @!p1 $0x14;
	[tilespmem:s11+$0x1F40] =	vst v0  }
0x11f: {  	_ =	swait.ge @!p1 [sflag:s1], $0xC800  }
0x120: {  	[sflag:s1] =	ssyncset.done @!p1 $0x0  }
0x121: {  	s26 =	simm.s32 $0x1F40;
	s5 =	simm.s32 $0xED80;
	[sflag:s1] =	ssyncadd.s32 @!p1 $0xFFFF3800  }
0x122: {  	[tilespmem:s5], [sflag:$0xB] =	stream.indirect.gather [hbm4b:s7+s16], $0x20, s26, s16, $0xb8;
	[tilespmem:$0x1B580] =	vst v63  }
0x123: {  	s28 =	simm.s32 $0x2008;
	s29 =	simm.s32 $0x10680  }
0x124: {  	[tilespmem:s29], [sflag:$0xC] =	stream.indirect.gather [hbm4b:s7+s16], $0x20, s28, s16, $0xb8;
	[tilespmem:$0x1B580] =	vst v63  }
0x125: {  	s30 =	simm.s32 $0x20D0;
	s31 =	simm.s32 $0x11F80  }
0x126: {  	[tilespmem:s31], [sflag:$0xD] =	stream.indirect.gather [hbm4b:s7+s16], $0x20, s30, s16, $0xb8;
	[tilespmem:$0x1B580] =	vst v63  }
0x127: {  	s8 =	simm.s32 $0x2198;
	s9 =	simm.s32 $0x13880  }
0x128: {  	[tilespmem:s9], [sflag:$0xE] =	stream.indirect.gather [hbm4b:s7+s16], $0x20, s8, s16, $0xb8;
	[tilespmem:$0x1B580] =	vst v63  }
0x129: {  	s14 =	simm.s32 $0x15180;
	s11 =	simm.s32 $0x2260  }
0x12a: {  	[tilespmem:s14], [sflag:$0xF] =	stream.indirect.gather [hbm4b:s7+s16], $0x20, s11, s16, $0xb8;
	[tilespmem:$0x1B580] =	vst v63  }
0x12b: {  	s18 =	simm.s32 $0x2328;
	s22 =	simm.s32 $0x16A80  }
0x12c: {  	[tilespmem:s22], [sflag:$0x10] =	stream.indirect.gather [hbm4b:s7+s16], $0x20, s18, s16, $0xb8;
	[tilespmem:$0x1B580] =	vst v63  }
0x12d: {  	s23 =	simm.s32 $0x23F0;
	s24 =	simm.s32 $0x18380  }
0x12e: {  	[tilespmem:s24], [sflag:$0x11] =	stream.indirect.gather [hbm4b:s7+s16], $0x20, s23, s16, $0xb8;
	[tilespmem:$0x1B580] =	vst v63  }
0x12f: {  	s25 =	simm.s32 $0x24B8;
	s26 =	simm.s32 $0x19C80;
	s28 =	simm.s32 $0x3  }
0x130: {  	[tilespmem:s26], [sflag:$0x12] =	stream.indirect.gather [hbm4b:s7+s16], $0x20, s25, s16, $0xb8;
	[tilespmem:$0x1B580] =	vst v63  }
0x131: {  	_ =	swait.ge [sflag:s28], $0x1900  }
0x132: {  	[sflag:s28] =	ssyncset.done $0x0  }
0x133: {  	s29 =	simm.s32 $0x4;
	[sflag:s28] =	ssyncadd.s32 $0xFFFFE700  }
0x134: {  	_ =	swait.ge [sflag:s29], $0x1900  }
0x135: {  	[sflag:s29] =	ssyncset.done $0x0  }
0x136: {  	s30 =	simm.s32 $0x5;
	[sflag:s29] =	ssyncadd.s32 $0xFFFFE700  }
0x137: {  	_ =	swait.ge [sflag:s30], $0x1900  }
0x138: {  	[sflag:s30] =	ssyncset.done $0x0  }
0x139: {  	[sflag:s30] =	ssyncadd.s32 $0xFFFFE700  }
0x13a: {  	_ =	swait.ge [sflag:s13], $0x1900  }
0x13b: {  	[sflag:s13] =	ssyncset.done $0x0  }
0x13c: {  	[sflag:s13] =	ssyncadd.s32 $0xFFFFE700  }
0x13d: {  	_ =	swait.ge [sflag:s17], $0x1900  }
0x13e: {  	[sflag:s17] =	ssyncset.done $0x0  }
0x13f: {  	[sflag:s17] =	ssyncadd.s32 $0xFFFFE700  }
0x140: {  	_ =	swait.ge [sflag:s19], $0x1900  }
0x141: {  	[sflag:s19] =	ssyncset.done $0x0  }
0x142: {  	[sflag:s19] =	ssyncadd.s32 $0xFFFFE700  }
0x143: {  	_ =	swait.ge [sflag:s20], $0x1900  }
0x144: {  	[sflag:s20] =	ssyncset.done $0x0  }
0x145: {  	[sflag:s20] =	ssyncadd.s32 $0xFFFFE700  }
0x146: {  	_ =	swait.ge [sflag:s21], $0x1900  }
0x147: {  	[sflag:s21] =	ssyncset.done $0x0  }
0x148: {  	s31 =	simm.s32 $0x0;
	[sflag:s21] =	ssyncadd.s32 $0xFFFFE700  }
0x149: {  	v0 =	vimm.s32 $0x0;
	s11 =	simm.s32 $0x40;
	v1 =	vld [tilespmem:s31+$0xC80]  }
.LBB2_16:
0x14a: {  	p0 =	sne.s32 s11, $0x18C0  }
.Ltmp9:
0x14b: {  	_ = 	snop;
	(pc) =	sbr.rel @p0 .LBB2_16-.Ltmp9, $3  }
0x14c: {  	_ =	sdelay $0x1  }
0x14d: {  	s1 =	sshra.s32 s11, $0x2;
	s11 =	sadd.s32 $0x40, s11;
	vm0 =	vlt.s32 v0, v1  }
0x14e: {  	v0 =	vsel vm0, v0, v1;
	v1 =	vld [tilespmem:s1+$0xC80]  }
0x14f: {  	_ =	sdelay $0x3  }
0x150: {  	vm0 =	vlt.s32 v0, v1  }
0x151: {  	v0 =	vsel vm0, v0, v1  }
0x152: {  	(v2sf) =	vpush v0, $0x0  }
0x153: {  	(v2sf) =	vpush v0, $0x1  }
0x154: {  	(v2sf) =	vpush v0, $0x2  }
0x155: {  	(v2sf) =	vpush v0, $0x3  }
0x156: {  	(v2sf) =	vpush v0, $0x4  }
0x157: {  	(v2sf) =	vpush v0, $0x5  }
0x158: {  	(v2sf) =	vpush v0, $0x6  }
0x159: {  	(v2sf) =	vpush v0, $0x7  }
0x15a: {  	(v2sf) =	vpush v0, $0x8  }
0x15b: {  	(v2sf) =	vpush v0, $0x9  }
0x15c: {  	(v2sf) =	vpush v0, $0xA  }
0x15d: {  	(v2sf) =	vpush v0, $0xB  }
0x15e: {  	(v2sf) =	vpush v0, $0xC  }
0x15f: {  	(v2sf) =	vpush v0, $0xD  }
0x160: {  	(v2sf) =	vpush v0, $0xE  }
0x161: {  	s1 =	spop (v2sf);
	(v2sf) =	vpush v0, $0xF  }
0x162: {  	s5 =	spop (v2sf)  }
0x163: {  	s8 =	spop (v2sf)  }
0x164: {  	s11 =	spop (v2sf)  }
0x165: {  	s14 =	spop (v2sf)  }
0x166: {  	s18 =	spop (v2sf)  }
0x167: {  	s22 =	spop (v2sf)  }
0x168: {  	s23 =	spop (v2sf)  }
0x169: {  	s24 =	spop (v2sf)  }
0x16a: {  	s25 =	spop (v2sf)  }
0x16b: {  	s26 =	spop (v2sf)  }
0x16c: {  	s28 =	spop (v2sf)  }
0x16d: {  	s29 =	spop (v2sf)  }
0x16e: {  	s1 =	sor.u32 s5, s1;
	s11 =	sor.u32 s11, s8;
	s30 =	spop (v2sf)  }
0x16f: {  	s1 =	sor.u32 s11, s1;
	s18 =	sor.u32 s18, s14;
	s31 =	spop (v2sf)  }
0x170: {  	s23 =	sor.u32 s23, s22;
	s25 =	sor.u32 s25, s24;
	s9 =	spop (v2sf)  }
0x171: {  	s26 =	sor.u32 s28, s26;
	s28 =	sor.u32 s30, s29;
	s9 =	sor.u32 s9, s31  }
0x172: {  	s29 =	sor.u32 s23, s18;
	s30 =	sor.u32 s26, s25;
	s9 =	sor.u32 s9, s28  }
0x173: {  	s1 =	sor.u32 s29, s1;
	s31 =	sor.u32 s9, s30  }
0x174: {  	s1 =	sor.u32 s31, s1  }
0x175: {  	p0 =	sgt.s32 s1, $0xFFFFFFFF  }
.Ltmp10:
0x176: {  	_ = 	snop;
	(pc) =	sbr.rel @p0 .LBB2_21-.Ltmp10, $1  }
0x177: {  	_ =	sdelay $0x3  }
0x178: {  	s1 =	simm.s32 $0x0  }
0x179: {  	v0 =	vld [tilespmem:s1+$0xC80];
	_ =	sdelay $0x4  }
0x17a: {  	(v2sf) =	vpush v0, $0x0;
	_ =	sdelay $0x1  }
0x17b: {  	(v2sf) =	vpush v0, $0x1;
	_ =	sdelay $0x1  }
0x17c: {  	(v2sf) =	vpush v0, $0x2;
	_ =	sdelay $0x1  }
0x17d: {  	(v2sf) =	vpush v0, $0x3;
	_ =	sdelay $0x1  }
0x17e: {  	(v2sf) =	vpush v0, $0x4;
	_ =	sdelay $0x1  }
0x17f: {  	(v2sf) =	vpush v0, $0x5;
	_ =	sdelay $0x1  }
0x180: {  	(v2sf) =	vpush v0, $0x6;
	_ =	sdelay $0x1  }
0x181: {  	(v2sf) =	vpush v0, $0x7  }
0x182: {  	s30 =	spop (v2sf)  }
0x183: {  	(v2sf) =	vpush v0, $0x8;
	p0 =	slt.u32 s30, $0xFFFFFFFE  }
0x184: {  	s14 =	simm.s32 $0x2680;
	s31 =	spop (v2sf);
	v1 =	vimm.f32 @!p0 $0.0e+00  }
0x185: {  	(v2sf) =	vpush v0, $0x9;
	p1 =	slt.u32 s31, $0xFFFFFFFE;
	[tilespmem:s14+$0xFFFFFF00] =	vst @!p0 v1  }
0x186: {  	s5 =	spop (v2sf);
	v2 =	vimm.f32 @!p1 $0.0e+00;
	[tilespmem:s14+$0xFFFFFF10] =	vst @!p0 v1  }
0x187: {  	(v2sf) =	vpush v0, $0xA;
	p0 =	slt.u32 s5, $0xFFFFFFFE;
	[tilespmem:s14+$0xFFFFFF20] =	vst @!p1 v2  }
0x188: {  	s8 =	spop (v2sf);
	v1 =	vimm.f32 @!p0 $0.0e+00;
	[tilespmem:s14+$0xFFFFFF30] =	vst @!p1 v2  }
0x189: {  	(v2sf) =	vpush v0, $0xB;
	p1 =	slt.u32 s8, $0xFFFFFFFE;
	[tilespmem:s14+$0xFFFFFF40] =	vst @!p0 v1  }
0x18a: {  	s9 =	spop (v2sf);
	v2 =	vimm.f32 @!p1 $0.0e+00;
	[tilespmem:s14+$0xFFFFFF50] =	vst @!p0 v1  }
0x18b: {  	(v2sf) =	vpush v0, $0xC;
	p0 =	slt.u32 s9, $0xFFFFFFFE;
	[tilespmem:s14+$0xFFFFFF60] =	vst @!p1 v2  }
0x18c: {  	s11 =	spop (v2sf);
	v1 =	vimm.f32 @!p0 $0.0e+00;
	[tilespmem:s14+$0xFFFFFF70] =	vst @!p1 v2  }
0x18d: {  	(v2sf) =	vpush v0, $0xD;
	p1 =	slt.u32 s11, $0xFFFFFFFE;
	[tilespmem:s14+$0xFFFFFF80] =	vst @!p0 v1  }
0x18e: {  	s18 =	spop (v2sf);
	v2 =	vimm.f32 @!p1 $0.0e+00;
	[tilespmem:s14+$0xFFFFFF90] =	vst @!p0 v1  }
0x18f: {  	(v2sf) =	vpush v0, $0xE;
	p0 =	slt.u32 s18, $0xFFFFFFFE;
	[tilespmem:s14+$0xFFFFFFA0] =	vst @!p1 v2  }
0x190: {  	s22 =	spop (v2sf);
	v1 =	vimm.f32 @!p0 $0.0e+00;
	[tilespmem:s14+$0xFFFFFFB0] =	vst @!p1 v2  }
0x191: {  	(v2sf) =	vpush v0, $0xF;
	p1 =	slt.u32 s22, $0xFFFFFFFE;
	[tilespmem:s14+$0xFFFFFFC0] =	vst @!p0 v1  }
0x192: {  	v0 =	vimm.f32 @!p1 $0.0e+00;
	[tilespmem:s14+$0xFFFFFFD0] =	vst @!p0 v1;
	s23 =	spop (v2sf)  }
0x193: {  	[tilespmem:s14+$0xFFFFFFE0] =	vst @!p1 v0;
	p0 =	slt.u32 s23, $0xFFFFFFFE  }
0x194: {  	[tilespmem:s14+$0xFFFFFFF0] =	vst @!p1 v0;
	s24 =	spop (v2sf);
	v1 =	vimm.f32 @!p0 $0.0e+00  }
0x195: {  	p1 =	slt.u32 s24, $0xFFFFFFFE;
	[tilespmem:s14+$0x0] =	vst @!p0 v1  }
0x196: {  	s25 =	spop (v2sf);
	v0 =	vimm.f32 @!p1 $0.0e+00;
	[tilespmem:s14+$0x10] =	vst @!p0 v1  }
0x197: {  	p0 =	slt.u32 s25, $0xFFFFFFFE;
	[tilespmem:s14+$0x20] =	vst @!p1 v0  }
0x198: {  	s26 =	spop (v2sf);
	v1 =	vimm.f32 @!p0 $0.0e+00;
	[tilespmem:s14+$0x30] =	vst @!p1 v0  }
0x199: {  	p1 =	slt.u32 s26, $0xFFFFFFFE;
	[tilespmem:s14+$0x40] =	vst @!p0 v1  }
0x19a: {  	s28 =	spop (v2sf);
	v0 =	vimm.f32 @!p1 $0.0e+00;
	[tilespmem:s14+$0x50] =	vst @!p0 v1  }
0x19b: {  	p0 =	slt.u32 s28, $0xFFFFFFFE;
	[tilespmem:s14+$0x60] =	vst @!p1 v0  }
0x19c: {  	s29 =	spop (v2sf);
	v1 =	vimm.f32 @!p0 $0.0e+00;
	[tilespmem:s14+$0x70] =	vst @!p1 v0  }
0x19d: {  	p1 =	slt.u32 s29, $0xFFFFFFFE;
	[tilespmem:s14+$0x80] =	vst @!p0 v1  }
0x19e: {  	s30 =	spop (v2sf);
	v0 =	vimm.f32 @!p1 $0.0e+00;
	[tilespmem:s14+$0x90] =	vst @!p0 v1  }
0x19f: {  	p0 =	slt.u32 s30, $0xFFFFFFFE;
	[tilespmem:s14+$0xA0] =	vst @!p1 v0  }
0x1a0: {  	s31 =	spop (v2sf);
	v1 =	vimm.f32 @!p0 $0.0e+00;
	[tilespmem:s14+$0xB0] =	vst @!p1 v0  }
0x1a1: {  	p1 =	slt.u32 s31, $0xFFFFFFFE;
	[tilespmem:s14+$0xC0] =	vst @!p0 v1  }
0x1a2: {  	[tilespmem:s14+$0xD0] =	vst @!p0 v1;
	v0 =	vimm.f32 @!p1 $0.0e+00  }
0x1a3: {  	s11 =	simm.s32 $0x40;
	[tilespmem:s14+$0xE0] =	vst @!p1 v0  }
.LBB2_19:
0x1a4: {  	s1 =	sshra.s32 s11, $0x2;
	[tilespmem:s14+$0xF0] =	vst @!p1 v0  }
0x1a5: {  	v0 =	vld [tilespmem:s1+$0xC80];
	_ =	sdelay $0x4  }
0x1a6: {  	(v2sf) =	vpush v0, $0x0;
	_ =	sdelay $0x1  }
0x1a7: {  	(v2sf) =	vpush v0, $0x1;
	_ =	sdelay $0x1  }
0x1a8: {  	(v2sf) =	vpush v0, $0x2  }
0x1a9: {  	(v2sf) =	vpush v0, $0x3  }
0x1aa: {  	(v2sf) =	vpush v0, $0x4  }
0x1ab: {  	(v2sf) =	vpush v0, $0x5  }
0x1ac: {  	(v2sf) =	vpush v0, $0x6  }
0x1ad: {  	(v2sf) =	vpush v0, $0x7  }
0x1ae: {  	(v2sf) =	vpush v0, $0x8  }
0x1af: {  	(v2sf) =	vpush v0, $0x9  }
0x1b0: {  	(v2sf) =	vpush v0, $0xA  }
0x1b1: {  	(v2sf) =	vpush v0, $0xB  }
0x1b2: {  	(v2sf) =	vpush v0, $0xC  }
0x1b3: {  	s11 =	sadd.s32 $0x40, s11;
	(v2sf) =	vpush v0, $0xD;
	s24 =	spop (v2sf)  }
0x1b4: {  	p0 =	sne.s32 s11, $0x1900;
	(v2sf) =	vpush v0, $0xE;
	p1 =	slt.u32 s24, $0xFFFFFFFE  }
0x1b5: {  	s14 =	sadd.s32 $0x200, s14;
	s1 =	simm.s32 @!p0 $0x0;
	(v2sf) =	vpush v0, $0xF;
	s25 =	spop (v2sf);
	v0 =	vimm.f32 @!p1 $0.0e+00  }
0x1b6: {  	s1 =	simm.s32 @p0 $0x1;
	p0 =	slt.u32 s25, $0xFFFFFFFE;
	[tilespmem:s14+$0xFFFFFF00] =	vst @!p1 v0  }
0x1b7: {  	s26 =	spop (v2sf);
	v1 =	vimm.f32 @!p0 $0.0e+00;
	[tilespmem:s14+$0xFFFFFF10] =	vst @!p1 v0  }
0x1b8: {  	p4 =	slt.u32 s26, $0xFFFFFFFE;
	[tilespmem:s14+$0xFFFFFF20] =	vst @!p0 v1  }
0x1b9: {  	s28 =	spop (v2sf);
	v0 =	vimm.f32 @!p4 $0.0e+00;
	[tilespmem:s14+$0xFFFFFF30] =	vst @!p0 v1  }
0x1ba: {  	p3 =	slt.u32 s28, $0xFFFFFFFE;
	[tilespmem:s14+$0xFFFFFF40] =	vst @!p4 v0  }
0x1bb: {  	s29 =	spop (v2sf);
	v2 =	vimm.f32 @!p3 $0.0e+00;
	[tilespmem:s14+$0xFFFFFF50] =	vst @!p4 v0  }
0x1bc: {  	p2 =	slt.u32 s29, $0xFFFFFFFE;
	s30 =	spop (v2sf);
	[tilespmem:s14+$0xFFFFFF60] =	vst @!p3 v2  }
0x1bd: {  	v1 =	vimm.f32 @!p2 $0.0e+00;
	s31 =	spop (v2sf);
	[tilespmem:s14+$0xFFFFFF70] =	vst @!p3 v2  }
0x1be: {  	p0 =	slt.u32 s30, $0xFFFFFFFE;
	s5 =	spop (v2sf);
	[tilespmem:s14+$0xFFFFFF80] =	vst @!p2 v1  }
0x1bf: {  	v3 =	vimm.f32 @!p0 $0.0e+00;
	[tilespmem:s14+$0xFFFFFF90] =	vst @!p2 v1;
	s8 =	spop (v2sf)  }
0x1c0: {  	p1 =	slt.u32 s31, $0xFFFFFFFE;
	[tilespmem:s14+$0xFFFFFFA0] =	vst @!p0 v3;
	s9 =	spop (v2sf)  }
0x1c1: {  	v0 =	vimm.f32 @!p1 $0.0e+00;
	p4 =	slt.u32 s5, $0xFFFFFFFE;
	[tilespmem:s14+$0xFFFFFFB0] =	vst @!p0 v3;
	s18 =	spop (v2sf)  }
0x1c2: {  	[smem:$0x7F8] =	sst s1;
	s1 =	simm.s32 @!p4 $0x0;
	[tilespmem:s14+$0xFFFFFFC0] =	vst @!p1 v0;
	p5 =	slt.u32 s18, $0xFFFFFFFE  }
0x1c3: {  	[tilespmem:s14+$0xFFFFFFD0] =	vst @!p1 v0;
	s1 =	simm.s32 @p4 $0x1;
	s22 =	spop (v2sf);
	v1 =	vimm.f32 @!p5 $0.0e+00  }
0x1c4: {  	v4 =	vimm.f32 @!p4 $0.0e+00;
	p4 =	slt.u32 s8, $0xFFFFFFFE;
	p3 =	slt.u32 s9, $0xFFFFFFFE;
	p6 =	slt.u32 s22, $0xFFFFFFFE;
	[tilespmem:s14+$0x40] =	vst @!p5 v1  }
0x1c5: {  	[smem:$0x7F5] =	sst s1;
	s1 =	simm.s32 @!p4 $0x0;
	s23 =	spop (v2sf);
	v6 =	vimm.f32 @!p6 $0.0e+00;
	[tilespmem:s14+$0x50] =	vst @!p5 v1  }
0x1c6: {  	v2 =	vimm.f32 @!p4 $0.0e+00;
	s1 =	simm.s32 @p4 $0x1;
	s28 =	sld [smem:$0x7F5];
	p4 =	slt.u32 s23, $0xFFFFFFFE;
	[tilespmem:s14+$0x60] =	vst @!p6 v6  }
0x1c7: {  	[smem:$0x7F6] =	sst s1;
	s1 =	simm.s32 @!p3 $0x0;
	v3 =	vimm.f32 @!p4 $0.0e+00;
	[tilespmem:s14+$0x70] =	vst @!p6 v6  }
0x1c8: {  	s1 =	simm.s32 @p3 $0x1;
	s29 =	sld [smem:$0x7F6];
	[tilespmem:s14+$0x80] =	vst @!p4 v3  }
0x1c9: {  	[smem:$0x7F7] =	sst s1;
	p0 =	seq.s32 s28, $0x1;
	[tilespmem:s14+$0x90] =	vst @!p4 v3  }
0x1ca: {  	[tilespmem:s14+$0xFFFFFFE0] =	vst @!p0 v4;
	s30 =	sld [smem:$0x7F7]  }
0x1cb: {  	[tilespmem:s14+$0xFFFFFFF0] =	vst @!p0 v4;
	p0 =	seq.s32 s29, $0x1  }
0x1cc: {  	s31 =	sld [smem:$0x7F8];
	[tilespmem:s14+$0x0] =	vst @!p0 v2  }
0x1cd: {  	v5 =	vimm.f32 @!p3 $0.0e+00;
	s24 =	spop (v2sf);
	[tilespmem:s14+$0x10] =	vst @!p0 v2;
	p0 =	seq.s32 s30, $0x1  }
0x1ce: {  	p3 =	slt.u32 s24, $0xFFFFFFFE;
	[tilespmem:s14+$0x20] =	vst @!p0 v5  }
0x1cf: {  	s25 =	spop (v2sf);
	v7 =	vimm.f32 @!p3 $0.0e+00;
	[tilespmem:s14+$0x30] =	vst @!p0 v5;
	p0 =	seq.s32 s31, $0x1  }
.Ltmp11:
0x1d0: {  	p2 =	slt.u32 s25, $0xFFFFFFFE;
	[tilespmem:s14+$0xA0] =	vst @!p3 v7;
	(pc) =	sbr.rel @p0 .LBB2_19-.Ltmp11, $4  }
0x1d1: {  	s26 =	spop (v2sf);
	v8 =	vimm.f32 @!p2 $0.0e+00;
	[tilespmem:s14+$0xB0] =	vst @!p3 v7  }
0x1d2: {  	p1 =	slt.u32 s26, $0xFFFFFFFE;
	[tilespmem:s14+$0xC0] =	vst @!p2 v8  }
0x1d3: {  	v0 =	vimm.f32 @!p1 $0.0e+00;
	[tilespmem:s14+$0xD0] =	vst @!p2 v8  }
0x1d4: {  	[tilespmem:s14+$0xE0] =	vst @!p1 v0  }
0x1d5: {  	[tilespmem:s14+$0xF0] =	vst @!p1 v0  }
.LBB2_21:
0x1d6: {  	p0 =	seq.s32 s0, $0x7  }
.Ltmp12:
0x1d7: {  	_ = 	snop;
	(pc) =	sbr.rel @p0 .LBB2_23-.Ltmp12, $4  }
0x1d8: {  	_ = 	snop  }
0x1d9: {  	s1 =	sshll.u32 s2, $0x2;
	s30 =	rddreg [dreg:$0x1]  }
0x1da: {  	s31 =	simm.s32 $0x2580;
	s1 =	sadd.s32 s30, s1  }
0x1db: {  	[hbm4b:s1+s3] =	stream.linear.scatter [tilespmem:s31], [sflag:$0x13], $0xC800, $0x38;
	[tilespmem:$0x1B580] =	vst v63  }
0x1dc: {  	s1 =	rddreg [dreg:$0x7]  }
0x1dd: {  	s1 =	sadd.s32 s10, s1  }
.Ltmp13:
0x1de: {  	s1 =	sshrl.u32 s1, $0x3;
	(pc) =	sbr.rel .LBB2_2-.Ltmp13, $4  }
0x1df: {  	s2 =	sadd.s32 s4, s1  }
0x1e0: {  	[tilespmem:s3], [sflag:$0x1] =	stream.linear.gather [hbm4b:s2+s3], $0x640, $0x38;
	[tilespmem:$0x1B580] =	vst v63  }
0x1e1: {  	s31 =	simm.s32 $0xC80;
	s0 =	sadd.s32 $0x1, s0;
	s1 =	sadd.s32 s6, s1  }
0x1e2: {  	[tilespmem:s31], [sflag:$0x1] =	stream.linear.gather [hbm4b:s1+s3], $0x640, $0x38;
	[tilespmem:$0x1B580] =	vst v63  }
.LBB2_23:
0x1e3: {  	s0 =	simm.s32 $0xB  }
0x1e4: {  	_ =	swait.ge [sflag:s0], $0x1900  }
0x1e5: {  	[sflag:s0] =	ssyncset.done $0x0  }
0x1e6: {  	s24 =	simm.s32 $0xC;
	[sflag:s0] =	ssyncadd.s32 $0xFFFFE700  }
0x1e7: {  	_ =	swait.ge [sflag:s24], $0x1900  }
0x1e8: {  	[sflag:s24] =	ssyncset.done $0x0  }
0x1e9: {  	s25 =	simm.s32 $0xD;
	[sflag:s24] =	ssyncadd.s32 $0xFFFFE700  }
0x1ea: {  	_ =	swait.ge [sflag:s25], $0x1900  }
0x1eb: {  	[sflag:s25] =	ssyncset.done $0x0  }
0x1ec: {  	s26 =	simm.s32 $0xE;
	[sflag:s25] =	ssyncadd.s32 $0xFFFFE700  }
0x1ed: {  	_ =	swait.ge [sflag:s26], $0x1900  }
0x1ee: {  	[sflag:s26] =	ssyncset.done $0x0  }
0x1ef: {  	s28 =	simm.s32 $0xF;
	[sflag:s26] =	ssyncadd.s32 $0xFFFFE700  }
0x1f0: {  	_ =	swait.ge [sflag:s28], $0x1900  }
0x1f1: {  	[sflag:s28] =	ssyncset.done $0x0  }
0x1f2: {  	s29 =	simm.s32 $0x10;
	[sflag:s28] =	ssyncadd.s32 $0xFFFFE700  }
0x1f3: {  	_ =	swait.ge [sflag:s29], $0x1900  }
0x1f4: {  	[sflag:s29] =	ssyncset.done $0x0  }
0x1f5: {  	s30 =	simm.s32 $0x11;
	[sflag:s29] =	ssyncadd.s32 $0xFFFFE700  }
0x1f6: {  	_ =	swait.ge [sflag:s30], $0x1900  }
0x1f7: {  	[sflag:s30] =	ssyncset.done $0x0  }
0x1f8: {  	s31 =	simm.s32 $0x12;
	[sflag:s30] =	ssyncadd.s32 $0xFFFFE700  }
0x1f9: {  	_ =	swait.ge [sflag:s31], $0x1900  }
0x1fa: {  	[sflag:s31] =	ssyncset.done $0x0  }
0x1fb: {  	s1 =	simm.s32 $0x0;
	[sflag:s31] =	ssyncadd.s32 $0xFFFFE700  }
0x1fc: {  	v0 =	vimm.s32 $0x0;
	s0 =	simm.s32 $0x40;
	v1 =	vld [tilespmem:s1+$0x12C0]  }
.LBB2_24:
0x1fd: {  	p0 =	sne.s32 s0, $0x18C0  }
.Ltmp14:
0x1fe: {  	_ = 	snop;
	(pc) =	sbr.rel @p0 .LBB2_24-.Ltmp14, $3  }
0x1ff: {  	_ =	sdelay $0x1  }
0x200: {  	s1 =	sshra.s32 s0, $0x2;
	s0 =	sadd.s32 $0x40, s0;
	vm0 =	vlt.s32 v0, v1  }
0x201: {  	v0 =	vsel vm0, v0, v1;
	v1 =	vld [tilespmem:s1+$0x12C0]  }
0x202: {  	_ =	sdelay $0x3  }
0x203: {  	vm0 =	vlt.s32 v0, v1  }
0x204: {  	v0 =	vsel vm0, v0, v1  }
0x205: {  	(v2sf) =	vpush v0, $0x0  }
0x206: {  	(v2sf) =	vpush v0, $0x1  }
0x207: {  	(v2sf) =	vpush v0, $0x2  }
0x208: {  	(v2sf) =	vpush v0, $0x3  }
0x209: {  	(v2sf) =	vpush v0, $0x4  }
0x20a: {  	(v2sf) =	vpush v0, $0x5  }
0x20b: {  	(v2sf) =	vpush v0, $0x6  }
0x20c: {  	(v2sf) =	vpush v0, $0x7  }
0x20d: {  	(v2sf) =	vpush v0, $0x8  }
0x20e: {  	(v2sf) =	vpush v0, $0x9  }
0x20f: {  	(v2sf) =	vpush v0, $0xA  }
0x210: {  	(v2sf) =	vpush v0, $0xB  }
0x211: {  	(v2sf) =	vpush v0, $0xC  }
0x212: {  	(v2sf) =	vpush v0, $0xD  }
0x213: {  	(v2sf) =	vpush v0, $0xE  }
0x214: {  	s0 =	spop (v2sf);
	(v2sf) =	vpush v0, $0xF  }
0x215: {  	s1 =	spop (v2sf)  }
0x216: {  	s2 =	spop (v2sf)  }
0x217: {  	s5 =	spop (v2sf)  }
0x218: {  	s8 =	spop (v2sf)  }
0x219: {  	s9 =	spop (v2sf)  }
0x21a: {  	s10 =	spop (v2sf)  }
0x21b: {  	s11 =	spop (v2sf)  }
0x21c: {  	s14 =	spop (v2sf)  }
0x21d: {  	s18 =	spop (v2sf)  }
0x21e: {  	s22 =	spop (v2sf)  }
0x21f: {  	s23 =	spop (v2sf)  }
0x220: {  	s24 =	spop (v2sf)  }
0x221: {  	s0 =	sor.u32 s1, s0;
	s5 =	sor.u32 s5, s2;
	s25 =	spop (v2sf)  }
0x222: {  	s0 =	sor.u32 s5, s0;
	s9 =	sor.u32 s9, s8;
	s26 =	spop (v2sf)  }
0x223: {  	s11 =	sor.u32 s11, s10;
	s18 =	sor.u32 s18, s14;
	s28 =	spop (v2sf)  }
0x224: {  	s23 =	sor.u32 s23, s22;
	s25 =	sor.u32 s25, s24;
	s26 =	sor.u32 s28, s26  }
0x225: {  	s29 =	sor.u32 s23, s18;
	s28 =	sor.u32 s11, s9;
	s30 =	sor.u32 s26, s25  }
0x226: {  	s0 =	sor.u32 s28, s0;
	s31 =	sor.u32 s30, s29  }
0x227: {  	s0 =	sor.u32 s31, s0  }
0x228: {  	p0 =	sgt.s32 s0, $0xFFFFFFFF  }
.Ltmp15:
0x229: {  	_ = 	snop;
	(pc) =	sbr.rel @p0 .LBB2_29-.Ltmp15, $2  }
0x22a: {  	_ =	sdelay $0x2  }
0x22b: {  	s2 =	rddreg [dreg:$0xa]  }
0x22c: {  	s0 =	simm.s32 $0x0  }
0x22d: {  	v0 =	vld [tilespmem:s0+$0x12C0];
	_ =	sdelay $0x4  }
0x22e: {  	(v2sf) =	vpush v0, $0x0;
	_ =	sdelay $0x1  }
0x22f: {  	(v2sf) =	vpush v0, $0x1;
	_ =	sdelay $0x1  }
0x230: {  	(v2sf) =	vpush v0, $0x2;
	_ =	sdelay $0x1  }
0x231: {  	(v2sf) =	vpush v0, $0x3;
	_ =	sdelay $0x1  }
0x232: {  	(v2sf) =	vpush v0, $0x4;
	_ =	sdelay $0x1  }
0x233: {  	(v2sf) =	vpush v0, $0x5;
	_ =	sdelay $0x1  }
0x234: {  	(v2sf) =	vpush v0, $0x6;
	_ =	sdelay $0x1  }
0x235: {  	(v2sf) =	vpush v0, $0x7  }
0x236: {  	s8 =	spop (v2sf)  }
0x237: {  	(v2sf) =	vpush v0, $0x8;
	p0 =	slt.u32 s8, $0xFFFFFFFE  }
0x238: {  	s0 =	simm.s32 $0xEE80;
	s1 =	spop (v2sf);
	v1 =	vimm.f32 @!p0 $0.0e+00  }
0x239: {  	(v2sf) =	vpush v0, $0x9;
	p1 =	slt.u32 s1, $0xFFFFFFFE;
	[tilespmem:s0+$0xFFFFFF00] =	vst @!p0 v1  }
0x23a: {  	s9 =	spop (v2sf);
	v2 =	vimm.f32 @!p1 $0.0e+00;
	[tilespmem:s0+$0xFFFFFF10] =	vst @!p0 v1  }
0x23b: {  	(v2sf) =	vpush v0, $0xA;
	p0 =	slt.u32 s9, $0xFFFFFFFE;
	[tilespmem:s0+$0xFFFFFF20] =	vst @!p1 v2  }
0x23c: {  	s10 =	spop (v2sf);
	v1 =	vimm.f32 @!p0 $0.0e+00;
	[tilespmem:s0+$0xFFFFFF30] =	vst @!p1 v2  }
0x23d: {  	(v2sf) =	vpush v0, $0xB;
	p1 =	slt.u32 s10, $0xFFFFFFFE;
	[tilespmem:s0+$0xFFFFFF40] =	vst @!p0 v1  }
0x23e: {  	s11 =	spop (v2sf);
	v2 =	vimm.f32 @!p1 $0.0e+00;
	[tilespmem:s0+$0xFFFFFF50] =	vst @!p0 v1  }
0x23f: {  	(v2sf) =	vpush v0, $0xC;
	p0 =	slt.u32 s11, $0xFFFFFFFE;
	[tilespmem:s0+$0xFFFFFF60] =	vst @!p1 v2  }
0x240: {  	s14 =	spop (v2sf);
	v1 =	vimm.f32 @!p0 $0.0e+00;
	[tilespmem:s0+$0xFFFFFF70] =	vst @!p1 v2  }
0x241: {  	(v2sf) =	vpush v0, $0xD;
	p1 =	slt.u32 s14, $0xFFFFFFFE;
	[tilespmem:s0+$0xFFFFFF80] =	vst @!p0 v1  }
0x242: {  	s18 =	spop (v2sf);
	v2 =	vimm.f32 @!p1 $0.0e+00;
	[tilespmem:s0+$0xFFFFFF90] =	vst @!p0 v1  }
0x243: {  	(v2sf) =	vpush v0, $0xE;
	p0 =	slt.u32 s18, $0xFFFFFFFE;
	[tilespmem:s0+$0xFFFFFFA0] =	vst @!p1 v2  }
0x244: {  	s22 =	spop (v2sf);
	v1 =	vimm.f32 @!p0 $0.0e+00;
	[tilespmem:s0+$0xFFFFFFB0] =	vst @!p1 v2  }
0x245: {  	(v2sf) =	vpush v0, $0xF;
	p1 =	slt.u32 s22, $0xFFFFFFFE;
	[tilespmem:s0+$0xFFFFFFC0] =	vst @!p0 v1  }
0x246: {  	v0 =	vimm.f32 @!p1 $0.0e+00;
	[tilespmem:s0+$0xFFFFFFD0] =	vst @!p0 v1;
	s23 =	spop (v2sf)  }
0x247: {  	[tilespmem:s0+$0xFFFFFFE0] =	vst @!p1 v0;
	p0 =	slt.u32 s23, $0xFFFFFFFE  }
0x248: {  	[tilespmem:s0+$0xFFFFFFF0] =	vst @!p1 v0;
	s24 =	spop (v2sf);
	v1 =	vimm.f32 @!p0 $0.0e+00  }
0x249: {  	p1 =	slt.u32 s24, $0xFFFFFFFE;
	[tilespmem:s0+$0x0] =	vst @!p0 v1  }
0x24a: {  	s25 =	spop (v2sf);
	v0 =	vimm.f32 @!p1 $0.0e+00;
	[tilespmem:s0+$0x10] =	vst @!p0 v1  }
0x24b: {  	p0 =	slt.u32 s25, $0xFFFFFFFE;
	[tilespmem:s0+$0x20] =	vst @!p1 v0  }
0x24c: {  	s26 =	spop (v2sf);
	v1 =	vimm.f32 @!p0 $0.0e+00;
	[tilespmem:s0+$0x30] =	vst @!p1 v0  }
0x24d: {  	p1 =	slt.u32 s26, $0xFFFFFFFE;
	[tilespmem:s0+$0x40] =	vst @!p0 v1  }
0x24e: {  	s28 =	spop (v2sf);
	v0 =	vimm.f32 @!p1 $0.0e+00;
	[tilespmem:s0+$0x50] =	vst @!p0 v1  }
0x24f: {  	p0 =	slt.u32 s28, $0xFFFFFFFE;
	[tilespmem:s0+$0x60] =	vst @!p1 v0  }
0x250: {  	s29 =	spop (v2sf);
	v1 =	vimm.f32 @!p0 $0.0e+00;
	[tilespmem:s0+$0x70] =	vst @!p1 v0  }
0x251: {  	p1 =	slt.u32 s29, $0xFFFFFFFE;
	[tilespmem:s0+$0x80] =	vst @!p0 v1  }
0x252: {  	s30 =	spop (v2sf);
	v0 =	vimm.f32 @!p1 $0.0e+00;
	[tilespmem:s0+$0x90] =	vst @!p0 v1  }
0x253: {  	p0 =	slt.u32 s30, $0xFFFFFFFE;
	[tilespmem:s0+$0xA0] =	vst @!p1 v0  }
0x254: {  	s31 =	spop (v2sf);
	v1 =	vimm.f32 @!p0 $0.0e+00;
	[tilespmem:s0+$0xB0] =	vst @!p1 v0  }
0x255: {  	p1 =	slt.u32 s31, $0xFFFFFFFE;
	[tilespmem:s0+$0xC0] =	vst @!p0 v1  }
0x256: {  	[tilespmem:s0+$0xD0] =	vst @!p0 v1;
	v0 =	vimm.f32 @!p1 $0.0e+00  }
0x257: {  	s2 =	simm.s32 $0x40;
	[tilespmem:s0+$0xE0] =	vst @!p1 v0  }
.LBB2_27:
0x258: {  	s1 =	sshra.s32 s2, $0x2;
	[tilespmem:s0+$0xF0] =	vst @!p1 v0  }
0x259: {  	v0 =	vld [tilespmem:s1+$0x12C0];
	_ =	sdelay $0x4  }
0x25a: {  	(v2sf) =	vpush v0, $0x0;
	_ =	sdelay $0x1  }
0x25b: {  	(v2sf) =	vpush v0, $0x1;
	_ =	sdelay $0x1  }
0x25c: {  	(v2sf) =	vpush v0, $0x2  }
0x25d: {  	(v2sf) =	vpush v0, $0x3  }
0x25e: {  	(v2sf) =	vpush v0, $0x4  }
0x25f: {  	(v2sf) =	vpush v0, $0x5  }
0x260: {  	(v2sf) =	vpush v0, $0x6  }
0x261: {  	(v2sf) =	vpush v0, $0x7  }
0x262: {  	(v2sf) =	vpush v0, $0x8  }
0x263: {  	(v2sf) =	vpush v0, $0x9  }
0x264: {  	(v2sf) =	vpush v0, $0xA  }
0x265: {  	(v2sf) =	vpush v0, $0xB  }
0x266: {  	(v2sf) =	vpush v0, $0xC  }
0x267: {  	s2 =	sadd.s32 $0x40, s2;
	(v2sf) =	vpush v0, $0xD;
	s28 =	spop (v2sf)  }
0x268: {  	p0 =	sne.s32 s2, $0x1900;
	(v2sf) =	vpush v0, $0xE;
	p1 =	slt.u32 s28, $0xFFFFFFFE  }
0x269: {  	s0 =	sadd.s32 $0x200, s0;
	s1 =	simm.s32 @!p0 $0x0;
	(v2sf) =	vpush v0, $0xF;
	s29 =	spop (v2sf);
	v0 =	vimm.f32 @!p1 $0.0e+00  }
0x26a: {  	s1 =	simm.s32 @p0 $0x1;
	p0 =	slt.u32 s29, $0xFFFFFFFE;
	[tilespmem:s0+$0xFFFFFF00] =	vst @!p1 v0  }
0x26b: {  	s30 =	spop (v2sf);
	v1 =	vimm.f32 @!p0 $0.0e+00;
	[tilespmem:s0+$0xFFFFFF10] =	vst @!p1 v0  }
0x26c: {  	p4 =	slt.u32 s30, $0xFFFFFFFE;
	[tilespmem:s0+$0xFFFFFF20] =	vst @!p0 v1  }
0x26d: {  	s31 =	spop (v2sf);
	v0 =	vimm.f32 @!p4 $0.0e+00;
	[tilespmem:s0+$0xFFFFFF30] =	vst @!p0 v1  }
0x26e: {  	p3 =	slt.u32 s31, $0xFFFFFFFE;
	[tilespmem:s0+$0xFFFFFF40] =	vst @!p4 v0  }
0x26f: {  	s5 =	spop (v2sf);
	v2 =	vimm.f32 @!p3 $0.0e+00;
	[tilespmem:s0+$0xFFFFFF50] =	vst @!p4 v0  }
0x270: {  	p2 =	slt.u32 s5, $0xFFFFFFFE;
	s8 =	spop (v2sf);
	[tilespmem:s0+$0xFFFFFF60] =	vst @!p3 v2  }
0x271: {  	v1 =	vimm.f32 @!p2 $0.0e+00;
	s9 =	spop (v2sf);
	[tilespmem:s0+$0xFFFFFF70] =	vst @!p3 v2  }
0x272: {  	p0 =	slt.u32 s8, $0xFFFFFFFE;
	s10 =	spop (v2sf);
	[tilespmem:s0+$0xFFFFFF80] =	vst @!p2 v1  }
0x273: {  	v3 =	vimm.f32 @!p0 $0.0e+00;
	[tilespmem:s0+$0xFFFFFF90] =	vst @!p2 v1;
	s11 =	spop (v2sf)  }
0x274: {  	p1 =	slt.u32 s9, $0xFFFFFFFE;
	[tilespmem:s0+$0xFFFFFFA0] =	vst @!p0 v3;
	s14 =	spop (v2sf)  }
0x275: {  	v0 =	vimm.f32 @!p1 $0.0e+00;
	p4 =	slt.u32 s10, $0xFFFFFFFE;
	[tilespmem:s0+$0xFFFFFFB0] =	vst @!p0 v3;
	s18 =	spop (v2sf)  }
0x276: {  	[smem:$0x7F4] =	sst s1;
	s1 =	simm.s32 @!p4 $0x0;
	[tilespmem:s0+$0xFFFFFFC0] =	vst @!p1 v0;
	p5 =	slt.u32 s18, $0xFFFFFFFE  }
0x277: {  	[tilespmem:s0+$0xFFFFFFD0] =	vst @!p1 v0;
	s1 =	simm.s32 @p4 $0x1;
	s22 =	spop (v2sf);
	v1 =	vimm.f32 @!p5 $0.0e+00  }
0x278: {  	v4 =	vimm.f32 @!p4 $0.0e+00;
	p4 =	slt.u32 s11, $0xFFFFFFFE;
	p3 =	slt.u32 s14, $0xFFFFFFFE;
	p6 =	slt.u32 s22, $0xFFFFFFFE;
	[tilespmem:s0+$0x40] =	vst @!p5 v1  }
0x279: {  	[smem:$0x7F1] =	sst s1;
	s1 =	simm.s32 @!p4 $0x0;
	s23 =	spop (v2sf);
	v6 =	vimm.f32 @!p6 $0.0e+00;
	[tilespmem:s0+$0x50] =	vst @!p5 v1  }
0x27a: {  	v2 =	vimm.f32 @!p4 $0.0e+00;
	s1 =	simm.s32 @p4 $0x1;
	s28 =	sld [smem:$0x7F1];
	p4 =	slt.u32 s23, $0xFFFFFFFE;
	[tilespmem:s0+$0x60] =	vst @!p6 v6  }
0x27b: {  	[smem:$0x7F2] =	sst s1;
	s1 =	simm.s32 @!p3 $0x0;
	v3 =	vimm.f32 @!p4 $0.0e+00;
	[tilespmem:s0+$0x70] =	vst @!p6 v6  }
0x27c: {  	s1 =	simm.s32 @p3 $0x1;
	s29 =	sld [smem:$0x7F2];
	[tilespmem:s0+$0x80] =	vst @!p4 v3  }
0x27d: {  	[smem:$0x7F3] =	sst s1;
	p0 =	seq.s32 s28, $0x1;
	[tilespmem:s0+$0x90] =	vst @!p4 v3  }
0x27e: {  	[tilespmem:s0+$0xFFFFFFE0] =	vst @!p0 v4;
	s30 =	sld [smem:$0x7F3]  }
0x27f: {  	[tilespmem:s0+$0xFFFFFFF0] =	vst @!p0 v4;
	p0 =	seq.s32 s29, $0x1  }
0x280: {  	s31 =	sld [smem:$0x7F4];
	[tilespmem:s0+$0x0] =	vst @!p0 v2  }
0x281: {  	v5 =	vimm.f32 @!p3 $0.0e+00;
	s24 =	spop (v2sf);
	[tilespmem:s0+$0x10] =	vst @!p0 v2;
	p0 =	seq.s32 s30, $0x1  }
0x282: {  	p3 =	slt.u32 s24, $0xFFFFFFFE;
	[tilespmem:s0+$0x20] =	vst @!p0 v5  }
0x283: {  	s25 =	spop (v2sf);
	v7 =	vimm.f32 @!p3 $0.0e+00;
	[tilespmem:s0+$0x30] =	vst @!p0 v5;
	p0 =	seq.s32 s31, $0x1  }
.Ltmp16:
0x284: {  	p2 =	slt.u32 s25, $0xFFFFFFFE;
	[tilespmem:s0+$0xA0] =	vst @!p3 v7;
	(pc) =	sbr.rel @p0 .LBB2_27-.Ltmp16, $4  }
0x285: {  	s26 =	spop (v2sf);
	v8 =	vimm.f32 @!p2 $0.0e+00;
	[tilespmem:s0+$0xB0] =	vst @!p3 v7  }
0x286: {  	p1 =	slt.u32 s26, $0xFFFFFFFE;
	[tilespmem:s0+$0xC0] =	vst @!p2 v8  }
0x287: {  	v0 =	vimm.f32 @!p1 $0.0e+00;
	[tilespmem:s0+$0xD0] =	vst @!p2 v8  }
0x288: {  	[tilespmem:s0+$0xE0] =	vst @!p1 v0  }
.Ltmp17:
0x289: {  	(pc) =	sbr.rel .LBB2_29-.Ltmp17, $2  }
0x28a: {  	_ =	sdelay $0x2  }
0x28b: {  	[tilespmem:s0+$0xF0] =	vst @!p1 v0;
	s2 =	rddreg [dreg:$0xa]  }
.LBB2_30:
0x28c: {  	_ =	sfence.sel $0x180000  }
0x28d: {  	[bflag:$0x0] =	sbarrier.arrive $0xFFFF  }
0x28e: {  	_ =	strace $0x90000047  }
0x28f: {  	s0 =	stileid.u32;
	[bflag:$0x2] =	sbarrier.arrive $0xFFFF  }
0x290: {  	p0 =	sne.s32 s0, $0x0;
	s0 =	rddreg [dreg:$0x2]  }
0x291: {  	s0 =	sadd.s32 @!p0 $0x100000, s0  }
0x292: {  	[sflag:s0] =	ssyncadd.tile.s32 @!p0 $0x1;
	_ =	shalt  }
.Lfunc_end2:
_tile_overlayer_lowered:
.L_overlay_start_2:
0x293: {  	(tag) =	ssettag $0x2  }
0x294: {  	s0 =	rddreg [dreg:$0x0];
	s2 =	stileid.u32  }
0x295: {  	s1 =	rddreg [dreg:$0x1];
	p0 =	sne.s32 s2, $0x0  }
0x296: {  	s3 =	rddreg [dreg:$0x2];
	[bflag:$0x3] =	sbarrier.arrive $0xFFFF;
	s2 =	simm.s32 @!p0 $0x1C15  }
0x297: {  	[timem:s3], [sflag:s2] =	dma.local @!p0 [hbm:s0], s1  }
0x298: {  	s0 =	simm.s32 @!p0 $0x15  }
0x299: {  	_ =	swait.ge @!p0 [sflag:s0], s1  }
0x29a: {  	s1 =	ssub.s32 @!p0 $0x0, s1;
	[sflag:s0] =	ssyncset.done @!p0 $0x0  }
0x29b: {  	[sflag:s0] =	ssyncadd.s32 @!p0 s1  }
0x29c: {  	[bflag:$0x3] =	sbarrier.arrive $0xFFFF  }
0x29d: {  	_ =	shalt  }

// kernel: sparse-core-data-format-call.cloned.1.call-start
scs
called_computation_lowered:
.L_overlay_start_0:
0x0: {  	s2 =	sld [smem:$0x3FD9]  }
0x1: {  	s3 =	sld [smem:$0x3FFE];
	_ =	sdelay $0x1  }
0x2: {  	s1 =	srdreg.scid  }
0x3: {  	s0 =	sand.u32 $0x1, s1  }
0x4: {  	s18 =	sshll.u32 s0, $0xA;
	s2 =	sadd.s32 s3, s2  }
0x5: {  	s2 =	sadd.s32 s2, s18  }
0x6: {  	[smem:$0x3FC5] =	sst s2  }
0x7: {  	_ = 	snop  }
0x8: {  	s2 =	sld [smem:$0x3FD0];
	(tm) =	ssettm $0x1  }
0x9: {  	s19 =	sld [smem:$0x3FFB];
	_ =	sdelay $0x3  }
0xa: {  	_ =	strace s19  }
0xb: {  	s3 =	sld [smem:$0x3FFC];
	_ =	sdelay $0x3  }
0xc: {  	_ =	strace s3  }
0xd: {  	s3 =	sld [smem:$0x3FFD];
	_ =	sdelay $0x3  }
0xe: {  	_ =	strace s3  }
0xf: {  	_ =	strace $0x8FFFFFFF  }
0x10: {  	s20 =	sld [smem:$0x3FDB];
	_ =	sdelay $0x1  }
0x11: {  	s4 =	simm.s32 $_scs_section_size  }
0x12: {  	s5 =	simm.s32 $_size__tile_overlayer_lowered;
	s6 =	simm.s32 $_tile_overlayer_lowered  }
0x13: {  	s23 =	simm.s32 $0x1BFF;
	s22 =	sshll.u32 s6, $0x1;
	s3 =	sadd.s32 s4, s20  }
0x14: {  	s7 =	simm.s32 $0x0;
	s21 =	sshll.u32 s5, $0x1;
	s5 =	sadd.s32 s22, s3  }
0x15: {  	[timem:s7], [sflag:s23] =	dma.local [hbm:s5], s21  }
0x16: {  	_ =	swait.ge [sflag:s23], s21  }
0x17: {  	s4 =	ssub.s32 $0x0, s21;
	[sflag:s23] =	ssyncset.done $0x0  }
0x18: {  	[sflag:s23] =	ssyncadd.s32 s4;
	_ =	sdelay $0x1  }
0x19: {  	s24 =	simm.s32 $0x1B8B  }
0x1a: {  	_ =	swait.ge [sflag:s24], $0x1  }
0x1b: {  	[sflag:s24] =	ssyncset.done $0x0  }
0x1c: {  	s26 =	simm.s32 $0x1B8E;
	s25 =	sld [smem:$0x3FFE];
	[sflag:s24] =	ssyncadd.s32 $0xFFFFFFFF  }
0x1d: {  	s27 =	simm.s32 $execute0_lowered;
	[smem:$0x3FD2] =	sst s26  }
0x1e: {  	s5 =	sshll.u32 s27, $0x1;
	_ =	strace $0x80000049;
	[dreg:$0x1] =	wrdreg $0xFFFFFFFF  }
0x1f: {  	s28 =	simm.s32 $_size_execute0_lowered;
	s3 =	sadd.s32 s3, s5;
	[dreg:$0x0] =	wrdreg $0x0  }
0x20: {  	s5 =	sshll.u32 s28, $0x1;
	[dreg:$0x2] =	wrdreg s3  }
0x21: {  	[dreg:$0x3] =	wrdreg s5  }
0x22: {  	[dreg:$0x4] =	wrdreg $0xC0  }
0x23: {  	_ =	task [dreg:s7], $0x5FFFF  }
0x24: {  	[dreg:$0x1] =	wrdreg $0xFFFFFFFF  }
0x25: {  	[dreg:$0x0] =	wrdreg $0x60  }
0x26: {  	[dreg:$0x2] =	wrdreg s25  }
0x27: {  	[dreg:$0x3] =	wrdreg s2  }
0x28: {  	[dreg:$0x4] =	wrdreg $0x9  }
0x29: {  	_ =	task.clear_ibuf [dreg:s7], $0x5FFFF;
	_ =	strace $0x90000049  }
0x2a: {  	s29 =	simm.s32 $0x9;
	_ =	strace $0x8000004B  }
0x2b: {  	_ =	swait.ge [sflag:s29], $0x1  }
0x2c: {  	[sflag:s29] =	ssyncadd.s32 $0xFFFFFFFF  }
0x2d: {  	_ =	strace $0x9000004B  }
0x2e: {  	_ =	sfence  }
0x2f: {  	s30 =	sld [smem:$0x0];
	_ =	sdelay $0x2  }
0x30: {  	s31 =	sshll.u32 s1, $0xD;
	s1 =	sshrl.u32 s1, $0x2  }
0x31: {  	s3 =	sand.u32 $0x4000, s31;
	s1 =	sadd.s32 s1, s30  }
0x32: {  	s0 =	sor.u32 s3, s0;
	s1 =	sshll.u32 s1, $0x11  }
0x33: {  	s0 =	sor.u32 s1, s0  }
0x34: {  	s0 =	sadd.s32 $0x8F2B, s0  }
0x35: {  	[sflag:s0] =	ssyncadd.remote.s32 $0x1  }
0x36: {  	_ =	sfence.sel $0xFFFF  }
0x37: {  	[dreg:$0x0] =	wrdreg $0xFFFFFFFF;
	(pc) =	sbr.abs _section_cstart, $3  }
0x38: {  	[dreg:$0x1] =	wrdreg $0xFFFFFFFF  }
0x39: {  	_ =	task.clear_ibuf [dreg:s7], $0x2FFFF;
	_ =	strace $0x9FFFFFFF  }
0x3a: {  	(tm) =	ssettm $0x7FFFFFFF  }
0x3b: {  	_ =	shalt  }
tec
execute0_lowered:
.L_overlay_start_1:
0x0: {  	(tag) =	ssettag $0x1  }
0x1: {  	s0 =	srdreg.scid  }
0x2: {  	s1 =	sshll.u32 s0, $0x4  }
0x3: {  	s0 =	stileid.u32;
	s1 =	sand.u32 $0x10, s1  }
0x4: {  	s1 =	sor.u32 s0, s1  }
0x5: {  	s6 =	rddreg [dreg:$0x0];
	s4 =	simm.s32 $0x1;
	s2 =	sshll.u32 s1, $0x7  }
0x6: {  	s7 =	simm.s32 $0x2;
	s12 =	simm.s32 $0x0;
	s1 =	ssub.s32 $0x1000, s2  }
0x7: {  	s8 =	simm.s32 $0x8000;
	s13 =	simm.s32 $0x0;
	s3 =	sand.u32 $0xF80, s1  }
0x8: {  	s9 =	simm.s32 $0x0;
	s5 =	sshrl.u32 s1, $0xC;
	p0 =	sne.s32 s3, $0x0  }
.Ltmp0:
0x9: {  	s1 =	rddreg [dreg:$0x2];
	s4 =	simm.s32 @!p0 $0x0;
	(pc) =	sbr.rel .LBB1_1-.Ltmp0, $4  }
0xa: {  	s11 =	simm.s32 $0x0;
	s3 =	rddreg [dreg:$0x1];
	s5 =	sadd.s32 s4, s5  }
0xb: {  	_ =	strace $0x8000004A;
	s4 =	simm.s32 $0x1;
	s5 =	smul.u32 $0xC8, s5  }
0xc: {  	s6 =	sadd.s32 $0xC00, s6;
	s10 =	smov.u32 s2;
	[sflag:s4] =	ssyncpa.u1 $0x0  }
0xd: {  	p0 =	por $0x0, $0x0;
	[sflag:s7] =	ssyncpa.u1 $0x0;
	s7 =	sor.u32 $0x1, s5  }
.LBB1_4:
0xe: {  	s16 =	sshll.u32 s13, $0x3;
	s17 =	sand.u32 $0x78, s13  }
0xf: {  	s30 =	sand.u32 $0x3E00, s13;
	s12 =	sshll.u32 s12, $0xE;
	s16 =	sand.u32 $0xC00, s16  }
0x10: {  	s31 =	sand.u32 $0x7, s13;
	s16 =	sor.u32 s17, s16;
	s17 =	sadd.s32 s3, s30  }
0x11: {  	s13 =	sshll.u32 s31, $0x12;
	s16 =	sshrl.u32 s16, $0x3;
	s12 =	sadd.s32 s12, s17  }
0x12: {  	[tilespmem:s15+$0x0 ss:$0x81] =	vst.msk $0xffff, v0;
	s13 =	sor.u32 $0x400, s13;
	s12 =	sadd.s32 s16, s12  }
0x13: {  	[hbm4b:s12+s13] =	stream.strided.scatter [tilespmem:s14], [sflag:$0x2], $0x1000, s8, s13, $0x20;
	[tilespmem:$0x4040] =	vst v63  }
.LBB1_5:
0x14: {  	s14 =	sadd.s32 $0x1, s9  }
0x15: {  	s12 =	sadd.s32 $0x1000, s10;
	s16 =	smov.u32 s10;
	p2 =	sgt.s32 s14, $0xC7  }
0x16: {  	s16 =	smov.u32 @p2 s12  }
0x17: {  	s14 =	simm.s32 @p2 $0x0;
	p2 =	sgt.s32 s16, $0xFFF  }
0x18: {  	s16 =	smov.u32 @p2 s2;
	p2 =	sne.s32 s11, s7  }
.Ltmp1:
0x19: {  	p1 =	slt.u32 s11, $0x2;
	(pc) =	sbr.rel @!p2 .LBB1_6-.Ltmp1, $4  }
0x1a: {  	s15 =	simm.s32 @!p1 $0x2  }
0x1b: {  	s13 =	smov.u32 s10;
	p0 =	por !p0, !p0;
	_ =	swait.ge @!p1 [sflag:s15], $0x1000  }
0x1c: {  	s12 =	smov.u32 s9;
	[sflag:s15] =	ssyncset.done @!p1 $0x0;
	s9 =	smov.u32 s14  }
0x1d: {  	s11 =	sadd.s32 $0x1, s11;
	[sflag:s15] =	ssyncadd.s32 @!p1 $0xFFFFF000;
	s10 =	smov.u32 s16  }
.LBB1_1:
0x1e: {  	p1 =	sge.u32 s11, s5  }
0x1f: {  	s14 =	sand.u32 @!p1 $0x1FFFFFF, s9  }
0x20: {  	s15 =	smulhi.u32 @!p1 $0x147AE15, s14;
	_ =	sdelay $0x1  }
0x21: {  	s15 =	smul.u32 @!p1 $0xC8, s15  }
0x22: {  	s16 =	sxor.u32 @!p1 $0xFFFFFFFF, s11;
	s17 =	smul.u32 @!p1 $0xC80, s10  }
0x23: {  	s31 =	sadd.s32 $0xFFFFFFFF, s11;
	s16 =	sshll.u32 @!p1 s16, $0xC;
	s14 =	ssub.s32 @!p1 s14, s15  }
0x24: {  	s15 =	sand.u32 @!p1 $0x1000, s16;
	s16 =	sadd.s32 @!p1 s6, s17;
	s14 =	sshll.u32 @!p1 s14, $0x4  }
0x25: {  	s17 =	simm.s32 @!p1 $0x6400;
	s14 =	sadd.s32 @!p1 s14, s16;
	s16 =	simm.s32 @!p1 $0x20  }
0x26: {  	[tilespmem:s15], [sflag:$0x1] =	stream.strided.gather @!p1 [hbm4b:s14+s16], $0x1000, s17, s16, $0x38;
	[tilespmem:$0x4040] =	vst v63  }
0x27: {  	p1 =	sge.u32 s31, s5  }
.Ltmp2:
0x28: {  	_ = 	snop;
	(pc) =	sbr.rel @p1 .LBB1_5-.Ltmp2, $1  }
0x29: {  	_ =	sdelay $0x3  }
0x2a: {  	s14 =	simm.s32 $0x1  }
0x2b: {  	_ =	swait.ge [sflag:s4], $0x1000;
	s14 =	simm.s32 @!p0 $0x0  }
0x2c: {  	[sflag:s4] =	ssyncset.done $0x0;
	s15 =	sshll.u32 s14, $0xC  }
0x2d: {  	[sflag:s4] =	ssyncadd.s32 $0xFFFFF000;
	s18 =	sor.u32 $0x10, s15  }
0x2e: {  	s14 =	smul.u32 $0x4080, s14;
	v1 =	vld [tilespmem:s18+$0x0]  }
0x2f: {  	s30 =	sand.u32 $0x1, s11;
	v0 =	vld [tilespmem:s18+$0xFFFFFFF0]  }
0x30: {  	s15 =	smul.u32 $0x4080, s30;
	s14 =	sshrl.u32 s14, $0x2  }
0x31: {  	s16 =	sor.u32 $0x2000, s14  }
0x32: {  	s31 =	sshrl.u32 s15, $0x2;
	s15 =	sadd.s32 $0x0, s16  }
0x33: {  	s17 =	simm.s32 $0x4;
	s18 =	sadd.s32 $0x20, s18;
	s14 =	sor.u32 $0x2000, s31;
	[tilespmem:s15+$0x810 ss:$0x81] =	vst.msk $0xffff, v1  }
.LBB1_3:
0x34: {  	v1 =	vld [tilespmem:s18+$0x0];
	p1 =	sne.s32 s17, $0x1FC;
	[tilespmem:s15+$0x0 ss:$0x81] =	vst.msk $0xffff, v0;
	s15 =	smov.u32 s17;
	s17 =	sadd.s32 $0x4, s17  }
.Ltmp3:
0x35: {  	v0 =	vld [tilespmem:s18+$0xFFFFFFF0];
	(pc) =	sbr.rel @p1 .LBB1_3-.Ltmp3, $4  }
0x36: {  	_ = 	snop  }
0x37: {  	s15 =	sshra.s32 s15, $0x2  }
0x38: {  	s15 =	sadd.s32 s15, s16  }
0x39: {  	s18 =	sadd.s32 $0x20, s18;
	[tilespmem:s15+$0x810 ss:$0x81] =	vst.msk $0xffff, v1  }
.Ltmp4:
0x3a: {  	_ = 	snop;
	(pc) =	sbr.rel .LBB1_4-.Ltmp4, $1  }
0x3b: {  	_ =	sdelay $0x3  }
.LBB1_6:
0x3c: {  	_ =	sfence.sel $0x180000  }
0x3d: {  	s2 =	simm.s32 $0x1;
	[bflag:$0x0] =	sbarrier.arrive $0xFFFF  }
0x3e: {  	s31 =	simm.s32 $0x2;
	[sflag:s2] =	ssyncpa.u1 $0x1  }
0x3f: {  	[sflag:s31] =	ssyncpa.u1 $0x1  }
0x40: {  	p0 =	sne.s32 s0, $0x0;
	_ =	strace $0x9000004A  }
0x41: {  	s0 =	sadd.s32 @!p0 $0x100000, s1;
	[bflag:$0x2] =	sbarrier.arrive $0xFFFF  }
0x42: {  	[sflag:s0] =	ssyncadd.tile.s32 @!p0 $0x1;
	_ =	shalt  }
.Lfunc_end1:
_tile_overlayer_lowered:
.L_overlay_start_2:
0x43: {  	(tag) =	ssettag $0x2  }
0x44: {  	s0 =	rddreg [dreg:$0x0];
	s2 =	stileid.u32  }
0x45: {  	s1 =	rddreg [dreg:$0x1];
	p0 =	sne.s32 s2, $0x0  }
0x46: {  	s3 =	rddreg [dreg:$0x2];
	[bflag:$0x3] =	sbarrier.arrive $0xFFFF;
	s2 =	simm.s32 @!p0 $0x1C01  }
0x47: {  	[timem:s3], [sflag:s2] =	dma.local @!p0 [hbm:s0], s1  }
0x48: {  	s0 =	simm.s32 @!p0 $0x1  }
0x49: {  	_ =	swait.ge @!p0 [sflag:s0], s1  }
0x4a: {  	s1 =	ssub.s32 @!p0 $0x0, s1;
	[sflag:s0] =	ssyncset.done @!p0 $0x0  }
0x4b: {  	[sflag:s0] =	ssyncadd.s32 @!p0 s1  }
0x4c: {  	[bflag:$0x3] =	sbarrier.arrive $0xFFFF  }
0x4d: {  	_ =	shalt  }

</sc_bundles>
